<compile_context>
chip_gen: v7x
topology: tpu7x:2x2x1
jax: 0.10.2.dev20260603
libtpu: 0.0.44.dev20260713+nightly
codegen_flags: <defaults>
</compile_context>

<pallas_src>
import functools

import jax
import jax.numpy as jnp
from jax import lax
from jax.experimental import pallas as pl
from jax.experimental.pallas import tpu as pltpu
from jax.experimental.pallas import tpu_sc as plsc

B = 16384
D = 16
NC = 2
NS = 16
NW = NC * NS
BPW = B // NW

RATING_MIN = 1.0
RATING_MAX = 5.0


RB = 6


def _gather_body(user_hbm, item_hbm, umlp_hbm, imlp_hbm, umf_hbm, imf_hbm,
                 out_hbm, uidx, iidx, stage, rbufs, sems):
    wid = lax.axis_index("s") * NC + lax.axis_index("c")
    base = wid * BPW
    pltpu.sync_copy(user_hbm.at[pl.ds(base, BPW)], uidx.at[pl.ds(0, BPW)])
    pltpu.sync_copy(item_hbm.at[pl.ds(base, BPW)], iidx.at[pl.ds(0, BPW)])
    iota = lax.iota(jnp.int32, 16)

    tables = (
        (umlp_hbm, uidx),
        (imlp_hbm, iidx),
        (umf_hbm, uidx),
        (imf_hbm, iidx),
    )

    def fire(t, e, k):
        table, idx_ref = tables[t]
        i = idx_ref[pl.ds(e, 16)][0]
        col = pl.multiple_of(lax.shift_right_logical(i, 7) * 128, 128)
        pltpu.async_copy(table.at[:, pl.ds(col, 128)], rbufs[k], sems[k])

    def wait(k):
        pltpu.make_async_copy(
            tables[0][0].at[:, pl.ds(0, 128)], rbufs[k], sems[k]).wait()

    def extract(t, e, k):
        _, idx_ref = tables[t]
        i = idx_ref[pl.ds(e, 16)][0]
        lane = jnp.broadcast_to(jnp.bitwise_and(i, 127), (16,))
        vals = plsc.load_gather(rbufs[k], [iota, lane])
        plsc.store_scatter(
            stage, [iota + t * D, jnp.broadcast_to(e, (16,))], vals)

    for k in range(RB):
        fire(0, k, k)

    for t in range(4):
        def group(g, _, t=t):
            for k in range(RB):
                e = g * RB + k
                wait(k)
                extract(t, e, k)
                fire(t, e + RB, k)
            return ()

        lax.fori_loop(0, BPW // RB - 1, group, (), unroll=False)
        for k in range(RB):
            e = BPW - RB + k
            wait(k)
            extract(t, e, k)
            if t + 1 < 4:
                fire(t + 1, k, k)

    pltpu.sync_copy(stage, out_hbm.at[:, pl.ds(base, BPW)])


def _gather4(user, item, t_umlp, t_imlp, t_umf, t_imf):
    mesh = plsc.VectorSubcoreMesh(core_axis_name="c", subcore_axis_name="s")
    f = functools.partial(
        pl.kernel,
        mesh=mesh,
        out_type=jax.ShapeDtypeStruct((4 * D, B), jnp.float32),
        compiler_params=pltpu.CompilerParams(
            use_tc_tiling_on_sc=True, needs_layout_passes=False),
        scratch_types=[
            pltpu.VMEM((BPW + 16,), jnp.int32),
            pltpu.VMEM((BPW + 16,), jnp.int32),
            pltpu.VMEM((4 * D, BPW), jnp.float32),
            [pltpu.VMEM((D, 128), jnp.float32) for _ in range(RB)],
            [pltpu.SemaphoreType.DMA for _ in range(RB)],
        ],
    )(_gather_body)
    return f(user, item, t_umlp.T, t_imlp.T, t_umf.T, t_imf.T)


BBLK = 16384


def _dense_body(x_ref, r_ref, w1_ref, w2_ref, w3_ref, loss_ref, tgt_ref):
    @pl.when(pl.program_id(0) == 0)
    def _init():
        loss_ref[...] = jnp.zeros((1, 1), dtype=jnp.float32)

    h = x_ref[pl.ds(0, 2 * D), :]
    h = jnp.tanh(jnp.dot(w1_ref[...], h, preferred_element_type=jnp.float32))
    h = jnp.tanh(jnp.dot(w2_ref[...], h, preferred_element_type=jnp.float32))
    mlp = jnp.tanh(jnp.dot(w3_ref[...], h, preferred_element_type=jnp.float32))
    u = x_ref[pl.ds(2 * D, D), :]
    v = x_ref[pl.ds(3 * D, D), :]
    u = u - jnp.mean(u, axis=0, keepdims=True)
    v = v - jnp.mean(v, axis=0, keepdims=True)
    un = jnp.maximum(jnp.sqrt(jnp.sum(u * u, axis=0, keepdims=True)), 1e-12)
    vn = jnp.maximum(jnp.sqrt(jnp.sum(v * v, axis=0, keepdims=True)), 1e-12)
    mf = jnp.sum(u * v, axis=0, keepdims=True) / (un * vn)
    nmf = 0.5 * mlp + 0.5 * mf
    r = (r_ref[...] - RATING_MIN) * (1.0 / (RATING_MAX - RATING_MIN))
    loss_ref[...] += jnp.full((1, 1), jnp.sum((nmf - r) ** 2) * (1.0 / B),
                              dtype=jnp.float32)
    tgt_ref[...] = nmf * (RATING_MAX - RATING_MIN) + RATING_MIN


def _dense(x, rating2, w1, w2, w3):
    return pl.pallas_call(
        _dense_body,
        grid=(B // BBLK,),
        in_specs=[
            pl.BlockSpec((4 * D, BBLK), lambda i: (0, i)),
            pl.BlockSpec((1, BBLK), lambda i: (0, i)),
            pl.BlockSpec((64, 32), lambda i: (0, 0)),
            pl.BlockSpec((32, 64), lambda i: (0, 0)),
            pl.BlockSpec((1, 32), lambda i: (0, 0)),
        ],
        out_specs=(
            pl.BlockSpec((1, 1), lambda i: (0, 0)),
            pl.BlockSpec((1, BBLK), lambda i: (0, i)),
        ),
        out_shape=(
            jax.ShapeDtypeStruct((1, 1), jnp.float32),
            jax.ShapeDtypeStruct((1, B), jnp.float32),
        ),
    )(x, rating2, w1, w2, w3)


def kernel(user, item, rating, user_weight_mlp, item_weight_mlp,
           user_weight_mf, item_weight_mf, W1, W2, W3):
    x = _gather4(user, item, user_weight_mlp, item_weight_mlp,
                 user_weight_mf, item_weight_mf)
    loss2, tgt2 = _dense(x, rating.reshape(1, B), W1, W2, W3)
    return loss2[0, 0], tgt2.reshape(B)

# --- scband reference (transcript-rebuilt; emitter-appended) ---
"""Pipeline reference for scband-nmf-22771916603687 (READ-ONLY COPY).

The authoritative reference and input builder live on the scoring server;
editing this copy changes nothing except your own understanding.
"""

import jax, jax.numpy as jnp
import numpy as np

NUM_USERS = 1000000
NUM_ITEMS = 1000000
HS = [16, 64, 32]
B = 16384
RATING_MIN = 1.0
RATING_MAX = 5.0


def setup_inputs(seed: int = 0) -> dict:
    key = jax.random.key(seed)
    ks = jax.random.split(key, 12)
    user = jax.random.randint(ks[0], (B,), 0, NUM_USERS, dtype=jnp.int32)
    item = jax.random.randint(ks[1], (B,), 0, NUM_ITEMS, dtype=jnp.int32)
    rating = jax.random.uniform(ks[2], (B,), dtype=jnp.float32, minval=RATING_MIN, maxval=RATING_MAX)
    # Embedding tables, init N(0, 1e-4) as in reset_parameters
    user_weight_mlp = 1e-4 * jax.random.normal(ks[3], (NUM_USERS, HS[0]), dtype=jnp.float32)
    item_weight_mlp = 1e-4 * jax.random.normal(ks[4], (NUM_ITEMS, HS[0]), dtype=jnp.float32)
    user_weight_mf = 1e-4 * jax.random.normal(ks[5], (NUM_USERS, HS[0]), dtype=jnp.float32)
    item_weight_mf = 1e-4 * jax.random.normal(ks[6], (NUM_ITEMS, HS[0]), dtype=jnp.float32)
    # FC stack (bias=False): Linear(2*HS[0]->HS[1]), Linear(HS[1]->HS[2]), Linear(HS[2]->1)
    # kaiming-uniform-like init, stored torch-style as [out, in]
    def kaiming(k, out_dim, in_dim):
        bound = np.sqrt(6.0 / in_dim)
        return jax.random.uniform(k, (out_dim, in_dim), dtype=jnp.float32, minval=-bound, maxval=bound)
    W1 = kaiming(ks[7], HS[1], 2 * HS[0])
    W2 = kaiming(ks[8], HS[2], HS[1])
    W3 = kaiming(ks[9], 1, HS[2])
    return {
        'user': user, 'item': item, 'rating': rating,
        'user_weight_mlp': user_weight_mlp, 'item_weight_mlp': item_weight_mlp,
        'user_weight_mf': user_weight_mf, 'item_weight_mf': item_weight_mf,
        'W1': W1, 'W2': W2, 'W3': W3,
    }


def _normalize(r):
    return (r - RATING_MIN) / (RATING_MAX - RATING_MIN)


def _denormalize(r):
    return r * (RATING_MAX - RATING_MIN) + RATING_MIN


def _l2_normalize(x):
    n = jnp.linalg.norm(x, axis=-1, keepdims=True)
    return x / jnp.maximum(n, 1e-12)


def reference(user, item, rating, user_weight_mlp, item_weight_mlp,
              user_weight_mf, item_weight_mf, W1, W2, W3):
    r = _normalize(rating)
    # MLP branch (dropout is identity in eval mode)
    ue = jnp.take(user_weight_mlp, user, axis=0)
    ie = jnp.take(item_weight_mlp, item, axis=0)
    h = jnp.concatenate([ue, ie], axis=-1)
    h = jnp.tanh(h @ W1.T)
    h = jnp.tanh(h @ W2.T)
    mlp = jnp.tanh(h @ W3.T).squeeze(-1)
    # MF branch
    umf = jnp.take(user_weight_mf, user, axis=0)
    imf = jnp.take(item_weight_mf, item, axis=0)
    umf = _l2_normalize(umf - umf.mean(axis=-1, keepdims=True))
    imf = _l2_normalize(imf - imf.mean(axis=-1, keepdims=True))
    mf = jnp.sum(umf * imf, axis=-1)
    nmf_out = 0.5 * mlp + 0.5 * mf
    loss = jnp.mean((nmf_out - r) ** 2)
    target_rating = _denormalize(nmf_out)
    return (loss, target_rating)

if __name__ == "__main__":
    import jax
    _d = setup_inputs()
    print(jax.jit(kernel)(*tuple(_d.values())))

</pallas_src>

<mosaic_0001>
#map = affine_map<(d0, d1) -> (0)>
#map1 = affine_map<(d0, d1) -> (0, 0)>
module attributes {stable_mosaic.version = 14 : i64} {
  func.func @_gather_body(%arg0: i32, %arg1: i32, %arg2: memref<16384xi32, #tpu.memory_space<hbm>>, %arg3: memref<16384xi32, #tpu.memory_space<hbm>>, %arg4: memref<16x1000000xf32, #tpu.memory_space<hbm>>, %arg5: memref<16x1000000xf32, #tpu.memory_space<hbm>>, %arg6: memref<16x1000000xf32, #tpu.memory_space<hbm>>, %arg7: memref<16x1000000xf32, #tpu.memory_space<hbm>>, %arg8: memref<64x16384xf32, #tpu.memory_space<hbm>>, %arg9: memref<528xi32, #tpu.memory_space<vmem>>, %arg10: memref<528xi32, #tpu.memory_space<vmem>>, %arg11: memref<64x512xf32, #tpu.memory_space<vmem>>, %arg12: memref<16x128xf32, #tpu.memory_space<vmem>>, %arg13: memref<16x128xf32, #tpu.memory_space<vmem>>, %arg14: memref<16x128xf32, #tpu.memory_space<vmem>>, %arg15: memref<16x128xf32, #tpu.memory_space<vmem>>, %arg16: memref<16x128xf32, #tpu.memory_space<vmem>>, %arg17: memref<16x128xf32, #tpu.memory_space<vmem>>, %arg18: memref<!tpu.dma_semaphore, #tpu.memory_space<semaphore_mem>>, %arg19: memref<!tpu.dma_semaphore, #tpu.memory_space<semaphore_mem>>, %arg20: memref<!tpu.dma_semaphore, #tpu.memory_space<semaphore_mem>>, %arg21: memref<!tpu.dma_semaphore, #tpu.memory_space<semaphore_mem>>, %arg22: memref<!tpu.dma_semaphore, #tpu.memory_space<semaphore_mem>>, %arg23: memref<!tpu.dma_semaphore, #tpu.memory_space<semaphore_mem>>) attributes {dimension_semantics = [#tpu.dimension_semantics<core_parallel>, #tpu.dimension_semantics<subcore_parallel>], iteration_bounds = array<i64: 2, 16>, scalar_prefetch = 0 : i64, scratch_operands = 15 : i64, tpu.core_type = #tpu.core_type<sc_vector_subcore>, window_params = [{transform_indices = #map}, {transform_indices = #map}, {transform_indices = #map1}, {transform_indices = #map1}, {transform_indices = #map1}, {transform_indices = #map1}, {transform_indices = #map1}]} {
    %mul3A = arith.constant 2 : i32
    %mul3A_0 = arith.muli %arg1, %mul3A : i32
    %add3A = arith.addi %mul3A_0, %arg0 : i32
    %mul3A_1 = arith.constant 512 : i32
    %mul3A_2 = arith.muli %add3A, %mul3A_1 : i32
    "tpu.region"() ({
      %run_scoped3A = tpu.sem_alloc : memref<!tpu.dma_semaphore, #tpu.memory_space<semaphore_mem>>
      %dma_start3A_780 = arith.constant 0 : i32
      %dma_start3A_781 = tpu.memref_slice %arg9[%dma_start3A_780] : memref<528xi32, #tpu.memory_space<vmem>> -> memref<512xi32, #tpu.memory_space<vmem>>
      %dma_start3A_782 = tpu.memref_slice %arg2[%mul3A_2] : memref<16384xi32, #tpu.memory_space<hbm>> -> memref<512xi32, #tpu.memory_space<hbm>>
      %dma_start3A_783 = arith.constant 0 : i32
      %dma_start3A_784 = tpu.memref_slice %arg9[%dma_start3A_783] : memref<528xi32, #tpu.memory_space<vmem>> -> memref<512xi32, #tpu.memory_space<vmem>>
      %dma_start3A_785 = tpu.memref_slice %arg2[%mul3A_2] : memref<16384xi32, #tpu.memory_space<hbm>> -> memref<512xi32, #tpu.memory_space<hbm>>
      tpu.enqueue_dma source(%dma_start3A_785 : memref<512xi32, #tpu.memory_space<hbm>>) target(%dma_start3A_784 : memref<512xi32, #tpu.memory_space<vmem>>) target_semaphore(%run_scoped3A : memref<!tpu.dma_semaphore, #tpu.memory_space<semaphore_mem>>)
      %dma_wait3A_786 = arith.constant 0 : i32
      %dma_wait3A_787 = tpu.memref_slice %arg9[%dma_wait3A_786] : memref<528xi32, #tpu.memory_space<vmem>> -> memref<512xi32, #tpu.memory_space<vmem>>
      %dma_wait3A_788 = tpu.memref_slice %arg2[%mul3A_2] : memref<16384xi32, #tpu.memory_space<hbm>> -> memref<512xi32, #tpu.memory_space<hbm>>
      %dma_wait3A_789 = arith.constant 0 : i32
      %dma_wait3A_790 = tpu.memref_slice %arg9[%dma_wait3A_789] : memref<528xi32, #tpu.memory_space<vmem>> -> memref<512xi32, #tpu.memory_space<vmem>>
      %dma_wait3A_791 = tpu.memref_slice %arg2[%mul3A_2] : memref<16384xi32, #tpu.memory_space<hbm>> -> memref<512xi32, #tpu.memory_space<hbm>>
      tpu.wait_dma2 semaphore(%run_scoped3A : memref<!tpu.dma_semaphore, #tpu.memory_space<semaphore_mem>>) src(%dma_wait3A_791 : memref<512xi32, #tpu.memory_space<hbm>>) dst(%dma_wait3A_790 : memref<512xi32, #tpu.memory_space<vmem>>)
      tpu.yield
    }) : () -> ()
    "tpu.region"() ({
      %run_scoped3A = tpu.sem_alloc : memref<!tpu.dma_semaphore, #tpu.memory_space<semaphore_mem>>
      %dma_start3A_780 = arith.constant 0 : i32
      %dma_start3A_781 = tpu.memref_slice %arg10[%dma_start3A_780] : memref<528xi32, #tpu.memory_space<vmem>> -> memref<512xi32, #tpu.memory_space<vmem>>
      %dma_start3A_782 = tpu.memref_slice %arg3[%mul3A_2] : memref<16384xi32, #tpu.memory_space<hbm>> -> memref<512xi32, #tpu.memory_space<hbm>>
      %dma_start3A_783 = arith.constant 0 : i32
      %dma_start3A_784 = tpu.memref_slice %arg10[%dma_start3A_783] : memref<528xi32, #tpu.memory_space<vmem>> -> memref<512xi32, #tpu.memory_space<vmem>>
      %dma_start3A_785 = tpu.memref_slice %arg3[%mul3A_2] : memref<16384xi32, #tpu.memory_space<hbm>> -> memref<512xi32, #tpu.memory_space<hbm>>
      tpu.enqueue_dma source(%dma_start3A_785 : memref<512xi32, #tpu.memory_space<hbm>>) target(%dma_start3A_784 : memref<512xi32, #tpu.memory_space<vmem>>) target_semaphore(%run_scoped3A : memref<!tpu.dma_semaphore, #tpu.memory_space<semaphore_mem>>)
      %dma_wait3A_786 = arith.constant 0 : i32
      %dma_wait3A_787 = tpu.memref_slice %arg10[%dma_wait3A_786] : memref<528xi32, #tpu.memory_space<vmem>> -> memref<512xi32, #tpu.memory_space<vmem>>
      %dma_wait3A_788 = tpu.memref_slice %arg3[%mul3A_2] : memref<16384xi32, #tpu.memory_space<hbm>> -> memref<512xi32, #tpu.memory_space<hbm>>
      %dma_wait3A_789 = arith.constant 0 : i32
      %dma_wait3A_790 = tpu.memref_slice %arg10[%dma_wait3A_789] : memref<528xi32, #tpu.memory_space<vmem>> -> memref<512xi32, #tpu.memory_space<vmem>>
      %dma_wait3A_791 = tpu.memref_slice %arg3[%mul3A_2] : memref<16384xi32, #tpu.memory_space<hbm>> -> memref<512xi32, #tpu.memory_space<hbm>>
      tpu.wait_dma2 semaphore(%run_scoped3A : memref<!tpu.dma_semaphore, #tpu.memory_space<semaphore_mem>>) src(%dma_wait3A_791 : memref<512xi32, #tpu.memory_space<hbm>>) dst(%dma_wait3A_790 : memref<512xi32, #tpu.memory_space<vmem>>)
      tpu.yield
    }) : () -> ()
    %iota3A = tpu.iota {dimensions = array<i32: 0>} : vector<16xi32>
    %get3A = arith.constant 0 : index
    %get3A_3 = tpu.vector_load %arg9[%get3A] {strides = array<i32>} : memref<528xi32, #tpu.memory_space<vmem>>, vector<16xi32>,
    %slice3A = vector.extract_strided_slice %get3A_3 {offsets = [0], sizes = [1], strides = [1]} : vector<16xi32> to vector<1xi32>
    %squeeze3A = vector.extract %slice3A[0] : i32 from vector<1xi32>
    %shift_right_logical3A = arith.constant 7 : i32
    %shift_right_logical3A_4 = arith.shrui %squeeze3A, %shift_right_logical3A : i32
    %mul3A_5 = arith.constant 128 : i32
    %mul3A_6 = arith.muli %shift_right_logical3A_4, %mul3A_5 : i32
    %multiple_of3A = tpu.assume_multiple %mul3A_6, 128 : i32
    %dma_start3A = arith.constant 0 : i32
    %dma_start3A_7 = tpu.memref_slice %arg4[%dma_start3A, %multiple_of3A] : memref<16x1000000xf32, #tpu.memory_space<hbm>> -> memref<16x128xf32, #tpu.memory_space<hbm>>
    %dma_start3A_8 = arith.constant 0 : i32
    %dma_start3A_9 = tpu.memref_slice %arg4[%dma_start3A_8, %multiple_of3A] : memref<16x1000000xf32, #tpu.memory_space<hbm>> -> memref<16x128xf32, #tpu.memory_space<hbm>>
    tpu.enqueue_dma source(%dma_start3A_9 : memref<16x128xf32, #tpu.memory_space<hbm>>) target(%arg12 : memref<16x128xf32, #tpu.memory_space<vmem>>) target_semaphore(%arg18 : memref<!tpu.dma_semaphore, #tpu.memory_space<semaphore_mem>>)
    %get3A_10 = arith.constant 1 : index
    %get3A_11 = tpu.vector_load %arg9[%get3A_10] {strides = array<i32>} : memref<528xi32, #tpu.memory_space<vmem>>, vector<16xi32>,
    %slice3A_12 = vector.extract_strided_slice %get3A_11 {offsets = [0], sizes = [1], strides = [1]} : vector<16xi32> to vector<1xi32>
    %squeeze3A_13 = vector.extract %slice3A_12[0] : i32 from vector<1xi32>
    %shift_right_logical3A_14 = arith.constant 7 : i32
    %shift_right_logical3A_15 = arith.shrui %squeeze3A_13, %shift_right_logical3A_14 : i32
    %mul3A_16 = arith.constant 128 : i32
    %mul3A_17 = arith.muli %shift_right_logical3A_15, %mul3A_16 : i32
    %multiple_of3A_18 = tpu.assume_multiple %mul3A_17, 128 : i32
    %dma_start3A_19 = arith.constant 0 : i32
    %dma_start3A_20 = tpu.memref_slice %arg4[%dma_start3A_19, %multiple_of3A_18] : memref<16x1000000xf32, #tpu.memory_space<hbm>> -> memref<16x128xf32, #tpu.memory_space<hbm>>
    %dma_start3A_21 = arith.constant 0 : i32
    %dma_start3A_22 = tpu.memref_slice %arg4[%dma_start3A_21, %multiple_of3A_18] : memref<16x1000000xf32, #tpu.memory_space<hbm>> -> memref<16x128xf32, #tpu.memory_space<hbm>>
    tpu.enqueue_dma source(%dma_start3A_22 : memref<16x128xf32, #tpu.memory_space<hbm>>) target(%arg13 : memref<16x128xf32, #tpu.memory_space<vmem>>) target_semaphore(%arg19 : memref<!tpu.dma_semaphore, #tpu.memory_space<semaphore_mem>>)
    %get3A_23 = arith.constant 2 : index
    %get3A_24 = tpu.vector_load %arg9[%get3A_23] {strides = array<i32>} : memref<528xi32, #tpu.memory_space<vmem>>, vector<16xi32>,
    %slice3A_25 = vector.extract_strided_slice %get3A_24 {offsets = [0], sizes = [1], strides = [1]} : vector<16xi32> to vector<1xi32>
    %squeeze3A_26 = vector.extract %slice3A_25[0] : i32 from vector<1xi32>
    %shift_right_logical3A_27 = arith.constant 7 : i32
    %shift_right_logical3A_28 = arith.shrui %squeeze3A_26, %shift_right_logical3A_27 : i32
    %mul3A_29 = arith.constant 128 : i32
    %mul3A_30 = arith.muli %shift_right_logical3A_28, %mul3A_29 : i32
    %multiple_of3A_31 = tpu.assume_multiple %mul3A_30, 128 : i32
    %dma_start3A_32 = arith.constant 0 : i32
    %dma_start3A_33 = tpu.memref_slice %arg4[%dma_start3A_32, %multiple_of3A_31] : memref<16x1000000xf32, #tpu.memory_space<hbm>> -> memref<16x128xf32, #tpu.memory_space<hbm>>
    %dma_start3A_34 = arith.constant 0 : i32
    %dma_start3A_35 = tpu.memref_slice %arg4[%dma_start3A_34, %multiple_of3A_31] : memref<16x1000000xf32, #tpu.memory_space<hbm>> -> memref<16x128xf32, #tpu.memory_space<hbm>>
    tpu.enqueue_dma source(%dma_start3A_35 : memref<16x128xf32, #tpu.memory_space<hbm>>) target(%arg14 : memref<16x128xf32, #tpu.memory_space<vmem>>) target_semaphore(%arg20 : memref<!tpu.dma_semaphore, #tpu.memory_space<semaphore_mem>>)
    %get3A_36 = arith.constant 3 : index
    %get3A_37 = tpu.vector_load %arg9[%get3A_36] {strides = array<i32>} : memref<528xi32, #tpu.memory_space<vmem>>, vector<16xi32>,
    %slice3A_38 = vector.extract_strided_slice %get3A_37 {offsets = [0], sizes = [1], strides = [1]} : vector<16xi32> to vector<1xi32>
    %squeeze3A_39 = vector.extract %slice3A_38[0] : i32 from vector<1xi32>
    %shift_right_logical3A_40 = arith.constant 7 : i32
    %shift_right_logical3A_41 = arith.shrui %squeeze3A_39, %shift_right_logical3A_40 : i32
    %mul3A_42 = arith.constant 128 : i32
    %mul3A_43 = arith.muli %shift_right_logical3A_41, %mul3A_42 : i32
    %multiple_of3A_44 = tpu.assume_multiple %mul3A_43, 128 : i32
    %dma_start3A_45 = arith.constant 0 : i32
    %dma_start3A_46 = tpu.memref_slice %arg4[%dma_start3A_45, %multiple_of3A_44] : memref<16x1000000xf32, #tpu.memory_space<hbm>> -> memref<16x128xf32, #tpu.memory_space<hbm>>
    %dma_start3A_47 = arith.constant 0 : i32
    %dma_start3A_48 = tpu.memref_slice %arg4[%dma_start3A_47, %multiple_of3A_44] : memref<16x1000000xf32, #tpu.memory_space<hbm>> -> memref<16x128xf32, #tpu.memory_space<hbm>>
    tpu.enqueue_dma source(%dma_start3A_48 : memref<16x128xf32, #tpu.memory_space<hbm>>) target(%arg15 : memref<16x128xf32, #tpu.memory_space<vmem>>) target_semaphore(%arg21 : memref<!tpu.dma_semaphore, #tpu.memory_space<semaphore_mem>>)
    %get3A_49 = arith.constant 4 : index
    %get3A_50 = tpu.vector_load %arg9[%get3A_49] {strides = array<i32>} : memref<528xi32, #tpu.memory_space<vmem>>, vector<16xi32>,
    %slice3A_51 = vector.extract_strided_slice %get3A_50 {offsets = [0], sizes = [1], strides = [1]} : vector<16xi32> to vector<1xi32>
    %squeeze3A_52 = vector.extract %slice3A_51[0] : i32 from vector<1xi32>
    %shift_right_logical3A_53 = arith.constant 7 : i32
    %shift_right_logical3A_54 = arith.shrui %squeeze3A_52, %shift_right_logical3A_53 : i32
    %mul3A_55 = arith.constant 128 : i32
    %mul3A_56 = arith.muli %shift_right_logical3A_54, %mul3A_55 : i32
    %multiple_of3A_57 = tpu.assume_multiple %mul3A_56, 128 : i32
    %dma_start3A_58 = arith.constant 0 : i32
    %dma_start3A_59 = tpu.memref_slice %arg4[%dma_start3A_58, %multiple_of3A_57] : memref<16x1000000xf32, #tpu.memory_space<hbm>> -> memref<16x128xf32, #tpu.memory_space<hbm>>
    %dma_start3A_60 = arith.constant 0 : i32
    %dma_start3A_61 = tpu.memref_slice %arg4[%dma_start3A_60, %multiple_of3A_57] : memref<16x1000000xf32, #tpu.memory_space<hbm>> -> memref<16x128xf32, #tpu.memory_space<hbm>>
    tpu.enqueue_dma source(%dma_start3A_61 : memref<16x128xf32, #tpu.memory_space<hbm>>) target(%arg16 : memref<16x128xf32, #tpu.memory_space<vmem>>) target_semaphore(%arg22 : memref<!tpu.dma_semaphore, #tpu.memory_space<semaphore_mem>>)
    %get3A_62 = arith.constant 5 : index
    %get3A_63 = tpu.vector_load %arg9[%get3A_62] {strides = array<i32>} : memref<528xi32, #tpu.memory_space<vmem>>, vector<16xi32>,
    %slice3A_64 = vector.extract_strided_slice %get3A_63 {offsets = [0], sizes = [1], strides = [1]} : vector<16xi32> to vector<1xi32>
    %squeeze3A_65 = vector.extract %slice3A_64[0] : i32 from vector<1xi32>
    %shift_right_logical3A_66 = arith.constant 7 : i32
    %shift_right_logical3A_67 = arith.shrui %squeeze3A_65, %shift_right_logical3A_66 : i32
    %mul3A_68 = arith.constant 128 : i32
    %mul3A_69 = arith.muli %shift_right_logical3A_67, %mul3A_68 : i32
    %multiple_of3A_70 = tpu.assume_multiple %mul3A_69, 128 : i32
    %dma_start3A_71 = arith.constant 0 : i32
    %dma_start3A_72 = tpu.memref_slice %arg4[%dma_start3A_71, %multiple_of3A_70] : memref<16x1000000xf32, #tpu.memory_space<hbm>> -> memref<16x128xf32, #tpu.memory_space<hbm>>
    %dma_start3A_73 = arith.constant 0 : i32
    %dma_start3A_74 = tpu.memref_slice %arg4[%dma_start3A_73, %multiple_of3A_70] : memref<16x1000000xf32, #tpu.memory_space<hbm>> -> memref<16x128xf32, #tpu.memory_space<hbm>>
    tpu.enqueue_dma source(%dma_start3A_74 : memref<16x128xf32, #tpu.memory_space<hbm>>) target(%arg17 : memref<16x128xf32, #tpu.memory_space<vmem>>) target_semaphore(%arg23 : memref<!tpu.dma_semaphore, #tpu.memory_space<semaphore_mem>>)
    %scan3A = arith.constant 0 : i32
    %scan3A_75 = arith.constant 84 : i32
    %scan3A_76 = arith.addi %scan3A, %scan3A_75 : i32
    %scan3A_77 = arith.constant 1 : i32
    scf.for %scan3A_780 = %scan3A to %scan3A_76 step %scan3A_77  : i32 {
      %mul3A_781 = arith.constant 6 : i32
      %mul3A_782 = arith.muli %scan3A_780, %mul3A_781 : i32
      %add3A_783 = arith.constant 0 : i32
      %add3A_784 = arith.addi %mul3A_782, %add3A_783 : i32
      %dma_wait3A_785 = arith.constant 0 : i32
      %dma_wait3A_786 = arith.constant 0 : i32
      %dma_wait3A_787 = tpu.memref_slice %arg4[%dma_wait3A_785, %dma_wait3A_786] : memref<16x1000000xf32, #tpu.memory_space<hbm>> -> memref<16x128xf32, #tpu.memory_space<hbm>>
      %dma_wait3A_788 = arith.constant 0 : i32
      %dma_wait3A_789 = arith.constant 0 : i32
      %dma_wait3A_790 = tpu.memref_slice %arg4[%dma_wait3A_788, %dma_wait3A_789] : memref<16x1000000xf32, #tpu.memory_space<hbm>> -> memref<16x128xf32, #tpu.memory_space<hbm>>
      tpu.wait_dma2 semaphore(%arg18 : memref<!tpu.dma_semaphore, #tpu.memory_space<semaphore_mem>>) src(%dma_wait3A_790 : memref<16x128xf32, #tpu.memory_space<hbm>>) dst(%arg12 : memref<16x128xf32, #tpu.memory_space<vmem>>)
      %get3A_791 = arith.index_cast %add3A_784 : i32 to index
      %get3A_792 = tpu.vector_load %arg9[%get3A_791] {strides = array<i32>} : memref<528xi32, #tpu.memory_space<vmem>>, vector<16xi32>,
      %slice3A_793 = vector.extract_strided_slice %get3A_792 {offsets = [0], sizes = [1], strides = [1]} : vector<16xi32> to vector<1xi32>
      %squeeze3A_794 = vector.extract %slice3A_793[0] : i32 from vector<1xi32>
      %and3A_795 = arith.constant 127 : i32
      %and3A_796 = arith.andi %squeeze3A_794, %and3A_795 : i32
      %broadcast_in_dim3A_797 = vector.broadcast %and3A_796 : i32 to vector<16xi32>
      %gather3A_798 = tpu.vector_load_idx %arg12[%iota3A, %broadcast_in_dim3A_797] : memref<16x128xf32, #tpu.memory_space<vmem>>[vector<16xi32>, vector<16xi32>], vector<16xf32>,
      %add3A_799 = arith.constant 0 : i32
      %add3A_800 = vector.broadcast %add3A_799 : i32 to vector<16xi32>
      %add3A_801 = arith.addi %iota3A, %add3A_800 : vector<16xi32>
      %broadcast_in_dim3A_802 = vector.broadcast %add3A_784 : i32 to vector<16xi32>
      tpu.vector_store_idx %arg11[%add3A_801, %broadcast_in_dim3A_802], %gather3A_798 : memref<64x512xf32, #tpu.memory_space<vmem>>[vector<16xi32>, vector<16xi32>], vector<16xf32>,
      %add3A_803 = arith.constant 6 : i32
      %add3A_804 = arith.addi %add3A_784, %add3A_803 : i32
      %get3A_805 = arith.index_cast %add3A_804 : i32 to index
      %get3A_806 = tpu.vector_load %arg9[%get3A_805] {strides = array<i32>} : memref<528xi32, #tpu.memory_space<vmem>>, vector<16xi32>,
      %slice3A_807 = vector.extract_strided_slice %get3A_806 {offsets = [0], sizes = [1], strides = [1]} : vector<16xi32> to vector<1xi32>
      %squeeze3A_808 = vector.extract %slice3A_807[0] : i32 from vector<1xi32>
      %shift_right_logical3A_809 = arith.constant 7 : i32
      %shift_right_logical3A_810 = arith.shrui %squeeze3A_808, %shift_right_logical3A_809 : i32
      %mul3A_811 = arith.constant 128 : i32
      %mul3A_812 = arith.muli %shift_right_logical3A_810, %mul3A_811 : i32
      %multiple_of3A_813 = tpu.assume_multiple %mul3A_812, 128 : i32
      %dma_start3A_814 = arith.constant 0 : i32
      %dma_start3A_815 = tpu.memref_slice %arg4[%dma_start3A_814, %multiple_of3A_813] : memref<16x1000000xf32, #tpu.memory_space<hbm>> -> memref<16x128xf32, #tpu.memory_space<hbm>>
      %dma_start3A_816 = arith.constant 0 : i32
      %dma_start3A_817 = tpu.memref_slice %arg4[%dma_start3A_816, %multiple_of3A_813] : memref<16x1000000xf32, #tpu.memory_space<hbm>> -> memref<16x128xf32, #tpu.memory_space<hbm>>
      tpu.enqueue_dma source(%dma_start3A_817 : memref<16x128xf32, #tpu.memory_space<hbm>>) target(%arg12 : memref<16x128xf32, #tpu.memory_space<vmem>>) target_semaphore(%arg18 : memref<!tpu.dma_semaphore, #tpu.memory_space<semaphore_mem>>)
      %mul3A_818 = arith.constant 6 : i32
      %mul3A_819 = arith.muli %scan3A_780, %mul3A_818 : i32
      %add3A_820 = arith.constant 1 : i32
      %add3A_821 = arith.addi %mul3A_819, %add3A_820 : i32
      %dma_wait3A_822 = arith.constant 0 : i32
      %dma_wait3A_823 = arith.constant 0 : i32
      %dma_wait3A_824 = tpu.memref_slice %arg4[%dma_wait3A_822, %dma_wait3A_823] : memref<16x1000000xf32, #tpu.memory_space<hbm>> -> memref<16x128xf32, #tpu.memory_space<hbm>>
      %dma_wait3A_825 = arith.constant 0 : i32
      %dma_wait3A_826 = arith.constant 0 : i32
      %dma_wait3A_827 = tpu.memref_slice %arg4[%dma_wait3A_825, %dma_wait3A_826] : memref<16x1000000xf32, #tpu.memory_space<hbm>> -> memref<16x128xf32, #tpu.memory_space<hbm>>
      tpu.wait_dma2 semaphore(%arg19 : memref<!tpu.dma_semaphore, #tpu.memory_space<semaphore_mem>>) src(%dma_wait3A_827 : memref<16x128xf32, #tpu.memory_space<hbm>>) dst(%arg13 : memref<16x128xf32, #tpu.memory_space<vmem>>)
      %get3A_828 = arith.index_cast %add3A_821 : i32 to index
      %get3A_829 = tpu.vector_load %arg9[%get3A_828] {strides = array<i32>} : memref<528xi32, #tpu.memory_space<vmem>>, vector<16xi32>,
      %slice3A_830 = vector.extract_strided_slice %get3A_829 {offsets = [0], sizes = [1], strides = [1]} : vector<16xi32> to vector<1xi32>
      %squeeze3A_831 = vector.extract %slice3A_830[0] : i32 from vector<1xi32>
      %and3A_832 = arith.constant 127 : i32
      %and3A_833 = arith.andi %squeeze3A_831, %and3A_832 : i32
      %broadcast_in_dim3A_834 = vector.broadcast %and3A_833 : i32 to vector<16xi32>
      %gather3A_835 = tpu.vector_load_idx %arg13[%iota3A, %broadcast_in_dim3A_834] : memref<16x128xf32, #tpu.memory_space<vmem>>[vector<16xi32>, vector<16xi32>], vector<16xf32>,
      %add3A_836 = arith.constant 0 : i32
      %add3A_837 = vector.broadcast %add3A_836 : i32 to vector<16xi32>
      %add3A_838 = arith.addi %iota3A, %add3A_837 : vector<16xi32>
      %broadcast_in_dim3A_839 = vector.broadcast %add3A_821 : i32 to vector<16xi32>
      tpu.vector_store_idx %arg11[%add3A_838, %broadcast_in_dim3A_839], %gather3A_835 : memref<64x512xf32, #tpu.memory_space<vmem>>[vector<16xi32>, vector<16xi32>], vector<16xf32>,
      %add3A_840 = arith.constant 6 : i32
      %add3A_841 = arith.addi %add3A_821, %add3A_840 : i32
      %get3A_842 = arith.index_cast %add3A_841 : i32 to index
      %get3A_843 = tpu.vector_load %arg9[%get3A_842] {strides = array<i32>} : memref<528xi32, #tpu.memory_space<vmem>>, vector<16xi32>,
      %slice3A_844 = vector.extract_strided_slice %get3A_843 {offsets = [0], sizes = [1], strides = [1]} : vector<16xi32> to vector<1xi32>
      %squeeze3A_845 = vector.extract %slice3A_844[0] : i32 from vector<1xi32>
      %shift_right_logical3A_846 = arith.constant 7 : i32
      %shift_right_logical3A_847 = arith.shrui %squeeze3A_845, %shift_right_logical3A_846 : i32
      %mul3A_848 = arith.constant 128 : i32
      %mul3A_849 = arith.muli %shift_right_logical3A_847, %mul3A_848 : i32
      %multiple_of3A_850 = tpu.assume_multiple %mul3A_849, 128 : i32
      %dma_start3A_851 = arith.constant 0 : i32
      %dma_start3A_852 = tpu.memref_slice %arg4[%dma_start3A_851, %multiple_of3A_850] : memref<16x1000000xf32, #tpu.memory_space<hbm>> -> memref<16x128xf32, #tpu.memory_space<hbm>>
      %dma_start3A_853 = arith.constant 0 : i32
      %dma_start3A_854 = tpu.memref_slice %arg4[%dma_start3A_853, %multiple_of3A_850] : memref<16x1000000xf32, #tpu.memory_space<hbm>> -> memref<16x128xf32, #tpu.memory_space<hbm>>
      tpu.enqueue_dma source(%dma_start3A_854 : memref<16x128xf32, #tpu.memory_space<hbm>>) target(%arg13 : memref<16x128xf32, #tpu.memory_space<vmem>>) target_semaphore(%arg19 : memref<!tpu.dma_semaphore, #tpu.memory_space<semaphore_mem>>)
      %mul3A_855 = arith.constant 6 : i32
      %mul3A_856 = arith.muli %scan3A_780, %mul3A_855 : i32
      %add3A_857 = arith.constant 2 : i32
      %add3A_858 = arith.addi %mul3A_856, %add3A_857 : i32
      %dma_wait3A_859 = arith.constant 0 : i32
      %dma_wait3A_860 = arith.constant 0 : i32
      %dma_wait3A_861 = tpu.memref_slice %arg4[%dma_wait3A_859, %dma_wait3A_860] : memref<16x1000000xf32, #tpu.memory_space<hbm>> -> memref<16x128xf32, #tpu.memory_space<hbm>>
      %dma_wait3A_862 = arith.constant 0 : i32
      %dma_wait3A_863 = arith.constant 0 : i32
      %dma_wait3A_864 = tpu.memref_slice %arg4[%dma_wait3A_862, %dma_wait3A_863] : memref<16x1000000xf32, #tpu.memory_space<hbm>> -> memref<16x128xf32, #tpu.memory_space<hbm>>
      tpu.wait_dma2 semaphore(%arg20 : memref<!tpu.dma_semaphore, #tpu.memory_space<semaphore_mem>>) src(%dma_wait3A_864 : memref<16x128xf32, #tpu.memory_space<hbm>>) dst(%arg14 : memref<16x128xf32, #tpu.memory_space<vmem>>)
      %get3A_865 = arith.index_cast %add3A_858 : i32 to index
      %get3A_866 = tpu.vector_load %arg9[%get3A_865] {strides = array<i32>} : memref<528xi32, #tpu.memory_space<vmem>>, vector<16xi32>,
      %slice3A_867 = vector.extract_strided_slice %get3A_866 {offsets = [0], sizes = [1], strides = [1]} : vector<16xi32> to vector<1xi32>
      %squeeze3A_868 = vector.extract %slice3A_867[0] : i32 from vector<1xi32>
      %and3A_869 = arith.constant 127 : i32
      %and3A_870 = arith.andi %squeeze3A_868, %and3A_869 : i32
      %broadcast_in_dim3A_871 = vector.broadcast %and3A_870 : i32 to vector<16xi32>
      %gather3A_872 = tpu.vector_load_idx %arg14[%iota3A, %broadcast_in_dim3A_871] : memref<16x128xf32, #tpu.memory_space<vmem>>[vector<16xi32>, vector<16xi32>], vector<16xf32>,
      %add3A_873 = arith.constant 0 : i32
      %add3A_874 = vector.broadcast %add3A_873 : i32 to vector<16xi32>
      %add3A_875 = arith.addi %iota3A, %add3A_874 : vector<16xi32>
      %broadcast_in_dim3A_876 = vector.broadcast %add3A_858 : i32 to vector<16xi32>
      tpu.vector_store_idx %arg11[%add3A_875, %broadcast_in_dim3A_876], %gather3A_872 : memref<64x512xf32, #tpu.memory_space<vmem>>[vector<16xi32>, vector<16xi32>], vector<16xf32>,
      %add3A_877 = arith.constant 6 : i32
      %add3A_878 = arith.addi %add3A_858, %add3A_877 : i32
      %get3A_879 = arith.index_cast %add3A_878 : i32 to index
      %get3A_880 = tpu.vector_load %arg9[%get3A_879] {strides = array<i32>} : memref<528xi32, #tpu.memory_space<vmem>>, vector<16xi32>,
      %slice3A_881 = vector.extract_strided_slice %get3A_880 {offsets = [0], sizes = [1], strides = [1]} : vector<16xi32> to vector<1xi32>
      %squeeze3A_882 = vector.extract %slice3A_881[0] : i32 from vector<1xi32>
      %shift_right_logical3A_883 = arith.constant 7 : i32
      %shift_right_logical3A_884 = arith.shrui %squeeze3A_882, %shift_right_logical3A_883 : i32
      %mul3A_885 = arith.constant 128 : i32
      %mul3A_886 = arith.muli %shift_right_logical3A_884, %mul3A_885 : i32
      %multiple_of3A_887 = tpu.assume_multiple %mul3A_886, 128 : i32
      %dma_start3A_888 = arith.constant 0 : i32
      %dma_start3A_889 = tpu.memref_slice %arg4[%dma_start3A_888, %multiple_of3A_887] : memref<16x1000000xf32, #tpu.memory_space<hbm>> -> memref<16x128xf32, #tpu.memory_space<hbm>>
      %dma_start3A_890 = arith.constant 0 : i32
      %dma_start3A_891 = tpu.memref_slice %arg4[%dma_start3A_890, %multiple_of3A_887] : memref<16x1000000xf32, #tpu.memory_space<hbm>> -> memref<16x128xf32, #tpu.memory_space<hbm>>
      tpu.enqueue_dma source(%dma_start3A_891 : memref<16x128xf32, #tpu.memory_space<hbm>>) target(%arg14 : memref<16x128xf32, #tpu.memory_space<vmem>>) target_semaphore(%arg20 : memref<!tpu.dma_semaphore, #tpu.memory_space<semaphore_mem>>)
      %mul3A_892 = arith.constant 6 : i32
      %mul3A_893 = arith.muli %scan3A_780, %mul3A_892 : i32
      %add3A_894 = arith.constant 3 : i32
      %add3A_895 = arith.addi %mul3A_893, %add3A_894 : i32
      %dma_wait3A_896 = arith.constant 0 : i32
      %dma_wait3A_897 = arith.constant 0 : i32
      %dma_wait3A_898 = tpu.memref_slice %arg4[%dma_wait3A_896, %dma_wait3A_897] : memref<16x1000000xf32, #tpu.memory_space<hbm>> -> memref<16x128xf32, #tpu.memory_space<hbm>>
      %dma_wait3A_899 = arith.constant 0 : i32
      %dma_wait3A_900 = arith.constant 0 : i32
      %dma_wait3A_901 = tpu.memref_slice %arg4[%dma_wait3A_899, %dma_wait3A_900] : memref<16x1000000xf32, #tpu.memory_space<hbm>> -> memref<16x128xf32, #tpu.memory_space<hbm>>
      tpu.wait_dma2 semaphore(%arg21 : memref<!tpu.dma_semaphore, #tpu.memory_space<semaphore_mem>>) src(%dma_wait3A_901 : memref<16x128xf32, #tpu.memory_space<hbm>>) dst(%arg15 : memref<16x128xf32, #tpu.memory_space<vmem>>)
      %get3A_902 = arith.index_cast %add3A_895 : i32 to index
      %get3A_903 = tpu.vector_load %arg9[%get3A_902] {strides = array<i32>} : memref<528xi32, #tpu.memory_space<vmem>>, vector<16xi32>,
      %slice3A_904 = vector.extract_strided_slice %get3A_903 {offsets = [0], sizes = [1], strides = [1]} : vector<16xi32> to vector<1xi32>
      %squeeze3A_905 = vector.extract %slice3A_904[0] : i32 from vector<1xi32>
      %and3A_906 = arith.constant 127 : i32
      %and3A_907 = arith.andi %squeeze3A_905, %and3A_906 : i32
      %broadcast_in_dim3A_908 = vector.broadcast %and3A_907 : i32 to vector<16xi32>
      %gather3A_909 = tpu.vector_load_idx %arg15[%iota3A, %broadcast_in_dim3A_908] : memref<16x128xf32, #tpu.memory_space<vmem>>[vector<16xi32>, vector<16xi32>], vector<16xf32>,
      %add3A_910 = arith.constant 0 : i32
      %add3A_911 = vector.broadcast %add3A_910 : i32 to vector<16xi32>
      %add3A_912 = arith.addi %iota3A, %add3A_911 : vector<16xi32>
      %broadcast_in_dim3A_913 = vector.broadcast %add3A_895 : i32 to vector<16xi32>
      tpu.vector_store_idx %arg11[%add3A_912, %broadcast_in_dim3A_913], %gather3A_909 : memref<64x512xf32, #tpu.memory_space<vmem>>[vector<16xi32>, vector<16xi32>], vector<16xf32>,
      %add3A_914 = arith.constant 6 : i32
      %add3A_915 = arith.addi %add3A_895, %add3A_914 : i32
      %get3A_916 = arith.index_cast %add3A_915 : i32 to index
      %get3A_917 = tpu.vector_load %arg9[%get3A_916] {strides = array<i32>} : memref<528xi32, #tpu.memory_space<vmem>>, vector<16xi32>,
      %slice3A_918 = vector.extract_strided_slice %get3A_917 {offsets = [0], sizes = [1], strides = [1]} : vector<16xi32> to vector<1xi32>
      %squeeze3A_919 = vector.extract %slice3A_918[0] : i32 from vector<1xi32>
      %shift_right_logical3A_920 = arith.constant 7 : i32
      %shift_right_logical3A_921 = arith.shrui %squeeze3A_919, %shift_right_logical3A_920 : i32
      %mul3A_922 = arith.constant 128 : i32
      %mul3A_923 = arith.muli %shift_right_logical3A_921, %mul3A_922 : i32
      %multiple_of3A_924 = tpu.assume_multiple %mul3A_923, 128 : i32
      %dma_start3A_925 = arith.constant 0 : i32
      %dma_start3A_926 = tpu.memref_slice %arg4[%dma_start3A_925, %multiple_of3A_924] : memref<16x1000000xf32, #tpu.memory_space<hbm>> -> memref<16x128xf32, #tpu.memory_space<hbm>>
      %dma_start3A_927 = arith.constant 0 : i32
      %dma_start3A_928 = tpu.memref_slice %arg4[%dma_start3A_927, %multiple_of3A_924] : memref<16x1000000xf32, #tpu.memory_space<hbm>> -> memref<16x128xf32, #tpu.memory_space<hbm>>
      tpu.enqueue_dma source(%dma_start3A_928 : memref<16x128xf32, #tpu.memory_space<hbm>>) target(%arg15 : memref<16x128xf32, #tpu.memory_space<vmem>>) target_semaphore(%arg21 : memref<!tpu.dma_semaphore, #tpu.memory_space<semaphore_mem>>)
      %mul3A_929 = arith.constant 6 : i32
      %mul3A_930 = arith.muli %scan3A_780, %mul3A_929 : i32
      %add3A_931 = arith.constant 4 : i32
      %add3A_932 = arith.addi %mul3A_930, %add3A_931 : i32
      %dma_wait3A_933 = arith.constant 0 : i32
      %dma_wait3A_934 = arith.constant 0 : i32
      %dma_wait3A_935 = tpu.memref_slice %arg4[%dma_wait3A_933, %dma_wait3A_934] : memref<16x1000000xf32, #tpu.memory_space<hbm>> -> memref<16x128xf32, #tpu.memory_space<hbm>>
      %dma_wait3A_936 = arith.constant 0 : i32
      %dma_wait3A_937 = arith.constant 0 : i32
      %dma_wait3A_938 = tpu.memref_slice %arg4[%dma_wait3A_936, %dma_wait3A_937] : memref<16x1000000xf32, #tpu.memory_space<hbm>> -> memref<16x128xf32, #tpu.memory_space<hbm>>
      tpu.wait_dma2 semaphore(%arg22 : memref<!tpu.dma_semaphore, #tpu.memory_space<semaphore_mem>>) src(%dma_wait3A_938 : memref<16x128xf32, #tpu.memory_space<hbm>>) dst(%arg16 : memref<16x128xf32, #tpu.memory_space<vmem>>)
      %get3A_939 = arith.index_cast %add3A_932 : i32 to index
      %get3A_940 = tpu.vector_load %arg9[%get3A_939] {strides = array<i32>} : memref<528xi32, #tpu.memory_space<vmem>>, vector<16xi32>,
      %slice3A_941 = vector.extract_strided_slice %get3A_940 {offsets = [0], sizes = [1], strides = [1]} : vector<16xi32> to vector<1xi32>
      %squeeze3A_942 = vector.extract %slice3A_941[0] : i32 from vector<1xi32>
      %and3A_943 = arith.constant 127 : i32
      %and3A_944 = arith.andi %squeeze3A_942, %and3A_943 : i32
      %broadcast_in_dim3A_945 = vector.broadcast %and3A_944 : i32 to vector<16xi32>
      %gather3A_946 = tpu.vector_load_idx %arg16[%iota3A, %broadcast_in_dim3A_945] : memref<16x128xf32, #tpu.memory_space<vmem>>[vector<16xi32>, vector<16xi32>], vector<16xf32>,
      %add3A_947 = arith.constant 0 : i32
      %add3A_948 = vector.broadcast %add3A_947 : i32 to vector<16xi32>
      %add3A_949 = arith.addi %iota3A, %add3A_948 : vector<16xi32>
      %broadcast_in_dim3A_950 = vector.broadcast %add3A_932 : i32 to vector<16xi32>
      tpu.vector_store_idx %arg11[%add3A_949, %broadcast_in_dim3A_950], %gather3A_946 : memref<64x512xf32, #tpu.memory_space<vmem>>[vector<16xi32>, vector<16xi32>], vector<16xf32>,
      %add3A_951 = arith.constant 6 : i32
      %add3A_952 = arith.addi %add3A_932, %add3A_951 : i32
      %get3A_953 = arith.index_cast %add3A_952 : i32 to index
      %get3A_954 = tpu.vector_load %arg9[%get3A_953] {strides = array<i32>} : memref<528xi32, #tpu.memory_space<vmem>>, vector<16xi32>,
      %slice3A_955 = vector.extract_strided_slice %get3A_954 {offsets = [0], sizes = [1], strides = [1]} : vector<16xi32> to vector<1xi32>
      %squeeze3A_956 = vector.extract %slice3A_955[0] : i32 from vector<1xi32>
      %shift_right_logical3A_957 = arith.constant 7 : i32
      %shift_right_logical3A_958 = arith.shrui %squeeze3A_956, %shift_right_logical3A_957 : i32
      %mul3A_959 = arith.constant 128 : i32
      %mul3A_960 = arith.muli %shift_right_logical3A_958, %mul3A_959 : i32
      %multiple_of3A_961 = tpu.assume_multiple %mul3A_960, 128 : i32
      %dma_start3A_962 = arith.constant 0 : i32
      %dma_start3A_963 = tpu.memref_slice %arg4[%dma_start3A_962, %multiple_of3A_961] : memref<16x1000000xf32, #tpu.memory_space<hbm>> -> memref<16x128xf32, #tpu.memory_space<hbm>>
      %dma_start3A_964 = arith.constant 0 : i32
      %dma_start3A_965 = tpu.memref_slice %arg4[%dma_start3A_964, %multiple_of3A_961] : memref<16x1000000xf32, #tpu.memory_space<hbm>> -> memref<16x128xf32, #tpu.memory_space<hbm>>
      tpu.enqueue_dma source(%dma_start3A_965 : memref<16x128xf32, #tpu.memory_space<hbm>>) target(%arg16 : memref<16x128xf32, #tpu.memory_space<vmem>>) target_semaphore(%arg22 : memref<!tpu.dma_semaphore, #tpu.memory_space<semaphore_mem>>)
      %mul3A_966 = arith.constant 6 : i32
      %mul3A_967 = arith.muli %scan3A_780, %mul3A_966 : i32
      %add3A_968 = arith.constant 5 : i32
      %add3A_969 = arith.addi %mul3A_967, %add3A_968 : i32
      %dma_wait3A_970 = arith.constant 0 : i32
      %dma_wait3A_971 = arith.constant 0 : i32
      %dma_wait3A_972 = tpu.memref_slice %arg4[%dma_wait3A_970, %dma_wait3A_971] : memref<16x1000000xf32, #tpu.memory_space<hbm>> -> memref<16x128xf32, #tpu.memory_space<hbm>>
      %dma_wait3A_973 = arith.constant 0 : i32
      %dma_wait3A_974 = arith.constant 0 : i32
      %dma_wait3A_975 = tpu.memref_slice %arg4[%dma_wait3A_973, %dma_wait3A_974] : memref<16x1000000xf32, #tpu.memory_space<hbm>> -> memref<16x128xf32, #tpu.memory_space<hbm>>
      tpu.wait_dma2 semaphore(%arg23 : memref<!tpu.dma_semaphore, #tpu.memory_space<semaphore_mem>>) src(%dma_wait3A_975 : memref<16x128xf32, #tpu.memory_space<hbm>>) dst(%arg17 : memref<16x128xf32, #tpu.memory_space<vmem>>)
      %get3A_976 = arith.index_cast %add3A_969 : i32 to index
      %get3A_977 = tpu.vector_load %arg9[%get3A_976] {strides = array<i32>} : memref<528xi32, #tpu.memory_space<vmem>>, vector<16xi32>,
      %slice3A_978 = vector.extract_strided_slice %get3A_977 {offsets = [0], sizes = [1], strides = [1]} : vector<16xi32> to vector<1xi32>
      %squeeze3A_979 = vector.extract %slice3A_978[0] : i32 from vector<1xi32>
      %and3A_980 = arith.constant 127 : i32
      %and3A_981 = arith.andi %squeeze3A_979, %and3A_980 : i32
      %broadcast_in_dim3A_982 = vector.broadcast %and3A_981 : i32 to vector<16xi32>
      %gather3A_983 = tpu.vector_load_idx %arg17[%iota3A, %broadcast_in_dim3A_982] : memref<16x128xf32, #tpu.memory_space<vmem>>[vector<16xi32>, vector<16xi32>], vector<16xf32>,
      %add3A_984 = arith.constant 0 : i32
      %add3A_985 = vector.broadcast %add3A_984 : i32 to vector<16xi32>
      %add3A_986 = arith.addi %iota3A, %add3A_985 : vector<16xi32>
      %broadcast_in_dim3A_987 = vector.broadcast %add3A_969 : i32 to vector<16xi32>
      tpu.vector_store_idx %arg11[%add3A_986, %broadcast_in_dim3A_987], %gather3A_983 : memref<64x512xf32, #tpu.memory_space<vmem>>[vector<16xi32>, vector<16xi32>], vector<16xf32>,
      %add3A_988 = arith.constant 6 : i32
      %add3A_989 = arith.addi %add3A_969, %add3A_988 : i32
      %get3A_990 = arith.index_cast %add3A_989 : i32 to index
      %get3A_991 = tpu.vector_load %arg9[%get3A_990] {strides = array<i32>} : memref<528xi32, #tpu.memory_space<vmem>>, vector<16xi32>,
      %slice3A_992 = vector.extract_strided_slice %get3A_991 {offsets = [0], sizes = [1], strides = [1]} : vector<16xi32> to vector<1xi32>
      %squeeze3A_993 = vector.extract %slice3A_992[0] : i32 from vector<1xi32>
      %shift_right_logical3A_994 = arith.constant 7 : i32
      %shift_right_logical3A_995 = arith.shrui %squeeze3A_993, %shift_right_logical3A_994 : i32
      %mul3A_996 = arith.constant 128 : i32
      %mul3A_997 = arith.muli %shift_right_logical3A_995, %mul3A_996 : i32
      %multiple_of3A_998 = tpu.assume_multiple %mul3A_997, 128 : i32
      %dma_start3A_999 = arith.constant 0 : i32
      %dma_start3A_1000 = tpu.memref_slice %arg4[%dma_start3A_999, %multiple_of3A_998] : memref<16x1000000xf32, #tpu.memory_space<hbm>> -> memref<16x128xf32, #tpu.memory_space<hbm>>
      %dma_start3A_1001 = arith.constant 0 : i32
      %dma_start3A_1002 = tpu.memref_slice %arg4[%dma_start3A_1001, %multiple_of3A_998] : memref<16x1000000xf32, #tpu.memory_space<hbm>> -> memref<16x128xf32, #tpu.memory_space<hbm>>
      tpu.enqueue_dma source(%dma_start3A_1002 : memref<16x128xf32, #tpu.memory_space<hbm>>) target(%arg17 : memref<16x128xf32, #tpu.memory_space<vmem>>) target_semaphore(%arg23 : memref<!tpu.dma_semaphore, #tpu.memory_space<semaphore_mem>>)
    }
    %scan3A_78 = arith.constant 84 : i32
    %dma_wait3A = arith.constant 0 : i32
    %dma_wait3A_79 = arith.constant 0 : i32
    %dma_wait3A_80 = tpu.memref_slice %arg4[%dma_wait3A, %dma_wait3A_79] : memref<16x1000000xf32, #tpu.memory_space<hbm>> -> memref<16x128xf32, #tpu.memory_space<hbm>>
    %dma_wait3A_81 = arith.constant 0 : i32
    %dma_wait3A_82 = arith.constant 0 : i32
    %dma_wait3A_83 = tpu.memref_slice %arg4[%dma_wait3A_81, %dma_wait3A_82] : memref<16x1000000xf32, #tpu.memory_space<hbm>> -> memref<16x128xf32, #tpu.memory_space<hbm>>
    tpu.wait_dma2 semaphore(%arg18 : memref<!tpu.dma_semaphore, #tpu.memory_space<semaphore_mem>>) src(%dma_wait3A_83 : memref<16x128xf32, #tpu.memory_space<hbm>>) dst(%arg12 : memref<16x128xf32, #tpu.memory_space<vmem>>)
    %get3A_84 = arith.constant 506 : index
    %get3A_85 = tpu.vector_load %arg9[%get3A_84] {strides = array<i32>} : memref<528xi32, #tpu.memory_space<vmem>>, vector<16xi32>,
    %slice3A_86 = vector.extract_strided_slice %get3A_85 {offsets = [0], sizes = [1], strides = [1]} : vector<16xi32> to vector<1xi32>
    %squeeze3A_87 = vector.extract %slice3A_86[0] : i32 from vector<1xi32>
    %and3A = arith.constant 127 : i32
    %and3A_88 = arith.andi %squeeze3A_87, %and3A : i32
    %broadcast_in_dim3A = vector.broadcast %and3A_88 : i32 to vector<16xi32>
    %gather3A = tpu.vector_load_idx %arg12[%iota3A, %broadcast_in_dim3A] : memref<16x128xf32, #tpu.memory_space<vmem>>[vector<16xi32>, vector<16xi32>], vector<16xf32>,
    %add3A_89 = arith.constant 0 : i32
    %add3A_90 = vector.broadcast %add3A_89 : i32 to vector<16xi32>
    %add3A_91 = arith.addi %iota3A, %add3A_90 : vector<16xi32>
    %broadcast_in_dim3A_92 = arith.constant 506 : i32
    %broadcast_in_dim3A_93 = vector.broadcast %broadcast_in_dim3A_92 : i32 to vector<16xi32>
    tpu.vector_store_idx %arg11[%add3A_91, %broadcast_in_dim3A_93], %gather3A : memref<64x512xf32, #tpu.memory_space<vmem>>[vector<16xi32>, vector<16xi32>], vector<16xf32>,
    %get3A_94 = arith.constant 0 : index
    %get3A_95 = tpu.vector_load %arg10[%get3A_94] {strides = array<i32>} : memref<528xi32, #tpu.memory_space<vmem>>, vector<16xi32>,
    %slice3A_96 = vector.extract_strided_slice %get3A_95 {offsets = [0], sizes = [1], strides = [1]} : vector<16xi32> to vector<1xi32>
    %squeeze3A_97 = vector.extract %slice3A_96[0] : i32 from vector<1xi32>
    %shift_right_logical3A_98 = arith.constant 7 : i32
    %shift_right_logical3A_99 = arith.shrui %squeeze3A_97, %shift_right_logical3A_98 : i32
    %mul3A_100 = arith.constant 128 : i32
    %mul3A_101 = arith.muli %shift_right_logical3A_99, %mul3A_100 : i32
    %multiple_of3A_102 = tpu.assume_multiple %mul3A_101, 128 : i32
    %dma_start3A_103 = arith.constant 0 : i32
    %dma_start3A_104 = tpu.memref_slice %arg5[%dma_start3A_103, %multiple_of3A_102] : memref<16x1000000xf32, #tpu.memory_space<hbm>> -> memref<16x128xf32, #tpu.memory_space<hbm>>
    %dma_start3A_105 = arith.constant 0 : i32
    %dma_start3A_106 = tpu.memref_slice %arg5[%dma_start3A_105, %multiple_of3A_102] : memref<16x1000000xf32, #tpu.memory_space<hbm>> -> memref<16x128xf32, #tpu.memory_space<hbm>>
    tpu.enqueue_dma source(%dma_start3A_106 : memref<16x128xf32, #tpu.memory_space<hbm>>) target(%arg12 : memref<16x128xf32, #tpu.memory_space<vmem>>) target_semaphore(%arg18 : memref<!tpu.dma_semaphore, #tpu.memory_space<semaphore_mem>>)
    %dma_wait3A_107 = arith.constant 0 : i32
    %dma_wait3A_108 = arith.constant 0 : i32
    %dma_wait3A_109 = tpu.memref_slice %arg4[%dma_wait3A_107, %dma_wait3A_108] : memref<16x1000000xf32, #tpu.memory_space<hbm>> -> memref<16x128xf32, #tpu.memory_space<hbm>>
    %dma_wait3A_110 = arith.constant 0 : i32
    %dma_wait3A_111 = arith.constant 0 : i32
    %dma_wait3A_112 = tpu.memref_slice %arg4[%dma_wait3A_110, %dma_wait3A_111] : memref<16x1000000xf32, #tpu.memory_space<hbm>> -> memref<16x128xf32, #tpu.memory_space<hbm>>
    tpu.wait_dma2 semaphore(%arg19 : memref<!tpu.dma_semaphore, #tpu.memory_space<semaphore_mem>>) src(%dma_wait3A_112 : memref<16x128xf32, #tpu.memory_space<hbm>>) dst(%arg13 : memref<16x128xf32, #tpu.memory_space<vmem>>)
    %get3A_113 = arith.constant 507 : index
    %get3A_114 = tpu.vector_load %arg9[%get3A_113] {strides = array<i32>} : memref<528xi32, #tpu.memory_space<vmem>>, vector<16xi32>,
    %slice3A_115 = vector.extract_strided_slice %get3A_114 {offsets = [0], sizes = [1], strides = [1]} : vector<16xi32> to vector<1xi32>
    %squeeze3A_116 = vector.extract %slice3A_115[0] : i32 from vector<1xi32>
    %and3A_117 = arith.constant 127 : i32
    %and3A_118 = arith.andi %squeeze3A_116, %and3A_117 : i32
    %broadcast_in_dim3A_119 = vector.broadcast %and3A_118 : i32 to vector<16xi32>
    %gather3A_120 = tpu.vector_load_idx %arg13[%iota3A, %broadcast_in_dim3A_119] : memref<16x128xf32, #tpu.memory_space<vmem>>[vector<16xi32>, vector<16xi32>], vector<16xf32>,
    %add3A_121 = arith.constant 0 : i32
    %add3A_122 = vector.broadcast %add3A_121 : i32 to vector<16xi32>
    %add3A_123 = arith.addi %iota3A, %add3A_122 : vector<16xi32>
    %broadcast_in_dim3A_124 = arith.constant 507 : i32
    %broadcast_in_dim3A_125 = vector.broadcast %broadcast_in_dim3A_124 : i32 to vector<16xi32>
    tpu.vector_store_idx %arg11[%add3A_123, %broadcast_in_dim3A_125], %gather3A_120 : memref<64x512xf32, #tpu.memory_space<vmem>>[vector<16xi32>, vector<16xi32>], vector<16xf32>,
    %get3A_126 = arith.constant 1 : index
    %get3A_127 = tpu.vector_load %arg10[%get3A_126] {strides = array<i32>} : memref<528xi32, #tpu.memory_space<vmem>>, vector<16xi32>,
    %slice3A_128 = vector.extract_strided_slice %get3A_127 {offsets = [0], sizes = [1], strides = [1]} : vector<16xi32> to vector<1xi32>
    %squeeze3A_129 = vector.extract %slice3A_128[0] : i32 from vector<1xi32>
    %shift_right_logical3A_130 = arith.constant 7 : i32
    %shift_right_logical3A_131 = arith.shrui %squeeze3A_129, %shift_right_logical3A_130 : i32
    %mul3A_132 = arith.constant 128 : i32
    %mul3A_133 = arith.muli %shift_right_logical3A_131, %mul3A_132 : i32
    %multiple_of3A_134 = tpu.assume_multiple %mul3A_133, 128 : i32
    %dma_start3A_135 = arith.constant 0 : i32
    %dma_start3A_136 = tpu.memref_slice %arg5[%dma_start3A_135, %multiple_of3A_134] : memref<16x1000000xf32, #tpu.memory_space<hbm>> -> memref<16x128xf32, #tpu.memory_space<hbm>>
    %dma_start3A_137 = arith.constant 0 : i32
    %dma_start3A_138 = tpu.memref_slice %arg5[%dma_start3A_137, %multiple_of3A_134] : memref<16x1000000xf32, #tpu.memory_space<hbm>> -> memref<16x128xf32, #tpu.memory_space<hbm>>
    tpu.enqueue_dma source(%dma_start3A_138 : memref<16x128xf32, #tpu.memory_space<hbm>>) target(%arg13 : memref<16x128xf32, #tpu.memory_space<vmem>>) target_semaphore(%arg19 : memref<!tpu.dma_semaphore, #tpu.memory_space<semaphore_mem>>)
    %dma_wait3A_139 = arith.constant 0 : i32
    %dma_wait3A_140 = arith.constant 0 : i32
    %dma_wait3A_141 = tpu.memref_slice %arg4[%dma_wait3A_139, %dma_wait3A_140] : memref<16x1000000xf32, #tpu.memory_space<hbm>> -> memref<16x128xf32, #tpu.memory_space<hbm>>
    %dma_wait3A_142 = arith.constant 0 : i32
    %dma_wait3A_143 = arith.constant 0 : i32
    %dma_wait3A_144 = tpu.memref_slice %arg4[%dma_wait3A_142, %dma_wait3A_143] : memref<16x1000000xf32, #tpu.memory_space<hbm>> -> memref<16x128xf32, #tpu.memory_space<hbm>>
    tpu.wait_dma2 semaphore(%arg20 : memref<!tpu.dma_semaphore, #tpu.memory_space<semaphore_mem>>) src(%dma_wait3A_144 : memref<16x128xf32, #tpu.memory_space<hbm>>) dst(%arg14 : memref<16x128xf32, #tpu.memory_space<vmem>>)
    %get3A_145 = arith.constant 508 : index
    %get3A_146 = tpu.vector_load %arg9[%get3A_145] {strides = array<i32>} : memref<528xi32, #tpu.memory_space<vmem>>, vector<16xi32>,
    %slice3A_147 = vector.extract_strided_slice %get3A_146 {offsets = [0], sizes = [1], strides = [1]} : vector<16xi32> to vector<1xi32>
    %squeeze3A_148 = vector.extract %slice3A_147[0] : i32 from vector<1xi32>
    %and3A_149 = arith.constant 127 : i32
    %and3A_150 = arith.andi %squeeze3A_148, %and3A_149 : i32
    %broadcast_in_dim3A_151 = vector.broadcast %and3A_150 : i32 to vector<16xi32>
    %gather3A_152 = tpu.vector_load_idx %arg14[%iota3A, %broadcast_in_dim3A_151] : memref<16x128xf32, #tpu.memory_space<vmem>>[vector<16xi32>, vector<16xi32>], vector<16xf32>,
    %add3A_153 = arith.constant 0 : i32
    %add3A_154 = vector.broadcast %add3A_153 : i32 to vector<16xi32>
    %add3A_155 = arith.addi %iota3A, %add3A_154 : vector<16xi32>
    %broadcast_in_dim3A_156 = arith.constant 508 : i32
    %broadcast_in_dim3A_157 = vector.broadcast %broadcast_in_dim3A_156 : i32 to vector<16xi32>
    tpu.vector_store_idx %arg11[%add3A_155, %broadcast_in_dim3A_157], %gather3A_152 : memref<64x512xf32, #tpu.memory_space<vmem>>[vector<16xi32>, vector<16xi32>], vector<16xf32>,
    %get3A_158 = arith.constant 2 : index
    %get3A_159 = tpu.vector_load %arg10[%get3A_158] {strides = array<i32>} : memref<528xi32, #tpu.memory_space<vmem>>, vector<16xi32>,
    %slice3A_160 = vector.extract_strided_slice %get3A_159 {offsets = [0], sizes = [1], strides = [1]} : vector<16xi32> to vector<1xi32>
    %squeeze3A_161 = vector.extract %slice3A_160[0] : i32 from vector<1xi32>
    %shift_right_logical3A_162 = arith.constant 7 : i32
    %shift_right_logical3A_163 = arith.shrui %squeeze3A_161, %shift_right_logical3A_162 : i32
    %mul3A_164 = arith.constant 128 : i32
    %mul3A_165 = arith.muli %shift_right_logical3A_163, %mul3A_164 : i32
    %multiple_of3A_166 = tpu.assume_multiple %mul3A_165, 128 : i32
    %dma_start3A_167 = arith.constant 0 : i32
    %dma_start3A_168 = tpu.memref_slice %arg5[%dma_start3A_167, %multiple_of3A_166] : memref<16x1000000xf32, #tpu.memory_space<hbm>> -> memref<16x128xf32, #tpu.memory_space<hbm>>
    %dma_start3A_169 = arith.constant 0 : i32
    %dma_start3A_170 = tpu.memref_slice %arg5[%dma_start3A_169, %multiple_of3A_166] : memref<16x1000000xf32, #tpu.memory_space<hbm>> -> memref<16x128xf32, #tpu.memory_space<hbm>>
    tpu.enqueue_dma source(%dma_start3A_170 : memref<16x128xf32, #tpu.memory_space<hbm>>) target(%arg14 : memref<16x128xf32, #tpu.memory_space<vmem>>) target_semaphore(%arg20 : memref<!tpu.dma_semaphore, #tpu.memory_space<semaphore_mem>>)
    %dma_wait3A_171 = arith.constant 0 : i32
    %dma_wait3A_172 = arith.constant 0 : i32
    %dma_wait3A_173 = tpu.memref_slice %arg4[%dma_wait3A_171, %dma_wait3A_172] : memref<16x1000000xf32, #tpu.memory_space<hbm>> -> memref<16x128xf32, #tpu.memory_space<hbm>>
    %dma_wait3A_174 = arith.constant 0 : i32
    %dma_wait3A_175 = arith.constant 0 : i32
    %dma_wait3A_176 = tpu.memref_slice %arg4[%dma_wait3A_174, %dma_wait3A_175] : memref<16x1000000xf32, #tpu.memory_space<hbm>> -> memref<16x128xf32, #tpu.memory_space<hbm>>
    tpu.wait_dma2 semaphore(%arg21 : memref<!tpu.dma_semaphore, #tpu.memory_space<semaphore_mem>>) src(%dma_wait3A_176 : memref<16x128xf32, #tpu.memory_space<hbm>>) dst(%arg15 : memref<16x128xf32, #tpu.memory_space<vmem>>)
    %get3A_177 = arith.constant 509 : index
    %get3A_178 = tpu.vector_load %arg9[%get3A_177] {strides = array<i32>} : memref<528xi32, #tpu.memory_space<vmem>>, vector<16xi32>,
    %slice3A_179 = vector.extract_strided_slice %get3A_178 {offsets = [0], sizes = [1], strides = [1]} : vector<16xi32> to vector<1xi32>
    %squeeze3A_180 = vector.extract %slice3A_179[0] : i32 from vector<1xi32>
    %and3A_181 = arith.constant 127 : i32
    %and3A_182 = arith.andi %squeeze3A_180, %and3A_181 : i32
    %broadcast_in_dim3A_183 = vector.broadcast %and3A_182 : i32 to vector<16xi32>
    %gather3A_184 = tpu.vector_load_idx %arg15[%iota3A, %broadcast_in_dim3A_183] : memref<16x128xf32, #tpu.memory_space<vmem>>[vector<16xi32>, vector<16xi32>], vector<16xf32>,
    %add3A_185 = arith.constant 0 : i32
    %add3A_186 = vector.broadcast %add3A_185 : i32 to vector<16xi32>
    %add3A_187 = arith.addi %iota3A, %add3A_186 : vector<16xi32>
    %broadcast_in_dim3A_188 = arith.constant 509 : i32
    %broadcast_in_dim3A_189 = vector.broadcast %broadcast_in_dim3A_188 : i32 to vector<16xi32>
    tpu.vector_store_idx %arg11[%add3A_187, %broadcast_in_dim3A_189], %gather3A_184 : memref<64x512xf32, #tpu.memory_space<vmem>>[vector<16xi32>, vector<16xi32>], vector<16xf32>,
    %get3A_190 = arith.constant 3 : index
    %get3A_191 = tpu.vector_load %arg10[%get3A_190] {strides = array<i32>} : memref<528xi32, #tpu.memory_space<vmem>>, vector<16xi32>,
    %slice3A_192 = vector.extract_strided_slice %get3A_191 {offsets = [0], sizes = [1], strides = [1]} : vector<16xi32> to vector<1xi32>
    %squeeze3A_193 = vector.extract %slice3A_192[0] : i32 from vector<1xi32>
    %shift_right_logical3A_194 = arith.constant 7 : i32
    %shift_right_logical3A_195 = arith.shrui %squeeze3A_193, %shift_right_logical3A_194 : i32
    %mul3A_196 = arith.constant 128 : i32
    %mul3A_197 = arith.muli %shift_right_logical3A_195, %mul3A_196 : i32
    %multiple_of3A_198 = tpu.assume_multiple %mul3A_197, 128 : i32
    %dma_start3A_199 = arith.constant 0 : i32
    %dma_start3A_200 = tpu.memref_slice %arg5[%dma_start3A_199, %multiple_of3A_198] : memref<16x1000000xf32, #tpu.memory_space<hbm>> -> memref<16x128xf32, #tpu.memory_space<hbm>>
    %dma_start3A_201 = arith.constant 0 : i32
    %dma_start3A_202 = tpu.memref_slice %arg5[%dma_start3A_201, %multiple_of3A_198] : memref<16x1000000xf32, #tpu.memory_space<hbm>> -> memref<16x128xf32, #tpu.memory_space<hbm>>
    tpu.enqueue_dma source(%dma_start3A_202 : memref<16x128xf32, #tpu.memory_space<hbm>>) target(%arg15 : memref<16x128xf32, #tpu.memory_space<vmem>>) target_semaphore(%arg21 : memref<!tpu.dma_semaphore, #tpu.memory_space<semaphore_mem>>)
    %dma_wait3A_203 = arith.constant 0 : i32
    %dma_wait3A_204 = arith.constant 0 : i32
    %dma_wait3A_205 = tpu.memref_slice %arg4[%dma_wait3A_203, %dma_wait3A_204] : memref<16x1000000xf32, #tpu.memory_space<hbm>> -> memref<16x128xf32, #tpu.memory_space<hbm>>
    %dma_wait3A_206 = arith.constant 0 : i32
    %dma_wait3A_207 = arith.constant 0 : i32
    %dma_wait3A_208 = tpu.memref_slice %arg4[%dma_wait3A_206, %dma_wait3A_207] : memref<16x1000000xf32, #tpu.memory_space<hbm>> -> memref<16x128xf32, #tpu.memory_space<hbm>>
    tpu.wait_dma2 semaphore(%arg22 : memref<!tpu.dma_semaphore, #tpu.memory_space<semaphore_mem>>) src(%dma_wait3A_208 : memref<16x128xf32, #tpu.memory_space<hbm>>) dst(%arg16 : memref<16x128xf32, #tpu.memory_space<vmem>>)
    %get3A_209 = arith.constant 510 : index
    %get3A_210 = tpu.vector_load %arg9[%get3A_209] {strides = array<i32>} : memref<528xi32, #tpu.memory_space<vmem>>, vector<16xi32>,
    %slice3A_211 = vector.extract_strided_slice %get3A_210 {offsets = [0], sizes = [1], strides = [1]} : vector<16xi32> to vector<1xi32>
    %squeeze3A_212 = vector.extract %slice3A_211[0] : i32 from vector<1xi32>
    %and3A_213 = arith.constant 127 : i32
    %and3A_214 = arith.andi %squeeze3A_212, %and3A_213 : i32
    %broadcast_in_dim3A_215 = vector.broadcast %and3A_214 : i32 to vector<16xi32>
    %gather3A_216 = tpu.vector_load_idx %arg16[%iota3A, %broadcast_in_dim3A_215] : memref<16x128xf32, #tpu.memory_space<vmem>>[vector<16xi32>, vector<16xi32>], vector<16xf32>,
    %add3A_217 = arith.constant 0 : i32
    %add3A_218 = vector.broadcast %add3A_217 : i32 to vector<16xi32>
    %add3A_219 = arith.addi %iota3A, %add3A_218 : vector<16xi32>
    %broadcast_in_dim3A_220 = arith.constant 510 : i32
    %broadcast_in_dim3A_221 = vector.broadcast %broadcast_in_dim3A_220 : i32 to vector<16xi32>
    tpu.vector_store_idx %arg11[%add3A_219, %broadcast_in_dim3A_221], %gather3A_216 : memref<64x512xf32, #tpu.memory_space<vmem>>[vector<16xi32>, vector<16xi32>], vector<16xf32>,
    %get3A_222 = arith.constant 4 : index
    %get3A_223 = tpu.vector_load %arg10[%get3A_222] {strides = array<i32>} : memref<528xi32, #tpu.memory_space<vmem>>, vector<16xi32>,
    %slice3A_224 = vector.extract_strided_slice %get3A_223 {offsets = [0], sizes = [1], strides = [1]} : vector<16xi32> to vector<1xi32>
    %squeeze3A_225 = vector.extract %slice3A_224[0] : i32 from vector<1xi32>
    %shift_right_logical3A_226 = arith.constant 7 : i32
    %shift_right_logical3A_227 = arith.shrui %squeeze3A_225, %shift_right_logical3A_226 : i32
    %mul3A_228 = arith.constant 128 : i32
    %mul3A_229 = arith.muli %shift_right_logical3A_227, %mul3A_228 : i32
    %multiple_of3A_230 = tpu.assume_multiple %mul3A_229, 128 : i32
    %dma_start3A_231 = arith.constant 0 : i32
    %dma_start3A_232 = tpu.memref_slice %arg5[%dma_start3A_231, %multiple_of3A_230] : memref<16x1000000xf32, #tpu.memory_space<hbm>> -> memref<16x128xf32, #tpu.memory_space<hbm>>
    %dma_start3A_233 = arith.constant 0 : i32
    %dma_start3A_234 = tpu.memref_slice %arg5[%dma_start3A_233, %multiple_of3A_230] : memref<16x1000000xf32, #tpu.memory_space<hbm>> -> memref<16x128xf32, #tpu.memory_space<hbm>>
    tpu.enqueue_dma source(%dma_start3A_234 : memref<16x128xf32, #tpu.memory_space<hbm>>) target(%arg16 : memref<16x128xf32, #tpu.memory_space<vmem>>) target_semaphore(%arg22 : memref<!tpu.dma_semaphore, #tpu.memory_space<semaphore_mem>>)
    %dma_wait3A_235 = arith.constant 0 : i32
    %dma_wait3A_236 = arith.constant 0 : i32
    %dma_wait3A_237 = tpu.memref_slice %arg4[%dma_wait3A_235, %dma_wait3A_236] : memref<16x1000000xf32, #tpu.memory_space<hbm>> -> memref<16x128xf32, #tpu.memory_space<hbm>>
    %dma_wait3A_238 = arith.constant 0 : i32
    %dma_wait3A_239 = arith.constant 0 : i32
    %dma_wait3A_240 = tpu.memref_slice %arg4[%dma_wait3A_238, %dma_wait3A_239] : memref<16x1000000xf32, #tpu.memory_space<hbm>> -> memref<16x128xf32, #tpu.memory_space<hbm>>
    tpu.wait_dma2 semaphore(%arg23 : memref<!tpu.dma_semaphore, #tpu.memory_space<semaphore_mem>>) src(%dma_wait3A_240 : memref<16x128xf32, #tpu.memory_space<hbm>>) dst(%arg17 : memref<16x128xf32, #tpu.memory_space<vmem>>)
    %get3A_241 = arith.constant 511 : index
    %get3A_242 = tpu.vector_load %arg9[%get3A_241] {strides = array<i32>} : memref<528xi32, #tpu.memory_space<vmem>>, vector<16xi32>,
    %slice3A_243 = vector.extract_strided_slice %get3A_242 {offsets = [0], sizes = [1], strides = [1]} : vector<16xi32> to vector<1xi32>
    %squeeze3A_244 = vector.extract %slice3A_243[0] : i32 from vector<1xi32>
    %and3A_245 = arith.constant 127 : i32
    %and3A_246 = arith.andi %squeeze3A_244, %and3A_245 : i32
    %broadcast_in_dim3A_247 = vector.broadcast %and3A_246 : i32 to vector<16xi32>
    %gather3A_248 = tpu.vector_load_idx %arg17[%iota3A, %broadcast_in_dim3A_247] : memref<16x128xf32, #tpu.memory_space<vmem>>[vector<16xi32>, vector<16xi32>], vector<16xf32>,
    %add3A_249 = arith.constant 0 : i32
    %add3A_250 = vector.broadcast %add3A_249 : i32 to vector<16xi32>
    %add3A_251 = arith.addi %iota3A, %add3A_250 : vector<16xi32>
    %broadcast_in_dim3A_252 = arith.constant 511 : i32
    %broadcast_in_dim3A_253 = vector.broadcast %broadcast_in_dim3A_252 : i32 to vector<16xi32>
    tpu.vector_store_idx %arg11[%add3A_251, %broadcast_in_dim3A_253], %gather3A_248 : memref<64x512xf32, #tpu.memory_space<vmem>>[vector<16xi32>, vector<16xi32>], vector<16xf32>,
    %get3A_254 = arith.constant 5 : index
    %get3A_255 = tpu.vector_load %arg10[%get3A_254] {strides = array<i32>} : memref<528xi32, #tpu.memory_space<vmem>>, vector<16xi32>,
    %slice3A_256 = vector.extract_strided_slice %get3A_255 {offsets = [0], sizes = [1], strides = [1]} : vector<16xi32> to vector<1xi32>
    %squeeze3A_257 = vector.extract %slice3A_256[0] : i32 from vector<1xi32>
    %shift_right_logical3A_258 = arith.constant 7 : i32
    %shift_right_logical3A_259 = arith.shrui %squeeze3A_257, %shift_right_logical3A_258 : i32
    %mul3A_260 = arith.constant 128 : i32
    %mul3A_261 = arith.muli %shift_right_logical3A_259, %mul3A_260 : i32
    %multiple_of3A_262 = tpu.assume_multiple %mul3A_261, 128 : i32
    %dma_start3A_263 = arith.constant 0 : i32
    %dma_start3A_264 = tpu.memref_slice %arg5[%dma_start3A_263, %multiple_of3A_262] : memref<16x1000000xf32, #tpu.memory_space<hbm>> -> memref<16x128xf32, #tpu.memory_space<hbm>>
    %dma_start3A_265 = arith.constant 0 : i32
    %dma_start3A_266 = tpu.memref_slice %arg5[%dma_start3A_265, %multiple_of3A_262] : memref<16x1000000xf32, #tpu.memory_space<hbm>> -> memref<16x128xf32, #tpu.memory_space<hbm>>
    tpu.enqueue_dma source(%dma_start3A_266 : memref<16x128xf32, #tpu.memory_space<hbm>>) target(%arg17 : memref<16x128xf32, #tpu.memory_space<vmem>>) target_semaphore(%arg23 : memref<!tpu.dma_semaphore, #tpu.memory_space<semaphore_mem>>)
    %scan3A_267 = arith.constant 0 : i32
    %scan3A_268 = arith.constant 84 : i32
    %scan3A_269 = arith.addi %scan3A_267, %scan3A_268 : i32
    %scan3A_270 = arith.constant 1 : i32
    scf.for %scan3A_780 = %scan3A_267 to %scan3A_269 step %scan3A_270  : i32 {
      %mul3A_781 = arith.constant 6 : i32
      %mul3A_782 = arith.muli %scan3A_780, %mul3A_781 : i32
      %add3A_783 = arith.constant 0 : i32
      %add3A_784 = arith.addi %mul3A_782, %add3A_783 : i32
      %dma_wait3A_785 = arith.constant 0 : i32
      %dma_wait3A_786 = arith.constant 0 : i32
      %dma_wait3A_787 = tpu.memref_slice %arg4[%dma_wait3A_785, %dma_wait3A_786] : memref<16x1000000xf32, #tpu.memory_space<hbm>> -> memref<16x128xf32, #tpu.memory_space<hbm>>
      %dma_wait3A_788 = arith.constant 0 : i32
      %dma_wait3A_789 = arith.constant 0 : i32
      %dma_wait3A_790 = tpu.memref_slice %arg4[%dma_wait3A_788, %dma_wait3A_789] : memref<16x1000000xf32, #tpu.memory_space<hbm>> -> memref<16x128xf32, #tpu.memory_space<hbm>>
      tpu.wait_dma2 semaphore(%arg18 : memref<!tpu.dma_semaphore, #tpu.memory_space<semaphore_mem>>) src(%dma_wait3A_790 : memref<16x128xf32, #tpu.memory_space<hbm>>) dst(%arg12 : memref<16x128xf32, #tpu.memory_space<vmem>>)
      %get3A_791 = arith.index_cast %add3A_784 : i32 to index
      %get3A_792 = tpu.vector_load %arg10[%get3A_791] {strides = array<i32>} : memref<528xi32, #tpu.memory_space<vmem>>, vector<16xi32>,
      %slice3A_793 = vector.extract_strided_slice %get3A_792 {offsets = [0], sizes = [1], strides = [1]} : vector<16xi32> to vector<1xi32>
      %squeeze3A_794 = vector.extract %slice3A_793[0] : i32 from vector<1xi32>
      %and3A_795 = arith.constant 127 : i32
      %and3A_796 = arith.andi %squeeze3A_794, %and3A_795 : i32
      %broadcast_in_dim3A_797 = vector.broadcast %and3A_796 : i32 to vector<16xi32>
      %gather3A_798 = tpu.vector_load_idx %arg12[%iota3A, %broadcast_in_dim3A_797] : memref<16x128xf32, #tpu.memory_space<vmem>>[vector<16xi32>, vector<16xi32>], vector<16xf32>,
      %add3A_799 = arith.constant 16 : i32
      %add3A_800 = vector.broadcast %add3A_799 : i32 to vector<16xi32>
      %add3A_801 = arith.addi %iota3A, %add3A_800 : vector<16xi32>
      %broadcast_in_dim3A_802 = vector.broadcast %add3A_784 : i32 to vector<16xi32>
      tpu.vector_store_idx %arg11[%add3A_801, %broadcast_in_dim3A_802], %gather3A_798 : memref<64x512xf32, #tpu.memory_space<vmem>>[vector<16xi32>, vector<16xi32>], vector<16xf32>,
      %add3A_803 = arith.constant 6 : i32
      %add3A_804 = arith.addi %add3A_784, %add3A_803 : i32
      %get3A_805 = arith.index_cast %add3A_804 : i32 to index
      %get3A_806 = tpu.vector_load %arg10[%get3A_805] {strides = array<i32>} : memref<528xi32, #tpu.memory_space<vmem>>, vector<16xi32>,
      %slice3A_807 = vector.extract_strided_slice %get3A_806 {offsets = [0], sizes = [1], strides = [1]} : vector<16xi32> to vector<1xi32>
      %squeeze3A_808 = vector.extract %slice3A_807[0] : i32 from vector<1xi32>
      %shift_right_logical3A_809 = arith.constant 7 : i32
      %shift_right_logical3A_810 = arith.shrui %squeeze3A_808, %shift_right_logical3A_809 : i32
      %mul3A_811 = arith.constant 128 : i32
      %mul3A_812 = arith.muli %shift_right_logical3A_810, %mul3A_811 : i32
      %multiple_of3A_813 = tpu.assume_multiple %mul3A_812, 128 : i32
      %dma_start3A_814 = arith.constant 0 : i32
      %dma_start3A_815 = tpu.memref_slice %arg5[%dma_start3A_814, %multiple_of3A_813] : memref<16x1000000xf32, #tpu.memory_space<hbm>> -> memref<16x128xf32, #tpu.memory_space<hbm>>
      %dma_start3A_816 = arith.constant 0 : i32
      %dma_start3A_817 = tpu.memref_slice %arg5[%dma_start3A_816, %multiple_of3A_813] : memref<16x1000000xf32, #tpu.memory_space<hbm>> -> memref<16x128xf32, #tpu.memory_space<hbm>>
      tpu.enqueue_dma source(%dma_start3A_817 : memref<16x128xf32, #tpu.memory_space<hbm>>) target(%arg12 : memref<16x128xf32, #tpu.memory_space<vmem>>) target_semaphore(%arg18 : memref<!tpu.dma_semaphore, #tpu.memory_space<semaphore_mem>>)
      %mul3A_818 = arith.constant 6 : i32
      %mul3A_819 = arith.muli %scan3A_780, %mul3A_818 : i32
      %add3A_820 = arith.constant 1 : i32
      %add3A_821 = arith.addi %mul3A_819, %add3A_820 : i32
      %dma_wait3A_822 = arith.constant 0 : i32
      %dma_wait3A_823 = arith.constant 0 : i32
      %dma_wait3A_824 = tpu.memref_slice %arg4[%dma_wait3A_822, %dma_wait3A_823] : memref<16x1000000xf32, #tpu.memory_space<hbm>> -> memref<16x128xf32, #tpu.memory_space<hbm>>
      %dma_wait3A_825 = arith.constant 0 : i32
      %dma_wait3A_826 = arith.constant 0 : i32
      %dma_wait3A_827 = tpu.memref_slice %arg4[%dma_wait3A_825, %dma_wait3A_826] : memref<16x1000000xf32, #tpu.memory_space<hbm>> -> memref<16x128xf32, #tpu.memory_space<hbm>>
      tpu.wait_dma2 semaphore(%arg19 : memref<!tpu.dma_semaphore, #tpu.memory_space<semaphore_mem>>) src(%dma_wait3A_827 : memref<16x128xf32, #tpu.memory_space<hbm>>) dst(%arg13 : memref<16x128xf32, #tpu.memory_space<vmem>>)
      %get3A_828 = arith.index_cast %add3A_821 : i32 to index
      %get3A_829 = tpu.vector_load %arg10[%get3A_828] {strides = array<i32>} : memref<528xi32, #tpu.memory_space<vmem>>, vector<16xi32>,
      %slice3A_830 = vector.extract_strided_slice %get3A_829 {offsets = [0], sizes = [1], strides = [1]} : vector<16xi32> to vector<1xi32>
      %squeeze3A_831 = vector.extract %slice3A_830[0] : i32 from vector<1xi32>
      %and3A_832 = arith.constant 127 : i32
      %and3A_833 = arith.andi %squeeze3A_831, %and3A_832 : i32
      %broadcast_in_dim3A_834 = vector.broadcast %and3A_833 : i32 to vector<16xi32>
      %gather3A_835 = tpu.vector_load_idx %arg13[%iota3A, %broadcast_in_dim3A_834] : memref<16x128xf32, #tpu.memory_space<vmem>>[vector<16xi32>, vector<16xi32>], vector<16xf32>,
      %add3A_836 = arith.constant 16 : i32
      %add3A_837 = vector.broadcast %add3A_836 : i32 to vector<16xi32>
      %add3A_838 = arith.addi %iota3A, %add3A_837 : vector<16xi32>
      %broadcast_in_dim3A_839 = vector.broadcast %add3A_821 : i32 to vector<16xi32>
      tpu.vector_store_idx %arg11[%add3A_838, %broadcast_in_dim3A_839], %gather3A_835 : memref<64x512xf32, #tpu.memory_space<vmem>>[vector<16xi32>, vector<16xi32>], vector<16xf32>,
      %add3A_840 = arith.constant 6 : i32
      %add3A_841 = arith.addi %add3A_821, %add3A_840 : i32
      %get3A_842 = arith.index_cast %add3A_841 : i32 to index
      %get3A_843 = tpu.vector_load %arg10[%get3A_842] {strides = array<i32>} : memref<528xi32, #tpu.memory_space<vmem>>, vector<16xi32>,
      %slice3A_844 = vector.extract_strided_slice %get3A_843 {offsets = [0], sizes = [1], strides = [1]} : vector<16xi32> to vector<1xi32>
      %squeeze3A_845 = vector.extract %slice3A_844[0] : i32 from vector<1xi32>
      %shift_right_logical3A_846 = arith.constant 7 : i32
      %shift_right_logical3A_847 = arith.shrui %squeeze3A_845, %shift_right_logical3A_846 : i32
      %mul3A_848 = arith.constant 128 : i32
      %mul3A_849 = arith.muli %shift_right_logical3A_847, %mul3A_848 : i32
      %multiple_of3A_850 = tpu.assume_multiple %mul3A_849, 128 : i32
      %dma_start3A_851 = arith.constant 0 : i32
      %dma_start3A_852 = tpu.memref_slice %arg5[%dma_start3A_851, %multiple_of3A_850] : memref<16x1000000xf32, #tpu.memory_space<hbm>> -> memref<16x128xf32, #tpu.memory_space<hbm>>
      %dma_start3A_853 = arith.constant 0 : i32
      %dma_start3A_854 = tpu.memref_slice %arg5[%dma_start3A_853, %multiple_of3A_850] : memref<16x1000000xf32, #tpu.memory_space<hbm>> -> memref<16x128xf32, #tpu.memory_space<hbm>>
      tpu.enqueue_dma source(%dma_start3A_854 : memref<16x128xf32, #tpu.memory_space<hbm>>) target(%arg13 : memref<16x128xf32, #tpu.memory_space<vmem>>) target_semaphore(%arg19 : memref<!tpu.dma_semaphore, #tpu.memory_space<semaphore_mem>>)
      %mul3A_855 = arith.constant 6 : i32
      %mul3A_856 = arith.muli %scan3A_780, %mul3A_855 : i32
      %add3A_857 = arith.constant 2 : i32
      %add3A_858 = arith.addi %mul3A_856, %add3A_857 : i32
      %dma_wait3A_859 = arith.constant 0 : i32
      %dma_wait3A_860 = arith.constant 0 : i32
      %dma_wait3A_861 = tpu.memref_slice %arg4[%dma_wait3A_859, %dma_wait3A_860] : memref<16x1000000xf32, #tpu.memory_space<hbm>> -> memref<16x128xf32, #tpu.memory_space<hbm>>
      %dma_wait3A_862 = arith.constant 0 : i32
      %dma_wait3A_863 = arith.constant 0 : i32
      %dma_wait3A_864 = tpu.memref_slice %arg4[%dma_wait3A_862, %dma_wait3A_863] : memref<16x1000000xf32, #tpu.memory_space<hbm>> -> memref<16x128xf32, #tpu.memory_space<hbm>>
      tpu.wait_dma2 semaphore(%arg20 : memref<!tpu.dma_semaphore, #tpu.memory_space<semaphore_mem>>) src(%dma_wait3A_864 : memref<16x128xf32, #tpu.memory_space<hbm>>) dst(%arg14 : memref<16x128xf32, #tpu.memory_space<vmem>>)
      %get3A_865 = arith.index_cast %add3A_858 : i32 to index
      %get3A_866 = tpu.vector_load %arg10[%get3A_865] {strides = array<i32>} : memref<528xi32, #tpu.memory_space<vmem>>, vector<16xi32>,
      %slice3A_867 = vector.extract_strided_slice %get3A_866 {offsets = [0], sizes = [1], strides = [1]} : vector<16xi32> to vector<1xi32>
      %squeeze3A_868 = vector.extract %slice3A_867[0] : i32 from vector<1xi32>
      %and3A_869 = arith.constant 127 : i32
      %and3A_870 = arith.andi %squeeze3A_868, %and3A_869 : i32
      %broadcast_in_dim3A_871 = vector.broadcast %and3A_870 : i32 to vector<16xi32>
      %gather3A_872 = tpu.vector_load_idx %arg14[%iota3A, %broadcast_in_dim3A_871] : memref<16x128xf32, #tpu.memory_space<vmem>>[vector<16xi32>, vector<16xi32>], vector<16xf32>,
      %add3A_873 = arith.constant 16 : i32
      %add3A_874 = vector.broadcast %add3A_873 : i32 to vector<16xi32>
      %add3A_875 = arith.addi %iota3A, %add3A_874 : vector<16xi32>
      %broadcast_in_dim3A_876 = vector.broadcast %add3A_858 : i32 to vector<16xi32>
      tpu.vector_store_idx %arg11[%add3A_875, %broadcast_in_dim3A_876], %gather3A_872 : memref<64x512xf32, #tpu.memory_space<vmem>>[vector<16xi32>, vector<16xi32>], vector<16xf32>,
      %add3A_877 = arith.constant 6 : i32
      %add3A_878 = arith.addi %add3A_858, %add3A_877 : i32
      %get3A_879 = arith.index_cast %add3A_878 : i32 to index
      %get3A_880 = tpu.vector_load %arg10[%get3A_879] {strides = array<i32>} : memref<528xi32, #tpu.memory_space<vmem>>, vector<16xi32>,
      %slice3A_881 = vector.extract_strided_slice %get3A_880 {offsets = [0], sizes = [1], strides = [1]} : vector<16xi32> to vector<1xi32>
      %squeeze3A_882 = vector.extract %slice3A_881[0] : i32 from vector<1xi32>
      %shift_right_logical3A_883 = arith.constant 7 : i32
      %shift_right_logical3A_884 = arith.shrui %squeeze3A_882, %shift_right_logical3A_883 : i32
      %mul3A_885 = arith.constant 128 : i32
      %mul3A_886 = arith.muli %shift_right_logical3A_884, %mul3A_885 : i32
      %multiple_of3A_887 = tpu.assume_multiple %mul3A_886, 128 : i32
      %dma_start3A_888 = arith.constant 0 : i32
      %dma_start3A_889 = tpu.memref_slice %arg5[%dma_start3A_888, %multiple_of3A_887] : memref<16x1000000xf32, #tpu.memory_space<hbm>> -> memref<16x128xf32, #tpu.memory_space<hbm>>
      %dma_start3A_890 = arith.constant 0 : i32
      %dma_start3A_891 = tpu.memref_slice %arg5[%dma_start3A_890, %multiple_of3A_887] : memref<16x1000000xf32, #tpu.memory_space<hbm>> -> memref<16x128xf32, #tpu.memory_space<hbm>>
      tpu.enqueue_dma source(%dma_start3A_891 : memref<16x128xf32, #tpu.memory_space<hbm>>) target(%arg14 : memref<16x128xf32, #tpu.memory_space<vmem>>) target_semaphore(%arg20 : memref<!tpu.dma_semaphore, #tpu.memory_space<semaphore_mem>>)
      %mul3A_892 = arith.constant 6 : i32
      %mul3A_893 = arith.muli %scan3A_780, %mul3A_892 : i32
      %add3A_894 = arith.constant 3 : i32
      %add3A_895 = arith.addi %mul3A_893, %add3A_894 : i32
      %dma_wait3A_896 = arith.constant 0 : i32
      %dma_wait3A_897 = arith.constant 0 : i32
      %dma_wait3A_898 = tpu.memref_slice %arg4[%dma_wait3A_896, %dma_wait3A_897] : memref<16x1000000xf32, #tpu.memory_space<hbm>> -> memref<16x128xf32, #tpu.memory_space<hbm>>
      %dma_wait3A_899 = arith.constant 0 : i32
      %dma_wait3A_900 = arith.constant 0 : i32
      %dma_wait3A_901 = tpu.memref_slice %arg4[%dma_wait3A_899, %dma_wait3A_900] : memref<16x1000000xf32, #tpu.memory_space<hbm>> -> memref<16x128xf32, #tpu.memory_space<hbm>>
      tpu.wait_dma2 semaphore(%arg21 : memref<!tpu.dma_semaphore, #tpu.memory_space<semaphore_mem>>) src(%dma_wait3A_901 : memref<16x128xf32, #tpu.memory_space<hbm>>) dst(%arg15 : memref<16x128xf32, #tpu.memory_space<vmem>>)
      %get3A_902 = arith.index_cast %add3A_895 : i32 to index
      %get3A_903 = tpu.vector_load %arg10[%get3A_902] {strides = array<i32>} : memref<528xi32, #tpu.memory_space<vmem>>, vector<16xi32>,
      %slice3A_904 = vector.extract_strided_slice %get3A_903 {offsets = [0], sizes = [1], strides = [1]} : vector<16xi32> to vector<1xi32>
      %squeeze3A_905 = vector.extract %slice3A_904[0] : i32 from vector<1xi32>
      %and3A_906 = arith.constant 127 : i32
      %and3A_907 = arith.andi %squeeze3A_905, %and3A_906 : i32
      %broadcast_in_dim3A_908 = vector.broadcast %and3A_907 : i32 to vector<16xi32>
      %gather3A_909 = tpu.vector_load_idx %arg15[%iota3A, %broadcast_in_dim3A_908] : memref<16x128xf32, #tpu.memory_space<vmem>>[vector<16xi32>, vector<16xi32>], vector<16xf32>,
      %add3A_910 = arith.constant 16 : i32
      %add3A_911 = vector.broadcast %add3A_910 : i32 to vector<16xi32>
      %add3A_912 = arith.addi %iota3A, %add3A_911 : vector<16xi32>
      %broadcast_in_dim3A_913 = vector.broadcast %add3A_895 : i32 to vector<16xi32>
      tpu.vector_store_idx %arg11[%add3A_912, %broadcast_in_dim3A_913], %gather3A_909 : memref<64x512xf32, #tpu.memory_space<vmem>>[vector<16xi32>, vector<16xi32>], vector<16xf32>,
      %add3A_914 = arith.constant 6 : i32
      %add3A_915 = arith.addi %add3A_895, %add3A_914 : i32
      %get3A_916 = arith.index_cast %add3A_915 : i32 to index
      %get3A_917 = tpu.vector_load %arg10[%get3A_916] {strides = array<i32>} : memref<528xi32, #tpu.memory_space<vmem>>, vector<16xi32>,
      %slice3A_918 = vector.extract_strided_slice %get3A_917 {offsets = [0], sizes = [1], strides = [1]} : vector<16xi32> to vector<1xi32>
      %squeeze3A_919 = vector.extract %slice3A_918[0] : i32 from vector<1xi32>
      %shift_right_logical3A_920 = arith.constant 7 : i32
      %shift_right_logical3A_921 = arith.shrui %squeeze3A_919, %shift_right_logical3A_920 : i32
      %mul3A_922 = arith.constant 128 : i32
      %mul3A_923 = arith.muli %shift_right_logical3A_921, %mul3A_922 : i32
      %multiple_of3A_924 = tpu.assume_multiple %mul3A_923, 128 : i32
      %dma_start3A_925 = arith.constant 0 : i32
      %dma_start3A_926 = tpu.memref_slice %arg5[%dma_start3A_925, %multiple_of3A_924] : memref<16x1000000xf32, #tpu.memory_space<hbm>> -> memref<16x128xf32, #tpu.memory_space<hbm>>
      %dma_start3A_927 = arith.constant 0 : i32
      %dma_start3A_928 = tpu.memref_slice %arg5[%dma_start3A_927, %multiple_of3A_924] : memref<16x1000000xf32, #tpu.memory_space<hbm>> -> memref<16x128xf32, #tpu.memory_space<hbm>>
      tpu.enqueue_dma source(%dma_start3A_928 : memref<16x128xf32, #tpu.memory_space<hbm>>) target(%arg15 : memref<16x128xf32, #tpu.memory_space<vmem>>) target_semaphore(%arg21 : memref<!tpu.dma_semaphore, #tpu.memory_space<semaphore_mem>>)
      %mul3A_929 = arith.constant 6 : i32
      %mul3A_930 = arith.muli %scan3A_780, %mul3A_929 : i32
      %add3A_931 = arith.constant 4 : i32
      %add3A_932 = arith.addi %mul3A_930, %add3A_931 : i32
      %dma_wait3A_933 = arith.constant 0 : i32
      %dma_wait3A_934 = arith.constant 0 : i32
      %dma_wait3A_935 = tpu.memref_slice %arg4[%dma_wait3A_933, %dma_wait3A_934] : memref<16x1000000xf32, #tpu.memory_space<hbm>> -> memref<16x128xf32, #tpu.memory_space<hbm>>
      %dma_wait3A_936 = arith.constant 0 : i32
      %dma_wait3A_937 = arith.constant 0 : i32
      %dma_wait3A_938 = tpu.memref_slice %arg4[%dma_wait3A_936, %dma_wait3A_937] : memref<16x1000000xf32, #tpu.memory_space<hbm>> -> memref<16x128xf32, #tpu.memory_space<hbm>>
      tpu.wait_dma2 semaphore(%arg22 : memref<!tpu.dma_semaphore, #tpu.memory_space<semaphore_mem>>) src(%dma_wait3A_938 : memref<16x128xf32, #tpu.memory_space<hbm>>) dst(%arg16 : memref<16x128xf32, #tpu.memory_space<vmem>>)
      %get3A_939 = arith.index_cast %add3A_932 : i32 to index
      %get3A_940 = tpu.vector_load %arg10[%get3A_939] {strides = array<i32>} : memref<528xi32, #tpu.memory_space<vmem>>, vector<16xi32>,
      %slice3A_941 = vector.extract_strided_slice %get3A_940 {offsets = [0], sizes = [1], strides = [1]} : vector<16xi32> to vector<1xi32>
      %squeeze3A_942 = vector.extract %slice3A_941[0] : i32 from vector<1xi32>
      %and3A_943 = arith.constant 127 : i32
      %and3A_944 = arith.andi %squeeze3A_942, %and3A_943 : i32
      %broadcast_in_dim3A_945 = vector.broadcast %and3A_944 : i32 to vector<16xi32>
      %gather3A_946 = tpu.vector_load_idx %arg16[%iota3A, %broadcast_in_dim3A_945] : memref<16x128xf32, #tpu.memory_space<vmem>>[vector<16xi32>, vector<16xi32>], vector<16xf32>,
      %add3A_947 = arith.constant 16 : i32
      %add3A_948 = vector.broadcast %add3A_947 : i32 to vector<16xi32>
      %add3A_949 = arith.addi %iota3A, %add3A_948 : vector<16xi32>
      %broadcast_in_dim3A_950 = vector.broadcast %add3A_932 : i32 to vector<16xi32>
      tpu.vector_store_idx %arg11[%add3A_949, %broadcast_in_dim3A_950], %gather3A_946 : memref<64x512xf32, #tpu.memory_space<vmem>>[vector<16xi32>, vector<16xi32>], vector<16xf32>,
      %add3A_951 = arith.constant 6 : i32
      %add3A_952 = arith.addi %add3A_932, %add3A_951 : i32
      %get3A_953 = arith.index_cast %add3A_952 : i32 to index
      %get3A_954 = tpu.vector_load %arg10[%get3A_953] {strides = array<i32>} : memref<528xi32, #tpu.memory_space<vmem>>, vector<16xi32>,
      %slice3A_955 = vector.extract_strided_slice %get3A_954 {offsets = [0], sizes = [1], strides = [1]} : vector<16xi32> to vector<1xi32>
      %squeeze3A_956 = vector.extract %slice3A_955[0] : i32 from vector<1xi32>
      %shift_right_logical3A_957 = arith.constant 7 : i32
      %shift_right_logical3A_958 = arith.shrui %squeeze3A_956, %shift_right_logical3A_957 : i32
      %mul3A_959 = arith.constant 128 : i32
      %mul3A_960 = arith.muli %shift_right_logical3A_958, %mul3A_959 : i32
      %multiple_of3A_961 = tpu.assume_multiple %mul3A_960, 128 : i32
      %dma_start3A_962 = arith.constant 0 : i32
      %dma_start3A_963 = tpu.memref_slice %arg5[%dma_start3A_962, %multiple_of3A_961] : memref<16x1000000xf32, #tpu.memory_space<hbm>> -> memref<16x128xf32, #tpu.memory_space<hbm>>
      %dma_start3A_964 = arith.constant 0 : i32
      %dma_start3A_965 = tpu.memref_slice %arg5[%dma_start3A_964, %multiple_of3A_961] : memref<16x1000000xf32, #tpu.memory_space<hbm>> -> memref<16x128xf32, #tpu.memory_space<hbm>>
      tpu.enqueue_dma source(%dma_start3A_965 : memref<16x128xf32, #tpu.memory_space<hbm>>) target(%arg16 : memref<16x128xf32, #tpu.memory_space<vmem>>) target_semaphore(%arg22 : memref<!tpu.dma_semaphore, #tpu.memory_space<semaphore_mem>>)
      %mul3A_966 = arith.constant 6 : i32
      %mul3A_967 = arith.muli %scan3A_780, %mul3A_966 : i32
      %add3A_968 = arith.constant 5 : i32
      %add3A_969 = arith.addi %mul3A_967, %add3A_968 : i32
      %dma_wait3A_970 = arith.constant 0 : i32
      %dma_wait3A_971 = arith.constant 0 : i32
      %dma_wait3A_972 = tpu.memref_slice %arg4[%dma_wait3A_970, %dma_wait3A_971] : memref<16x1000000xf32, #tpu.memory_space<hbm>> -> memref<16x128xf32, #tpu.memory_space<hbm>>
      %dma_wait3A_973 = arith.constant 0 : i32
      %dma_wait3A_974 = arith.constant 0 : i32
      %dma_wait3A_975 = tpu.memref_slice %arg4[%dma_wait3A_973, %dma_wait3A_974] : memref<16x1000000xf32, #tpu.memory_space<hbm>> -> memref<16x128xf32, #tpu.memory_space<hbm>>
      tpu.wait_dma2 semaphore(%arg23 : memref<!tpu.dma_semaphore, #tpu.memory_space<semaphore_mem>>) src(%dma_wait3A_975 : memref<16x128xf32, #tpu.memory_space<hbm>>) dst(%arg17 : memref<16x128xf32, #tpu.memory_space<vmem>>)
      %get3A_976 = arith.index_cast %add3A_969 : i32 to index
      %get3A_977 = tpu.vector_load %arg10[%get3A_976] {strides = array<i32>} : memref<528xi32, #tpu.memory_space<vmem>>, vector<16xi32>,
      %slice3A_978 = vector.extract_strided_slice %get3A_977 {offsets = [0], sizes = [1], strides = [1]} : vector<16xi32> to vector<1xi32>
      %squeeze3A_979 = vector.extract %slice3A_978[0] : i32 from vector<1xi32>
      %and3A_980 = arith.constant 127 : i32
      %and3A_981 = arith.andi %squeeze3A_979, %and3A_980 : i32
      %broadcast_in_dim3A_982 = vector.broadcast %and3A_981 : i32 to vector<16xi32>
      %gather3A_983 = tpu.vector_load_idx %arg17[%iota3A, %broadcast_in_dim3A_982] : memref<16x128xf32, #tpu.memory_space<vmem>>[vector<16xi32>, vector<16xi32>], vector<16xf32>,
      %add3A_984 = arith.constant 16 : i32
      %add3A_985 = vector.broadcast %add3A_984 : i32 to vector<16xi32>
      %add3A_986 = arith.addi %iota3A, %add3A_985 : vector<16xi32>
      %broadcast_in_dim3A_987 = vector.broadcast %add3A_969 : i32 to vector<16xi32>
      tpu.vector_store_idx %arg11[%add3A_986, %broadcast_in_dim3A_987], %gather3A_983 : memref<64x512xf32, #tpu.memory_space<vmem>>[vector<16xi32>, vector<16xi32>], vector<16xf32>,
      %add3A_988 = arith.constant 6 : i32
      %add3A_989 = arith.addi %add3A_969, %add3A_988 : i32
      %get3A_990 = arith.index_cast %add3A_989 : i32 to index
      %get3A_991 = tpu.vector_load %arg10[%get3A_990] {strides = array<i32>} : memref<528xi32, #tpu.memory_space<vmem>>, vector<16xi32>,
      %slice3A_992 = vector.extract_strided_slice %get3A_991 {offsets = [0], sizes = [1], strides = [1]} : vector<16xi32> to vector<1xi32>
      %squeeze3A_993 = vector.extract %slice3A_992[0] : i32 from vector<1xi32>
      %shift_right_logical3A_994 = arith.constant 7 : i32
      %shift_right_logical3A_995 = arith.shrui %squeeze3A_993, %shift_right_logical3A_994 : i32
      %mul3A_996 = arith.constant 128 : i32
      %mul3A_997 = arith.muli %shift_right_logical3A_995, %mul3A_996 : i32
      %multiple_of3A_998 = tpu.assume_multiple %mul3A_997, 128 : i32
      %dma_start3A_999 = arith.constant 0 : i32
      %dma_start3A_1000 = tpu.memref_slice %arg5[%dma_start3A_999, %multiple_of3A_998] : memref<16x1000000xf32, #tpu.memory_space<hbm>> -> memref<16x128xf32, #tpu.memory_space<hbm>>
      %dma_start3A_1001 = arith.constant 0 : i32
      %dma_start3A_1002 = tpu.memref_slice %arg5[%dma_start3A_1001, %multiple_of3A_998] : memref<16x1000000xf32, #tpu.memory_space<hbm>> -> memref<16x128xf32, #tpu.memory_space<hbm>>
      tpu.enqueue_dma source(%dma_start3A_1002 : memref<16x128xf32, #tpu.memory_space<hbm>>) target(%arg17 : memref<16x128xf32, #tpu.memory_space<vmem>>) target_semaphore(%arg23 : memref<!tpu.dma_semaphore, #tpu.memory_space<semaphore_mem>>)
    }
    %scan3A_271 = arith.constant 84 : i32
    %dma_wait3A_272 = arith.constant 0 : i32
    %dma_wait3A_273 = arith.constant 0 : i32
    %dma_wait3A_274 = tpu.memref_slice %arg4[%dma_wait3A_272, %dma_wait3A_273] : memref<16x1000000xf32, #tpu.memory_space<hbm>> -> memref<16x128xf32, #tpu.memory_space<hbm>>
    %dma_wait3A_275 = arith.constant 0 : i32
    %dma_wait3A_276 = arith.constant 0 : i32
    %dma_wait3A_277 = tpu.memref_slice %arg4[%dma_wait3A_275, %dma_wait3A_276] : memref<16x1000000xf32, #tpu.memory_space<hbm>> -> memref<16x128xf32, #tpu.memory_space<hbm>>
    tpu.wait_dma2 semaphore(%arg18 : memref<!tpu.dma_semaphore, #tpu.memory_space<semaphore_mem>>) src(%dma_wait3A_277 : memref<16x128xf32, #tpu.memory_space<hbm>>) dst(%arg12 : memref<16x128xf32, #tpu.memory_space<vmem>>)
    %get3A_278 = arith.constant 506 : index
    %get3A_279 = tpu.vector_load %arg10[%get3A_278] {strides = array<i32>} : memref<528xi32, #tpu.memory_space<vmem>>, vector<16xi32>,
    %slice3A_280 = vector.extract_strided_slice %get3A_279 {offsets = [0], sizes = [1], strides = [1]} : vector<16xi32> to vector<1xi32>
    %squeeze3A_281 = vector.extract %slice3A_280[0] : i32 from vector<1xi32>
    %and3A_282 = arith.constant 127 : i32
    %and3A_283 = arith.andi %squeeze3A_281, %and3A_282 : i32
    %broadcast_in_dim3A_284 = vector.broadcast %and3A_283 : i32 to vector<16xi32>
    %gather3A_285 = tpu.vector_load_idx %arg12[%iota3A, %broadcast_in_dim3A_284] : memref<16x128xf32, #tpu.memory_space<vmem>>[vector<16xi32>, vector<16xi32>], vector<16xf32>,
    %add3A_286 = arith.constant 16 : i32
    %add3A_287 = vector.broadcast %add3A_286 : i32 to vector<16xi32>
    %add3A_288 = arith.addi %iota3A, %add3A_287 : vector<16xi32>
    %broadcast_in_dim3A_289 = arith.constant 506 : i32
    %broadcast_in_dim3A_290 = vector.broadcast %broadcast_in_dim3A_289 : i32 to vector<16xi32>
    tpu.vector_store_idx %arg11[%add3A_288, %broadcast_in_dim3A_290], %gather3A_285 : memref<64x512xf32, #tpu.memory_space<vmem>>[vector<16xi32>, vector<16xi32>], vector<16xf32>,
    %get3A_291 = arith.constant 0 : index
    %get3A_292 = tpu.vector_load %arg9[%get3A_291] {strides = array<i32>} : memref<528xi32, #tpu.memory_space<vmem>>, vector<16xi32>,
    %slice3A_293 = vector.extract_strided_slice %get3A_292 {offsets = [0], sizes = [1], strides = [1]} : vector<16xi32> to vector<1xi32>
    %squeeze3A_294 = vector.extract %slice3A_293[0] : i32 from vector<1xi32>
    %shift_right_logical3A_295 = arith.constant 7 : i32
    %shift_right_logical3A_296 = arith.shrui %squeeze3A_294, %shift_right_logical3A_295 : i32
    %mul3A_297 = arith.constant 128 : i32
    %mul3A_298 = arith.muli %shift_right_logical3A_296, %mul3A_297 : i32
    %multiple_of3A_299 = tpu.assume_multiple %mul3A_298, 128 : i32
    %dma_start3A_300 = arith.constant 0 : i32
    %dma_start3A_301 = tpu.memref_slice %arg6[%dma_start3A_300, %multiple_of3A_299] : memref<16x1000000xf32, #tpu.memory_space<hbm>> -> memref<16x128xf32, #tpu.memory_space<hbm>>
    %dma_start3A_302 = arith.constant 0 : i32
    %dma_start3A_303 = tpu.memref_slice %arg6[%dma_start3A_302, %multiple_of3A_299] : memref<16x1000000xf32, #tpu.memory_space<hbm>> -> memref<16x128xf32, #tpu.memory_space<hbm>>
    tpu.enqueue_dma source(%dma_start3A_303 : memref<16x128xf32, #tpu.memory_space<hbm>>) target(%arg12 : memref<16x128xf32, #tpu.memory_space<vmem>>) target_semaphore(%arg18 : memref<!tpu.dma_semaphore, #tpu.memory_space<semaphore_mem>>)
    %dma_wait3A_304 = arith.constant 0 : i32
    %dma_wait3A_305 = arith.constant 0 : i32
    %dma_wait3A_306 = tpu.memref_slice %arg4[%dma_wait3A_304, %dma_wait3A_305] : memref<16x1000000xf32, #tpu.memory_space<hbm>> -> memref<16x128xf32, #tpu.memory_space<hbm>>
    %dma_wait3A_307 = arith.constant 0 : i32
    %dma_wait3A_308 = arith.constant 0 : i32
    %dma_wait3A_309 = tpu.memref_slice %arg4[%dma_wait3A_307, %dma_wait3A_308] : memref<16x1000000xf32, #tpu.memory_space<hbm>> -> memref<16x128xf32, #tpu.memory_space<hbm>>
    tpu.wait_dma2 semaphore(%arg19 : memref<!tpu.dma_semaphore, #tpu.memory_space<semaphore_mem>>) src(%dma_wait3A_309 : memref<16x128xf32, #tpu.memory_space<hbm>>) dst(%arg13 : memref<16x128xf32, #tpu.memory_space<vmem>>)
    %get3A_310 = arith.constant 507 : index
    %get3A_311 = tpu.vector_load %arg10[%get3A_310] {strides = array<i32>} : memref<528xi32, #tpu.memory_space<vmem>>, vector<16xi32>,
    %slice3A_312 = vector.extract_strided_slice %get3A_311 {offsets = [0], sizes = [1], strides = [1]} : vector<16xi32> to vector<1xi32>
    %squeeze3A_313 = vector.extract %slice3A_312[0] : i32 from vector<1xi32>
    %and3A_314 = arith.constant 127 : i32
    %and3A_315 = arith.andi %squeeze3A_313, %and3A_314 : i32
    %broadcast_in_dim3A_316 = vector.broadcast %and3A_315 : i32 to vector<16xi32>
    %gather3A_317 = tpu.vector_load_idx %arg13[%iota3A, %broadcast_in_dim3A_316] : memref<16x128xf32, #tpu.memory_space<vmem>>[vector<16xi32>, vector<16xi32>], vector<16xf32>,
    %add3A_318 = arith.constant 16 : i32
    %add3A_319 = vector.broadcast %add3A_318 : i32 to vector<16xi32>
    %add3A_320 = arith.addi %iota3A, %add3A_319 : vector<16xi32>
    %broadcast_in_dim3A_321 = arith.constant 507 : i32
    %broadcast_in_dim3A_322 = vector.broadcast %broadcast_in_dim3A_321 : i32 to vector<16xi32>
    tpu.vector_store_idx %arg11[%add3A_320, %broadcast_in_dim3A_322], %gather3A_317 : memref<64x512xf32, #tpu.memory_space<vmem>>[vector<16xi32>, vector<16xi32>], vector<16xf32>,
    %get3A_323 = arith.constant 1 : index
    %get3A_324 = tpu.vector_load %arg9[%get3A_323] {strides = array<i32>} : memref<528xi32, #tpu.memory_space<vmem>>, vector<16xi32>,
    %slice3A_325 = vector.extract_strided_slice %get3A_324 {offsets = [0], sizes = [1], strides = [1]} : vector<16xi32> to vector<1xi32>
    %squeeze3A_326 = vector.extract %slice3A_325[0] : i32 from vector<1xi32>
    %shift_right_logical3A_327 = arith.constant 7 : i32
    %shift_right_logical3A_328 = arith.shrui %squeeze3A_326, %shift_right_logical3A_327 : i32
    %mul3A_329 = arith.constant 128 : i32
    %mul3A_330 = arith.muli %shift_right_logical3A_328, %mul3A_329 : i32
    %multiple_of3A_331 = tpu.assume_multiple %mul3A_330, 128 : i32
    %dma_start3A_332 = arith.constant 0 : i32
    %dma_start3A_333 = tpu.memref_slice %arg6[%dma_start3A_332, %multiple_of3A_331] : memref<16x1000000xf32, #tpu.memory_space<hbm>> -> memref<16x128xf32, #tpu.memory_space<hbm>>
    %dma_start3A_334 = arith.constant 0 : i32
    %dma_start3A_335 = tpu.memref_slice %arg6[%dma_start3A_334, %multiple_of3A_331] : memref<16x1000000xf32, #tpu.memory_space<hbm>> -> memref<16x128xf32, #tpu.memory_space<hbm>>
    tpu.enqueue_dma source(%dma_start3A_335 : memref<16x128xf32, #tpu.memory_space<hbm>>) target(%arg13 : memref<16x128xf32, #tpu.memory_space<vmem>>) target_semaphore(%arg19 : memref<!tpu.dma_semaphore, #tpu.memory_space<semaphore_mem>>)
    %dma_wait3A_336 = arith.constant 0 : i32
    %dma_wait3A_337 = arith.constant 0 : i32
    %dma_wait3A_338 = tpu.memref_slice %arg4[%dma_wait3A_336, %dma_wait3A_337] : memref<16x1000000xf32, #tpu.memory_space<hbm>> -> memref<16x128xf32, #tpu.memory_space<hbm>>
    %dma_wait3A_339 = arith.constant 0 : i32
    %dma_wait3A_340 = arith.constant 0 : i32
    %dma_wait3A_341 = tpu.memref_slice %arg4[%dma_wait3A_339, %dma_wait3A_340] : memref<16x1000000xf32, #tpu.memory_space<hbm>> -> memref<16x128xf32, #tpu.memory_space<hbm>>
    tpu.wait_dma2 semaphore(%arg20 : memref<!tpu.dma_semaphore, #tpu.memory_space<semaphore_mem>>) src(%dma_wait3A_341 : memref<16x128xf32, #tpu.memory_space<hbm>>) dst(%arg14 : memref<16x128xf32, #tpu.memory_space<vmem>>)
    %get3A_342 = arith.constant 508 : index
    %get3A_343 = tpu.vector_load %arg10[%get3A_342] {strides = array<i32>} : memref<528xi32, #tpu.memory_space<vmem>>, vector<16xi32>,
    %slice3A_344 = vector.extract_strided_slice %get3A_343 {offsets = [0], sizes = [1], strides = [1]} : vector<16xi32> to vector<1xi32>
    %squeeze3A_345 = vector.extract %slice3A_344[0] : i32 from vector<1xi32>
    %and3A_346 = arith.constant 127 : i32
    %and3A_347 = arith.andi %squeeze3A_345, %and3A_346 : i32
    %broadcast_in_dim3A_348 = vector.broadcast %and3A_347 : i32 to vector<16xi32>
    %gather3A_349 = tpu.vector_load_idx %arg14[%iota3A, %broadcast_in_dim3A_348] : memref<16x128xf32, #tpu.memory_space<vmem>>[vector<16xi32>, vector<16xi32>], vector<16xf32>,
    %add3A_350 = arith.constant 16 : i32
    %add3A_351 = vector.broadcast %add3A_350 : i32 to vector<16xi32>
    %add3A_352 = arith.addi %iota3A, %add3A_351 : vector<16xi32>
    %broadcast_in_dim3A_353 = arith.constant 508 : i32
    %broadcast_in_dim3A_354 = vector.broadcast %broadcast_in_dim3A_353 : i32 to vector<16xi32>
    tpu.vector_store_idx %arg11[%add3A_352, %broadcast_in_dim3A_354], %gather3A_349 : memref<64x512xf32, #tpu.memory_space<vmem>>[vector<16xi32>, vector<16xi32>], vector<16xf32>,
    %get3A_355 = arith.constant 2 : index
    %get3A_356 = tpu.vector_load %arg9[%get3A_355] {strides = array<i32>} : memref<528xi32, #tpu.memory_space<vmem>>, vector<16xi32>,
    %slice3A_357 = vector.extract_strided_slice %get3A_356 {offsets = [0], sizes = [1], strides = [1]} : vector<16xi32> to vector<1xi32>
    %squeeze3A_358 = vector.extract %slice3A_357[0] : i32 from vector<1xi32>
    %shift_right_logical3A_359 = arith.constant 7 : i32
    %shift_right_logical3A_360 = arith.shrui %squeeze3A_358, %shift_right_logical3A_359 : i32
    %mul3A_361 = arith.constant 128 : i32
    %mul3A_362 = arith.muli %shift_right_logical3A_360, %mul3A_361 : i32
    %multiple_of3A_363 = tpu.assume_multiple %mul3A_362, 128 : i32
    %dma_start3A_364 = arith.constant 0 : i32
    %dma_start3A_365 = tpu.memref_slice %arg6[%dma_start3A_364, %multiple_of3A_363] : memref<16x1000000xf32, #tpu.memory_space<hbm>> -> memref<16x128xf32, #tpu.memory_space<hbm>>
    %dma_start3A_366 = arith.constant 0 : i32
    %dma_start3A_367 = tpu.memref_slice %arg6[%dma_start3A_366, %multiple_of3A_363] : memref<16x1000000xf32, #tpu.memory_space<hbm>> -> memref<16x128xf32, #tpu.memory_space<hbm>>
    tpu.enqueue_dma source(%dma_start3A_367 : memref<16x128xf32, #tpu.memory_space<hbm>>) target(%arg14 : memref<16x128xf32, #tpu.memory_space<vmem>>) target_semaphore(%arg20 : memref<!tpu.dma_semaphore, #tpu.memory_space<semaphore_mem>>)
    %dma_wait3A_368 = arith.constant 0 : i32
    %dma_wait3A_369 = arith.constant 0 : i32
    %dma_wait3A_370 = tpu.memref_slice %arg4[%dma_wait3A_368, %dma_wait3A_369] : memref<16x1000000xf32, #tpu.memory_space<hbm>> -> memref<16x128xf32, #tpu.memory_space<hbm>>
    %dma_wait3A_371 = arith.constant 0 : i32
    %dma_wait3A_372 = arith.constant 0 : i32
    %dma_wait3A_373 = tpu.memref_slice %arg4[%dma_wait3A_371, %dma_wait3A_372] : memref<16x1000000xf32, #tpu.memory_space<hbm>> -> memref<16x128xf32, #tpu.memory_space<hbm>>
    tpu.wait_dma2 semaphore(%arg21 : memref<!tpu.dma_semaphore, #tpu.memory_space<semaphore_mem>>) src(%dma_wait3A_373 : memref<16x128xf32, #tpu.memory_space<hbm>>) dst(%arg15 : memref<16x128xf32, #tpu.memory_space<vmem>>)
    %get3A_374 = arith.constant 509 : index
    %get3A_375 = tpu.vector_load %arg10[%get3A_374] {strides = array<i32>} : memref<528xi32, #tpu.memory_space<vmem>>, vector<16xi32>,
    %slice3A_376 = vector.extract_strided_slice %get3A_375 {offsets = [0], sizes = [1], strides = [1]} : vector<16xi32> to vector<1xi32>
    %squeeze3A_377 = vector.extract %slice3A_376[0] : i32 from vector<1xi32>
    %and3A_378 = arith.constant 127 : i32
    %and3A_379 = arith.andi %squeeze3A_377, %and3A_378 : i32
    %broadcast_in_dim3A_380 = vector.broadcast %and3A_379 : i32 to vector<16xi32>
    %gather3A_381 = tpu.vector_load_idx %arg15[%iota3A, %broadcast_in_dim3A_380] : memref<16x128xf32, #tpu.memory_space<vmem>>[vector<16xi32>, vector<16xi32>], vector<16xf32>,
    %add3A_382 = arith.constant 16 : i32
    %add3A_383 = vector.broadcast %add3A_382 : i32 to vector<16xi32>
    %add3A_384 = arith.addi %iota3A, %add3A_383 : vector<16xi32>
    %broadcast_in_dim3A_385 = arith.constant 509 : i32
    %broadcast_in_dim3A_386 = vector.broadcast %broadcast_in_dim3A_385 : i32 to vector<16xi32>
    tpu.vector_store_idx %arg11[%add3A_384, %broadcast_in_dim3A_386], %gather3A_381 : memref<64x512xf32, #tpu.memory_space<vmem>>[vector<16xi32>, vector<16xi32>], vector<16xf32>,
    %get3A_387 = arith.constant 3 : index
    %get3A_388 = tpu.vector_load %arg9[%get3A_387] {strides = array<i32>} : memref<528xi32, #tpu.memory_space<vmem>>, vector<16xi32>,
    %slice3A_389 = vector.extract_strided_slice %get3A_388 {offsets = [0], sizes = [1], strides = [1]} : vector<16xi32> to vector<1xi32>
    %squeeze3A_390 = vector.extract %slice3A_389[0] : i32 from vector<1xi32>
    %shift_right_logical3A_391 = arith.constant 7 : i32
    %shift_right_logical3A_392 = arith.shrui %squeeze3A_390, %shift_right_logical3A_391 : i32
    %mul3A_393 = arith.constant 128 : i32
    %mul3A_394 = arith.muli %shift_right_logical3A_392, %mul3A_393 : i32
    %multiple_of3A_395 = tpu.assume_multiple %mul3A_394, 128 : i32
    %dma_start3A_396 = arith.constant 0 : i32
    %dma_start3A_397 = tpu.memref_slice %arg6[%dma_start3A_396, %multiple_of3A_395] : memref<16x1000000xf32, #tpu.memory_space<hbm>> -> memref<16x128xf32, #tpu.memory_space<hbm>>
    %dma_start3A_398 = arith.constant 0 : i32
    %dma_start3A_399 = tpu.memref_slice %arg6[%dma_start3A_398, %multiple_of3A_395] : memref<16x1000000xf32, #tpu.memory_space<hbm>> -> memref<16x128xf32, #tpu.memory_space<hbm>>
    tpu.enqueue_dma source(%dma_start3A_399 : memref<16x128xf32, #tpu.memory_space<hbm>>) target(%arg15 : memref<16x128xf32, #tpu.memory_space<vmem>>) target_semaphore(%arg21 : memref<!tpu.dma_semaphore, #tpu.memory_space<semaphore_mem>>)
    %dma_wait3A_400 = arith.constant 0 : i32
    %dma_wait3A_401 = arith.constant 0 : i32
    %dma_wait3A_402 = tpu.memref_slice %arg4[%dma_wait3A_400, %dma_wait3A_401] : memref<16x1000000xf32, #tpu.memory_space<hbm>> -> memref<16x128xf32, #tpu.memory_space<hbm>>
    %dma_wait3A_403 = arith.constant 0 : i32
    %dma_wait3A_404 = arith.constant 0 : i32
    %dma_wait3A_405 = tpu.memref_slice %arg4[%dma_wait3A_403, %dma_wait3A_404] : memref<16x1000000xf32, #tpu.memory_space<hbm>> -> memref<16x128xf32, #tpu.memory_space<hbm>>
    tpu.wait_dma2 semaphore(%arg22 : memref<!tpu.dma_semaphore, #tpu.memory_space<semaphore_mem>>) src(%dma_wait3A_405 : memref<16x128xf32, #tpu.memory_space<hbm>>) dst(%arg16 : memref<16x128xf32, #tpu.memory_space<vmem>>)
    %get3A_406 = arith.constant 510 : index
    %get3A_407 = tpu.vector_load %arg10[%get3A_406] {strides = array<i32>} : memref<528xi32, #tpu.memory_space<vmem>>, vector<16xi32>,
    %slice3A_408 = vector.extract_strided_slice %get3A_407 {offsets = [0], sizes = [1], strides = [1]} : vector<16xi32> to vector<1xi32>
    %squeeze3A_409 = vector.extract %slice3A_408[0] : i32 from vector<1xi32>
    %and3A_410 = arith.constant 127 : i32
    %and3A_411 = arith.andi %squeeze3A_409, %and3A_410 : i32
    %broadcast_in_dim3A_412 = vector.broadcast %and3A_411 : i32 to vector<16xi32>
    %gather3A_413 = tpu.vector_load_idx %arg16[%iota3A, %broadcast_in_dim3A_412] : memref<16x128xf32, #tpu.memory_space<vmem>>[vector<16xi32>, vector<16xi32>], vector<16xf32>,
    %add3A_414 = arith.constant 16 : i32
    %add3A_415 = vector.broadcast %add3A_414 : i32 to vector<16xi32>
    %add3A_416 = arith.addi %iota3A, %add3A_415 : vector<16xi32>
    %broadcast_in_dim3A_417 = arith.constant 510 : i32
    %broadcast_in_dim3A_418 = vector.broadcast %broadcast_in_dim3A_417 : i32 to vector<16xi32>
    tpu.vector_store_idx %arg11[%add3A_416, %broadcast_in_dim3A_418], %gather3A_413 : memref<64x512xf32, #tpu.memory_space<vmem>>[vector<16xi32>, vector<16xi32>], vector<16xf32>,
    %get3A_419 = arith.constant 4 : index
    %get3A_420 = tpu.vector_load %arg9[%get3A_419] {strides = array<i32>} : memref<528xi32, #tpu.memory_space<vmem>>, vector<16xi32>,
    %slice3A_421 = vector.extract_strided_slice %get3A_420 {offsets = [0], sizes = [1], strides = [1]} : vector<16xi32> to vector<1xi32>
    %squeeze3A_422 = vector.extract %slice3A_421[0] : i32 from vector<1xi32>
    %shift_right_logical3A_423 = arith.constant 7 : i32
    %shift_right_logical3A_424 = arith.shrui %squeeze3A_422, %shift_right_logical3A_423 : i32
    %mul3A_425 = arith.constant 128 : i32
    %mul3A_426 = arith.muli %shift_right_logical3A_424, %mul3A_425 : i32
    %multiple_of3A_427 = tpu.assume_multiple %mul3A_426, 128 : i32
    %dma_start3A_428 = arith.constant 0 : i32
    %dma_start3A_429 = tpu.memref_slice %arg6[%dma_start3A_428, %multiple_of3A_427] : memref<16x1000000xf32, #tpu.memory_space<hbm>> -> memref<16x128xf32, #tpu.memory_space<hbm>>
    %dma_start3A_430 = arith.constant 0 : i32
    %dma_start3A_431 = tpu.memref_slice %arg6[%dma_start3A_430, %multiple_of3A_427] : memref<16x1000000xf32, #tpu.memory_space<hbm>> -> memref<16x128xf32, #tpu.memory_space<hbm>>
    tpu.enqueue_dma source(%dma_start3A_431 : memref<16x128xf32, #tpu.memory_space<hbm>>) target(%arg16 : memref<16x128xf32, #tpu.memory_space<vmem>>) target_semaphore(%arg22 : memref<!tpu.dma_semaphore, #tpu.memory_space<semaphore_mem>>)
    %dma_wait3A_432 = arith.constant 0 : i32
    %dma_wait3A_433 = arith.constant 0 : i32
    %dma_wait3A_434 = tpu.memref_slice %arg4[%dma_wait3A_432, %dma_wait3A_433] : memref<16x1000000xf32, #tpu.memory_space<hbm>> -> memref<16x128xf32, #tpu.memory_space<hbm>>
    %dma_wait3A_435 = arith.constant 0 : i32
    %dma_wait3A_436 = arith.constant 0 : i32
    %dma_wait3A_437 = tpu.memref_slice %arg4[%dma_wait3A_435, %dma_wait3A_436] : memref<16x1000000xf32, #tpu.memory_space<hbm>> -> memref<16x128xf32, #tpu.memory_space<hbm>>
    tpu.wait_dma2 semaphore(%arg23 : memref<!tpu.dma_semaphore, #tpu.memory_space<semaphore_mem>>) src(%dma_wait3A_437 : memref<16x128xf32, #tpu.memory_space<hbm>>) dst(%arg17 : memref<16x128xf32, #tpu.memory_space<vmem>>)
    %get3A_438 = arith.constant 511 : index
    %get3A_439 = tpu.vector_load %arg10[%get3A_438] {strides = array<i32>} : memref<528xi32, #tpu.memory_space<vmem>>, vector<16xi32>,
    %slice3A_440 = vector.extract_strided_slice %get3A_439 {offsets = [0], sizes = [1], strides = [1]} : vector<16xi32> to vector<1xi32>
    %squeeze3A_441 = vector.extract %slice3A_440[0] : i32 from vector<1xi32>
    %and3A_442 = arith.constant 127 : i32
    %and3A_443 = arith.andi %squeeze3A_441, %and3A_442 : i32
    %broadcast_in_dim3A_444 = vector.broadcast %and3A_443 : i32 to vector<16xi32>
    %gather3A_445 = tpu.vector_load_idx %arg17[%iota3A, %broadcast_in_dim3A_444] : memref<16x128xf32, #tpu.memory_space<vmem>>[vector<16xi32>, vector<16xi32>], vector<16xf32>,
    %add3A_446 = arith.constant 16 : i32
    %add3A_447 = vector.broadcast %add3A_446 : i32 to vector<16xi32>
    %add3A_448 = arith.addi %iota3A, %add3A_447 : vector<16xi32>
    %broadcast_in_dim3A_449 = arith.constant 511 : i32
    %broadcast_in_dim3A_450 = vector.broadcast %broadcast_in_dim3A_449 : i32 to vector<16xi32>
    tpu.vector_store_idx %arg11[%add3A_448, %broadcast_in_dim3A_450], %gather3A_445 : memref<64x512xf32, #tpu.memory_space<vmem>>[vector<16xi32>, vector<16xi32>], vector<16xf32>,
    %get3A_451 = arith.constant 5 : index
    %get3A_452 = tpu.vector_load %arg9[%get3A_451] {strides = array<i32>} : memref<528xi32, #tpu.memory_space<vmem>>, vector<16xi32>,
    %slice3A_453 = vector.extract_strided_slice %get3A_452 {offsets = [0], sizes = [1], strides = [1]} : vector<16xi32> to vector<1xi32>
    %squeeze3A_454 = vector.extract %slice3A_453[0] : i32 from vector<1xi32>
    %shift_right_logical3A_455 = arith.constant 7 : i32
    %shift_right_logical3A_456 = arith.shrui %squeeze3A_454, %shift_right_logical3A_455 : i32
    %mul3A_457 = arith.constant 128 : i32
    %mul3A_458 = arith.muli %shift_right_logical3A_456, %mul3A_457 : i32
    %multiple_of3A_459 = tpu.assume_multiple %mul3A_458, 128 : i32
    %dma_start3A_460 = arith.constant 0 : i32
    %dma_start3A_461 = tpu.memref_slice %arg6[%dma_start3A_460, %multiple_of3A_459] : memref<16x1000000xf32, #tpu.memory_space<hbm>> -> memref<16x128xf32, #tpu.memory_space<hbm>>
    %dma_start3A_462 = arith.constant 0 : i32
    %dma_start3A_463 = tpu.memref_slice %arg6[%dma_start3A_462, %multiple_of3A_459] : memref<16x1000000xf32, #tpu.memory_space<hbm>> -> memref<16x128xf32, #tpu.memory_space<hbm>>
    tpu.enqueue_dma source(%dma_start3A_463 : memref<16x128xf32, #tpu.memory_space<hbm>>) target(%arg17 : memref<16x128xf32, #tpu.memory_space<vmem>>) target_semaphore(%arg23 : memref<!tpu.dma_semaphore, #tpu.memory_space<semaphore_mem>>)
    %scan3A_464 = arith.constant 0 : i32
    %scan3A_465 = arith.constant 84 : i32
    %scan3A_466 = arith.addi %scan3A_464, %scan3A_465 : i32
    %scan3A_467 = arith.constant 1 : i32
    scf.for %scan3A_780 = %scan3A_464 to %scan3A_466 step %scan3A_467  : i32 {
      %mul3A_781 = arith.constant 6 : i32
      %mul3A_782 = arith.muli %scan3A_780, %mul3A_781 : i32
      %add3A_783 = arith.constant 0 : i32
      %add3A_784 = arith.addi %mul3A_782, %add3A_783 : i32
      %dma_wait3A_785 = arith.constant 0 : i32
      %dma_wait3A_786 = arith.constant 0 : i32
      %dma_wait3A_787 = tpu.memref_slice %arg4[%dma_wait3A_785, %dma_wait3A_786] : memref<16x1000000xf32, #tpu.memory_space<hbm>> -> memref<16x128xf32, #tpu.memory_space<hbm>>
      %dma_wait3A_788 = arith.constant 0 : i32
      %dma_wait3A_789 = arith.constant 0 : i32
      %dma_wait3A_790 = tpu.memref_slice %arg4[%dma_wait3A_788, %dma_wait3A_789] : memref<16x1000000xf32, #tpu.memory_space<hbm>> -> memref<16x128xf32, #tpu.memory_space<hbm>>
      tpu.wait_dma2 semaphore(%arg18 : memref<!tpu.dma_semaphore, #tpu.memory_space<semaphore_mem>>) src(%dma_wait3A_790 : memref<16x128xf32, #tpu.memory_space<hbm>>) dst(%arg12 : memref<16x128xf32, #tpu.memory_space<vmem>>)
      %get3A_791 = arith.index_cast %add3A_784 : i32 to index
      %get3A_792 = tpu.vector_load %arg9[%get3A_791] {strides = array<i32>} : memref<528xi32, #tpu.memory_space<vmem>>, vector<16xi32>,
      %slice3A_793 = vector.extract_strided_slice %get3A_792 {offsets = [0], sizes = [1], strides = [1]} : vector<16xi32> to vector<1xi32>
      %squeeze3A_794 = vector.extract %slice3A_793[0] : i32 from vector<1xi32>
      %and3A_795 = arith.constant 127 : i32
      %and3A_796 = arith.andi %squeeze3A_794, %and3A_795 : i32
      %broadcast_in_dim3A_797 = vector.broadcast %and3A_796 : i32 to vector<16xi32>
      %gather3A_798 = tpu.vector_load_idx %arg12[%iota3A, %broadcast_in_dim3A_797] : memref<16x128xf32, #tpu.memory_space<vmem>>[vector<16xi32>, vector<16xi32>], vector<16xf32>,
      %add3A_799 = arith.constant 32 : i32
      %add3A_800 = vector.broadcast %add3A_799 : i32 to vector<16xi32>
      %add3A_801 = arith.addi %iota3A, %add3A_800 : vector<16xi32>
      %broadcast_in_dim3A_802 = vector.broadcast %add3A_784 : i32 to vector<16xi32>
      tpu.vector_store_idx %arg11[%add3A_801, %broadcast_in_dim3A_802], %gather3A_798 : memref<64x512xf32, #tpu.memory_space<vmem>>[vector<16xi32>, vector<16xi32>], vector<16xf32>,
      %add3A_803 = arith.constant 6 : i32
      %add3A_804 = arith.addi %add3A_784, %add3A_803 : i32
      %get3A_805 = arith.index_cast %add3A_804 : i32 to index
      %get3A_806 = tpu.vector_load %arg9[%get3A_805] {strides = array<i32>} : memref<528xi32, #tpu.memory_space<vmem>>, vector<16xi32>,
      %slice3A_807 = vector.extract_strided_slice %get3A_806 {offsets = [0], sizes = [1], strides = [1]} : vector<16xi32> to vector<1xi32>
      %squeeze3A_808 = vector.extract %slice3A_807[0] : i32 from vector<1xi32>
      %shift_right_logical3A_809 = arith.constant 7 : i32
      %shift_right_logical3A_810 = arith.shrui %squeeze3A_808, %shift_right_logical3A_809 : i32
      %mul3A_811 = arith.constant 128 : i32
      %mul3A_812 = arith.muli %shift_right_logical3A_810, %mul3A_811 : i32
      %multiple_of3A_813 = tpu.assume_multiple %mul3A_812, 128 : i32
      %dma_start3A_814 = arith.constant 0 : i32
      %dma_start3A_815 = tpu.memref_slice %arg6[%dma_start3A_814, %multiple_of3A_813] : memref<16x1000000xf32, #tpu.memory_space<hbm>> -> memref<16x128xf32, #tpu.memory_space<hbm>>
      %dma_start3A_816 = arith.constant 0 : i32
      %dma_start3A_817 = tpu.memref_slice %arg6[%dma_start3A_816, %multiple_of3A_813] : memref<16x1000000xf32, #tpu.memory_space<hbm>> -> memref<16x128xf32, #tpu.memory_space<hbm>>
      tpu.enqueue_dma source(%dma_start3A_817 : memref<16x128xf32, #tpu.memory_space<hbm>>) target(%arg12 : memref<16x128xf32, #tpu.memory_space<vmem>>) target_semaphore(%arg18 : memref<!tpu.dma_semaphore, #tpu.memory_space<semaphore_mem>>)
      %mul3A_818 = arith.constant 6 : i32
      %mul3A_819 = arith.muli %scan3A_780, %mul3A_818 : i32
      %add3A_820 = arith.constant 1 : i32
      %add3A_821 = arith.addi %mul3A_819, %add3A_820 : i32
      %dma_wait3A_822 = arith.constant 0 : i32
      %dma_wait3A_823 = arith.constant 0 : i32
      %dma_wait3A_824 = tpu.memref_slice %arg4[%dma_wait3A_822, %dma_wait3A_823] : memref<16x1000000xf32, #tpu.memory_space<hbm>> -> memref<16x128xf32, #tpu.memory_space<hbm>>
      %dma_wait3A_825 = arith.constant 0 : i32
      %dma_wait3A_826 = arith.constant 0 : i32
      %dma_wait3A_827 = tpu.memref_slice %arg4[%dma_wait3A_825, %dma_wait3A_826] : memref<16x1000000xf32, #tpu.memory_space<hbm>> -> memref<16x128xf32, #tpu.memory_space<hbm>>
      tpu.wait_dma2 semaphore(%arg19 : memref<!tpu.dma_semaphore, #tpu.memory_space<semaphore_mem>>) src(%dma_wait3A_827 : memref<16x128xf32, #tpu.memory_space<hbm>>) dst(%arg13 : memref<16x128xf32, #tpu.memory_space<vmem>>)
      %get3A_828 = arith.index_cast %add3A_821 : i32 to index
      %get3A_829 = tpu.vector_load %arg9[%get3A_828] {strides = array<i32>} : memref<528xi32, #tpu.memory_space<vmem>>, vector<16xi32>,
      %slice3A_830 = vector.extract_strided_slice %get3A_829 {offsets = [0], sizes = [1], strides = [1]} : vector<16xi32> to vector<1xi32>
      %squeeze3A_831 = vector.extract %slice3A_830[0] : i32 from vector<1xi32>
      %and3A_832 = arith.constant 127 : i32
      %and3A_833 = arith.andi %squeeze3A_831, %and3A_832 : i32
      %broadcast_in_dim3A_834 = vector.broadcast %and3A_833 : i32 to vector<16xi32>
      %gather3A_835 = tpu.vector_load_idx %arg13[%iota3A, %broadcast_in_dim3A_834] : memref<16x128xf32, #tpu.memory_space<vmem>>[vector<16xi32>, vector<16xi32>], vector<16xf32>,
      %add3A_836 = arith.constant 32 : i32
      %add3A_837 = vector.broadcast %add3A_836 : i32 to vector<16xi32>
      %add3A_838 = arith.addi %iota3A, %add3A_837 : vector<16xi32>
      %broadcast_in_dim3A_839 = vector.broadcast %add3A_821 : i32 to vector<16xi32>
      tpu.vector_store_idx %arg11[%add3A_838, %broadcast_in_dim3A_839], %gather3A_835 : memref<64x512xf32, #tpu.memory_space<vmem>>[vector<16xi32>, vector<16xi32>], vector<16xf32>,
      %add3A_840 = arith.constant 6 : i32
      %add3A_841 = arith.addi %add3A_821, %add3A_840 : i32
      %get3A_842 = arith.index_cast %add3A_841 : i32 to index
      %get3A_843 = tpu.vector_load %arg9[%get3A_842] {strides = array<i32>} : memref<528xi32, #tpu.memory_space<vmem>>, vector<16xi32>,
      %slice3A_844 = vector.extract_strided_slice %get3A_843 {offsets = [0], sizes = [1], strides = [1]} : vector<16xi32> to vector<1xi32>
      %squeeze3A_845 = vector.extract %slice3A_844[0] : i32 from vector<1xi32>
      %shift_right_logical3A_846 = arith.constant 7 : i32
      %shift_right_logical3A_847 = arith.shrui %squeeze3A_845, %shift_right_logical3A_846 : i32
      %mul3A_848 = arith.constant 128 : i32
      %mul3A_849 = arith.muli %shift_right_logical3A_847, %mul3A_848 : i32
      %multiple_of3A_850 = tpu.assume_multiple %mul3A_849, 128 : i32
      %dma_start3A_851 = arith.constant 0 : i32
      %dma_start3A_852 = tpu.memref_slice %arg6[%dma_start3A_851, %multiple_of3A_850] : memref<16x1000000xf32, #tpu.memory_space<hbm>> -> memref<16x128xf32, #tpu.memory_space<hbm>>
      %dma_start3A_853 = arith.constant 0 : i32
      %dma_start3A_854 = tpu.memref_slice %arg6[%dma_start3A_853, %multiple_of3A_850] : memref<16x1000000xf32, #tpu.memory_space<hbm>> -> memref<16x128xf32, #tpu.memory_space<hbm>>
      tpu.enqueue_dma source(%dma_start3A_854 : memref<16x128xf32, #tpu.memory_space<hbm>>) target(%arg13 : memref<16x128xf32, #tpu.memory_space<vmem>>) target_semaphore(%arg19 : memref<!tpu.dma_semaphore, #tpu.memory_space<semaphore_mem>>)
      %mul3A_855 = arith.constant 6 : i32
      %mul3A_856 = arith.muli %scan3A_780, %mul3A_855 : i32
      %add3A_857 = arith.constant 2 : i32
      %add3A_858 = arith.addi %mul3A_856, %add3A_857 : i32
      %dma_wait3A_859 = arith.constant 0 : i32
      %dma_wait3A_860 = arith.constant 0 : i32
      %dma_wait3A_861 = tpu.memref_slice %arg4[%dma_wait3A_859, %dma_wait3A_860] : memref<16x1000000xf32, #tpu.memory_space<hbm>> -> memref<16x128xf32, #tpu.memory_space<hbm>>
      %dma_wait3A_862 = arith.constant 0 : i32
      %dma_wait3A_863 = arith.constant 0 : i32
      %dma_wait3A_864 = tpu.memref_slice %arg4[%dma_wait3A_862, %dma_wait3A_863] : memref<16x1000000xf32, #tpu.memory_space<hbm>> -> memref<16x128xf32, #tpu.memory_space<hbm>>
      tpu.wait_dma2 semaphore(%arg20 : memref<!tpu.dma_semaphore, #tpu.memory_space<semaphore_mem>>) src(%dma_wait3A_864 : memref<16x128xf32, #tpu.memory_space<hbm>>) dst(%arg14 : memref<16x128xf32, #tpu.memory_space<vmem>>)
      %get3A_865 = arith.index_cast %add3A_858 : i32 to index
      %get3A_866 = tpu.vector_load %arg9[%get3A_865] {strides = array<i32>} : memref<528xi32, #tpu.memory_space<vmem>>, vector<16xi32>,
      %slice3A_867 = vector.extract_strided_slice %get3A_866 {offsets = [0], sizes = [1], strides = [1]} : vector<16xi32> to vector<1xi32>
      %squeeze3A_868 = vector.extract %slice3A_867[0] : i32 from vector<1xi32>
      %and3A_869 = arith.constant 127 : i32
      %and3A_870 = arith.andi %squeeze3A_868, %and3A_869 : i32
      %broadcast_in_dim3A_871 = vector.broadcast %and3A_870 : i32 to vector<16xi32>
      %gather3A_872 = tpu.vector_load_idx %arg14[%iota3A, %broadcast_in_dim3A_871] : memref<16x128xf32, #tpu.memory_space<vmem>>[vector<16xi32>, vector<16xi32>], vector<16xf32>,
      %add3A_873 = arith.constant 32 : i32
      %add3A_874 = vector.broadcast %add3A_873 : i32 to vector<16xi32>
      %add3A_875 = arith.addi %iota3A, %add3A_874 : vector<16xi32>
      %broadcast_in_dim3A_876 = vector.broadcast %add3A_858 : i32 to vector<16xi32>
      tpu.vector_store_idx %arg11[%add3A_875, %broadcast_in_dim3A_876], %gather3A_872 : memref<64x512xf32, #tpu.memory_space<vmem>>[vector<16xi32>, vector<16xi32>], vector<16xf32>,
      %add3A_877 = arith.constant 6 : i32
      %add3A_878 = arith.addi %add3A_858, %add3A_877 : i32
      %get3A_879 = arith.index_cast %add3A_878 : i32 to index
      %get3A_880 = tpu.vector_load %arg9[%get3A_879] {strides = array<i32>} : memref<528xi32, #tpu.memory_space<vmem>>, vector<16xi32>,
      %slice3A_881 = vector.extract_strided_slice %get3A_880 {offsets = [0], sizes = [1], strides = [1]} : vector<16xi32> to vector<1xi32>
      %squeeze3A_882 = vector.extract %slice3A_881[0] : i32 from vector<1xi32>
      %shift_right_logical3A_883 = arith.constant 7 : i32
      %shift_right_logical3A_884 = arith.shrui %squeeze3A_882, %shift_right_logical3A_883 : i32
      %mul3A_885 = arith.constant 128 : i32
      %mul3A_886 = arith.muli %shift_right_logical3A_884, %mul3A_885 : i32
      %multiple_of3A_887 = tpu.assume_multiple %mul3A_886, 128 : i32
      %dma_start3A_888 = arith.constant 0 : i32
      %dma_start3A_889 = tpu.memref_slice %arg6[%dma_start3A_888, %multiple_of3A_887] : memref<16x1000000xf32, #tpu.memory_space<hbm>> -> memref<16x128xf32, #tpu.memory_space<hbm>>
      %dma_start3A_890 = arith.constant 0 : i32
      %dma_start3A_891 = tpu.memref_slice %arg6[%dma_start3A_890, %multiple_of3A_887] : memref<16x1000000xf32, #tpu.memory_space<hbm>> -> memref<16x128xf32, #tpu.memory_space<hbm>>
      tpu.enqueue_dma source(%dma_start3A_891 : memref<16x128xf32, #tpu.memory_space<hbm>>) target(%arg14 : memref<16x128xf32, #tpu.memory_space<vmem>>) target_semaphore(%arg20 : memref<!tpu.dma_semaphore, #tpu.memory_space<semaphore_mem>>)
      %mul3A_892 = arith.constant 6 : i32
      %mul3A_893 = arith.muli %scan3A_780, %mul3A_892 : i32
      %add3A_894 = arith.constant 3 : i32
      %add3A_895 = arith.addi %mul3A_893, %add3A_894 : i32
      %dma_wait3A_896 = arith.constant 0 : i32
      %dma_wait3A_897 = arith.constant 0 : i32
      %dma_wait3A_898 = tpu.memref_slice %arg4[%dma_wait3A_896, %dma_wait3A_897] : memref<16x1000000xf32, #tpu.memory_space<hbm>> -> memref<16x128xf32, #tpu.memory_space<hbm>>
      %dma_wait3A_899 = arith.constant 0 : i32
      %dma_wait3A_900 = arith.constant 0 : i32
      %dma_wait3A_901 = tpu.memref_slice %arg4[%dma_wait3A_899, %dma_wait3A_900] : memref<16x1000000xf32, #tpu.memory_space<hbm>> -> memref<16x128xf32, #tpu.memory_space<hbm>>
      tpu.wait_dma2 semaphore(%arg21 : memref<!tpu.dma_semaphore, #tpu.memory_space<semaphore_mem>>) src(%dma_wait3A_901 : memref<16x128xf32, #tpu.memory_space<hbm>>) dst(%arg15 : memref<16x128xf32, #tpu.memory_space<vmem>>)
      %get3A_902 = arith.index_cast %add3A_895 : i32 to index
      %get3A_903 = tpu.vector_load %arg9[%get3A_902] {strides = array<i32>} : memref<528xi32, #tpu.memory_space<vmem>>, vector<16xi32>,
      %slice3A_904 = vector.extract_strided_slice %get3A_903 {offsets = [0], sizes = [1], strides = [1]} : vector<16xi32> to vector<1xi32>
      %squeeze3A_905 = vector.extract %slice3A_904[0] : i32 from vector<1xi32>
      %and3A_906 = arith.constant 127 : i32
      %and3A_907 = arith.andi %squeeze3A_905, %and3A_906 : i32
      %broadcast_in_dim3A_908 = vector.broadcast %and3A_907 : i32 to vector<16xi32>
      %gather3A_909 = tpu.vector_load_idx %arg15[%iota3A, %broadcast_in_dim3A_908] : memref<16x128xf32, #tpu.memory_space<vmem>>[vector<16xi32>, vector<16xi32>], vector<16xf32>,
      %add3A_910 = arith.constant 32 : i32
      %add3A_911 = vector.broadcast %add3A_910 : i32 to vector<16xi32>
      %add3A_912 = arith.addi %iota3A, %add3A_911 : vector<16xi32>
      %broadcast_in_dim3A_913 = vector.broadcast %add3A_895 : i32 to vector<16xi32>
      tpu.vector_store_idx %arg11[%add3A_912, %broadcast_in_dim3A_913], %gather3A_909 : memref<64x512xf32, #tpu.memory_space<vmem>>[vector<16xi32>, vector<16xi32>], vector<16xf32>,
      %add3A_914 = arith.constant 6 : i32
      %add3A_915 = arith.addi %add3A_895, %add3A_914 : i32
      %get3A_916 = arith.index_cast %add3A_915 : i32 to index
      %get3A_917 = tpu.vector_load %arg9[%get3A_916] {strides = array<i32>} : memref<528xi32, #tpu.memory_space<vmem>>, vector<16xi32>,
      %slice3A_918 = vector.extract_strided_slice %get3A_917 {offsets = [0], sizes = [1], strides = [1]} : vector<16xi32> to vector<1xi32>
      %squeeze3A_919 = vector.extract %slice3A_918[0] : i32 from vector<1xi32>
      %shift_right_logical3A_920 = arith.constant 7 : i32
      %shift_right_logical3A_921 = arith.shrui %squeeze3A_919, %shift_right_logical3A_920 : i32
      %mul3A_922 = arith.constant 128 : i32
      %mul3A_923 = arith.muli %shift_right_logical3A_921, %mul3A_922 : i32
      %multiple_of3A_924 = tpu.assume_multiple %mul3A_923, 128 : i32
      %dma_start3A_925 = arith.constant 0 : i32
      %dma_start3A_926 = tpu.memref_slice %arg6[%dma_start3A_925, %multiple_of3A_924] : memref<16x1000000xf32, #tpu.memory_space<hbm>> -> memref<16x128xf32, #tpu.memory_space<hbm>>
      %dma_start3A_927 = arith.constant 0 : i32
      %dma_start3A_928 = tpu.memref_slice %arg6[%dma_start3A_927, %multiple_of3A_924] : memref<16x1000000xf32, #tpu.memory_space<hbm>> -> memref<16x128xf32, #tpu.memory_space<hbm>>
      tpu.enqueue_dma source(%dma_start3A_928 : memref<16x128xf32, #tpu.memory_space<hbm>>) target(%arg15 : memref<16x128xf32, #tpu.memory_space<vmem>>) target_semaphore(%arg21 : memref<!tpu.dma_semaphore, #tpu.memory_space<semaphore_mem>>)
      %mul3A_929 = arith.constant 6 : i32
      %mul3A_930 = arith.muli %scan3A_780, %mul3A_929 : i32
      %add3A_931 = arith.constant 4 : i32
      %add3A_932 = arith.addi %mul3A_930, %add3A_931 : i32
      %dma_wait3A_933 = arith.constant 0 : i32
      %dma_wait3A_934 = arith.constant 0 : i32
      %dma_wait3A_935 = tpu.memref_slice %arg4[%dma_wait3A_933, %dma_wait3A_934] : memref<16x1000000xf32, #tpu.memory_space<hbm>> -> memref<16x128xf32, #tpu.memory_space<hbm>>
      %dma_wait3A_936 = arith.constant 0 : i32
      %dma_wait3A_937 = arith.constant 0 : i32
      %dma_wait3A_938 = tpu.memref_slice %arg4[%dma_wait3A_936, %dma_wait3A_937] : memref<16x1000000xf32, #tpu.memory_space<hbm>> -> memref<16x128xf32, #tpu.memory_space<hbm>>
      tpu.wait_dma2 semaphore(%arg22 : memref<!tpu.dma_semaphore, #tpu.memory_space<semaphore_mem>>) src(%dma_wait3A_938 : memref<16x128xf32, #tpu.memory_space<hbm>>) dst(%arg16 : memref<16x128xf32, #tpu.memory_space<vmem>>)
      %get3A_939 = arith.index_cast %add3A_932 : i32 to index
      %get3A_940 = tpu.vector_load %arg9[%get3A_939] {strides = array<i32>} : memref<528xi32, #tpu.memory_space<vmem>>, vector<16xi32>,
      %slice3A_941 = vector.extract_strided_slice %get3A_940 {offsets = [0], sizes = [1], strides = [1]} : vector<16xi32> to vector<1xi32>
      %squeeze3A_942 = vector.extract %slice3A_941[0] : i32 from vector<1xi32>
      %and3A_943 = arith.constant 127 : i32
      %and3A_944 = arith.andi %squeeze3A_942, %and3A_943 : i32
      %broadcast_in_dim3A_945 = vector.broadcast %and3A_944 : i32 to vector<16xi32>
      %gather3A_946 = tpu.vector_load_idx %arg16[%iota3A, %broadcast_in_dim3A_945] : memref<16x128xf32, #tpu.memory_space<vmem>>[vector<16xi32>, vector<16xi32>], vector<16xf32>,
      %add3A_947 = arith.constant 32 : i32
      %add3A_948 = vector.broadcast %add3A_947 : i32 to vector<16xi32>
      %add3A_949 = arith.addi %iota3A, %add3A_948 : vector<16xi32>
      %broadcast_in_dim3A_950 = vector.broadcast %add3A_932 : i32 to vector<16xi32>
      tpu.vector_store_idx %arg11[%add3A_949, %broadcast_in_dim3A_950], %gather3A_946 : memref<64x512xf32, #tpu.memory_space<vmem>>[vector<16xi32>, vector<16xi32>], vector<16xf32>,
      %add3A_951 = arith.constant 6 : i32
      %add3A_952 = arith.addi %add3A_932, %add3A_951 : i32
      %get3A_953 = arith.index_cast %add3A_952 : i32 to index
      %get3A_954 = tpu.vector_load %arg9[%get3A_953] {strides = array<i32>} : memref<528xi32, #tpu.memory_space<vmem>>, vector<16xi32>,
      %slice3A_955 = vector.extract_strided_slice %get3A_954 {offsets = [0], sizes = [1], strides = [1]} : vector<16xi32> to vector<1xi32>
      %squeeze3A_956 = vector.extract %slice3A_955[0] : i32 from vector<1xi32>
      %shift_right_logical3A_957 = arith.constant 7 : i32
      %shift_right_logical3A_958 = arith.shrui %squeeze3A_956, %shift_right_logical3A_957 : i32
      %mul3A_959 = arith.constant 128 : i32
      %mul3A_960 = arith.muli %shift_right_logical3A_958, %mul3A_959 : i32
      %multiple_of3A_961 = tpu.assume_multiple %mul3A_960, 128 : i32
      %dma_start3A_962 = arith.constant 0 : i32
      %dma_start3A_963 = tpu.memref_slice %arg6[%dma_start3A_962, %multiple_of3A_961] : memref<16x1000000xf32, #tpu.memory_space<hbm>> -> memref<16x128xf32, #tpu.memory_space<hbm>>
      %dma_start3A_964 = arith.constant 0 : i32
      %dma_start3A_965 = tpu.memref_slice %arg6[%dma_start3A_964, %multiple_of3A_961] : memref<16x1000000xf32, #tpu.memory_space<hbm>> -> memref<16x128xf32, #tpu.memory_space<hbm>>
      tpu.enqueue_dma source(%dma_start3A_965 : memref<16x128xf32, #tpu.memory_space<hbm>>) target(%arg16 : memref<16x128xf32, #tpu.memory_space<vmem>>) target_semaphore(%arg22 : memref<!tpu.dma_semaphore, #tpu.memory_space<semaphore_mem>>)
      %mul3A_966 = arith.constant 6 : i32
      %mul3A_967 = arith.muli %scan3A_780, %mul3A_966 : i32
      %add3A_968 = arith.constant 5 : i32
      %add3A_969 = arith.addi %mul3A_967, %add3A_968 : i32
      %dma_wait3A_970 = arith.constant 0 : i32
      %dma_wait3A_971 = arith.constant 0 : i32
      %dma_wait3A_972 = tpu.memref_slice %arg4[%dma_wait3A_970, %dma_wait3A_971] : memref<16x1000000xf32, #tpu.memory_space<hbm>> -> memref<16x128xf32, #tpu.memory_space<hbm>>
      %dma_wait3A_973 = arith.constant 0 : i32
      %dma_wait3A_974 = arith.constant 0 : i32
      %dma_wait3A_975 = tpu.memref_slice %arg4[%dma_wait3A_973, %dma_wait3A_974] : memref<16x1000000xf32, #tpu.memory_space<hbm>> -> memref<16x128xf32, #tpu.memory_space<hbm>>
      tpu.wait_dma2 semaphore(%arg23 : memref<!tpu.dma_semaphore, #tpu.memory_space<semaphore_mem>>) src(%dma_wait3A_975 : memref<16x128xf32, #tpu.memory_space<hbm>>) dst(%arg17 : memref<16x128xf32, #tpu.memory_space<vmem>>)
      %get3A_976 = arith.index_cast %add3A_969 : i32 to index
      %get3A_977 = tpu.vector_load %arg9[%get3A_976] {strides = array<i32>} : memref<528xi32, #tpu.memory_space<vmem>>, vector<16xi32>,
      %slice3A_978 = vector.extract_strided_slice %get3A_977 {offsets = [0], sizes = [1], strides = [1]} : vector<16xi32> to vector<1xi32>
      %squeeze3A_979 = vector.extract %slice3A_978[0] : i32 from vector<1xi32>
      %and3A_980 = arith.constant 127 : i32
      %and3A_981 = arith.andi %squeeze3A_979, %and3A_980 : i32
      %broadcast_in_dim3A_982 = vector.broadcast %and3A_981 : i32 to vector<16xi32>
      %gather3A_983 = tpu.vector_load_idx %arg17[%iota3A, %broadcast_in_dim3A_982] : memref<16x128xf32, #tpu.memory_space<vmem>>[vector<16xi32>, vector<16xi32>], vector<16xf32>,
      %add3A_984 = arith.constant 32 : i32
      %add3A_985 = vector.broadcast %add3A_984 : i32 to vector<16xi32>
      %add3A_986 = arith.addi %iota3A, %add3A_985 : vector<16xi32>
      %broadcast_in_dim3A_987 = vector.broadcast %add3A_969 : i32 to vector<16xi32>
      tpu.vector_store_idx %arg11[%add3A_986, %broadcast_in_dim3A_987], %gather3A_983 : memref<64x512xf32, #tpu.memory_space<vmem>>[vector<16xi32>, vector<16xi32>], vector<16xf32>,
      %add3A_988 = arith.constant 6 : i32
      %add3A_989 = arith.addi %add3A_969, %add3A_988 : i32
      %get3A_990 = arith.index_cast %add3A_989 : i32 to index
      %get3A_991 = tpu.vector_load %arg9[%get3A_990] {strides = array<i32>} : memref<528xi32, #tpu.memory_space<vmem>>, vector<16xi32>,
      %slice3A_992 = vector.extract_strided_slice %get3A_991 {offsets = [0], sizes = [1], strides = [1]} : vector<16xi32> to vector<1xi32>
      %squeeze3A_993 = vector.extract %slice3A_992[0] : i32 from vector<1xi32>
      %shift_right_logical3A_994 = arith.constant 7 : i32
      %shift_right_logical3A_995 = arith.shrui %squeeze3A_993, %shift_right_logical3A_994 : i32
      %mul3A_996 = arith.constant 128 : i32
      %mul3A_997 = arith.muli %shift_right_logical3A_995, %mul3A_996 : i32
      %multiple_of3A_998 = tpu.assume_multiple %mul3A_997, 128 : i32
      %dma_start3A_999 = arith.constant 0 : i32
      %dma_start3A_1000 = tpu.memref_slice %arg6[%dma_start3A_999, %multiple_of3A_998] : memref<16x1000000xf32, #tpu.memory_space<hbm>> -> memref<16x128xf32, #tpu.memory_space<hbm>>
      %dma_start3A_1001 = arith.constant 0 : i32
      %dma_start3A_1002 = tpu.memref_slice %arg6[%dma_start3A_1001, %multiple_of3A_998] : memref<16x1000000xf32, #tpu.memory_space<hbm>> -> memref<16x128xf32, #tpu.memory_space<hbm>>
      tpu.enqueue_dma source(%dma_start3A_1002 : memref<16x128xf32, #tpu.memory_space<hbm>>) target(%arg17 : memref<16x128xf32, #tpu.memory_space<vmem>>) target_semaphore(%arg23 : memref<!tpu.dma_semaphore, #tpu.memory_space<semaphore_mem>>)
    }
    %scan3A_468 = arith.constant 84 : i32
    %dma_wait3A_469 = arith.constant 0 : i32
    %dma_wait3A_470 = arith.constant 0 : i32
    %dma_wait3A_471 = tpu.memref_slice %arg4[%dma_wait3A_469, %dma_wait3A_470] : memref<16x1000000xf32, #tpu.memory_space<hbm>> -> memref<16x128xf32, #tpu.memory_space<hbm>>
    %dma_wait3A_472 = arith.constant 0 : i32
    %dma_wait3A_473 = arith.constant 0 : i32
    %dma_wait3A_474 = tpu.memref_slice %arg4[%dma_wait3A_472, %dma_wait3A_473] : memref<16x1000000xf32, #tpu.memory_space<hbm>> -> memref<16x128xf32, #tpu.memory_space<hbm>>
    tpu.wait_dma2 semaphore(%arg18 : memref<!tpu.dma_semaphore, #tpu.memory_space<semaphore_mem>>) src(%dma_wait3A_474 : memref<16x128xf32, #tpu.memory_space<hbm>>) dst(%arg12 : memref<16x128xf32, #tpu.memory_space<vmem>>)
    %get3A_475 = arith.constant 506 : index
    %get3A_476 = tpu.vector_load %arg9[%get3A_475] {strides = array<i32>} : memref<528xi32, #tpu.memory_space<vmem>>, vector<16xi32>,
    %slice3A_477 = vector.extract_strided_slice %get3A_476 {offsets = [0], sizes = [1], strides = [1]} : vector<16xi32> to vector<1xi32>
    %squeeze3A_478 = vector.extract %slice3A_477[0] : i32 from vector<1xi32>
    %and3A_479 = arith.constant 127 : i32
    %and3A_480 = arith.andi %squeeze3A_478, %and3A_479 : i32
    %broadcast_in_dim3A_481 = vector.broadcast %and3A_480 : i32 to vector<16xi32>
    %gather3A_482 = tpu.vector_load_idx %arg12[%iota3A, %broadcast_in_dim3A_481] : memref<16x128xf32, #tpu.memory_space<vmem>>[vector<16xi32>, vector<16xi32>], vector<16xf32>,
    %add3A_483 = arith.constant 32 : i32
    %add3A_484 = vector.broadcast %add3A_483 : i32 to vector<16xi32>
    %add3A_485 = arith.addi %iota3A, %add3A_484 : vector<16xi32>
    %broadcast_in_dim3A_486 = arith.constant 506 : i32
    %broadcast_in_dim3A_487 = vector.broadcast %broadcast_in_dim3A_486 : i32 to vector<16xi32>
    tpu.vector_store_idx %arg11[%add3A_485, %broadcast_in_dim3A_487], %gather3A_482 : memref<64x512xf32, #tpu.memory_space<vmem>>[vector<16xi32>, vector<16xi32>], vector<16xf32>,
    %get3A_488 = arith.constant 0 : index
    %get3A_489 = tpu.vector_load %arg10[%get3A_488] {strides = array<i32>} : memref<528xi32, #tpu.memory_space<vmem>>, vector<16xi32>,
    %slice3A_490 = vector.extract_strided_slice %get3A_489 {offsets = [0], sizes = [1], strides = [1]} : vector<16xi32> to vector<1xi32>
    %squeeze3A_491 = vector.extract %slice3A_490[0] : i32 from vector<1xi32>
    %shift_right_logical3A_492 = arith.constant 7 : i32
    %shift_right_logical3A_493 = arith.shrui %squeeze3A_491, %shift_right_logical3A_492 : i32
    %mul3A_494 = arith.constant 128 : i32
    %mul3A_495 = arith.muli %shift_right_logical3A_493, %mul3A_494 : i32
    %multiple_of3A_496 = tpu.assume_multiple %mul3A_495, 128 : i32
    %dma_start3A_497 = arith.constant 0 : i32
    %dma_start3A_498 = tpu.memref_slice %arg7[%dma_start3A_497, %multiple_of3A_496] : memref<16x1000000xf32, #tpu.memory_space<hbm>> -> memref<16x128xf32, #tpu.memory_space<hbm>>
    %dma_start3A_499 = arith.constant 0 : i32
    %dma_start3A_500 = tpu.memref_slice %arg7[%dma_start3A_499, %multiple_of3A_496] : memref<16x1000000xf32, #tpu.memory_space<hbm>> -> memref<16x128xf32, #tpu.memory_space<hbm>>
    tpu.enqueue_dma source(%dma_start3A_500 : memref<16x128xf32, #tpu.memory_space<hbm>>) target(%arg12 : memref<16x128xf32, #tpu.memory_space<vmem>>) target_semaphore(%arg18 : memref<!tpu.dma_semaphore, #tpu.memory_space<semaphore_mem>>)
    %dma_wait3A_501 = arith.constant 0 : i32
    %dma_wait3A_502 = arith.constant 0 : i32
    %dma_wait3A_503 = tpu.memref_slice %arg4[%dma_wait3A_501, %dma_wait3A_502] : memref<16x1000000xf32, #tpu.memory_space<hbm>> -> memref<16x128xf32, #tpu.memory_space<hbm>>
    %dma_wait3A_504 = arith.constant 0 : i32
    %dma_wait3A_505 = arith.constant 0 : i32
    %dma_wait3A_506 = tpu.memref_slice %arg4[%dma_wait3A_504, %dma_wait3A_505] : memref<16x1000000xf32, #tpu.memory_space<hbm>> -> memref<16x128xf32, #tpu.memory_space<hbm>>
    tpu.wait_dma2 semaphore(%arg19 : memref<!tpu.dma_semaphore, #tpu.memory_space<semaphore_mem>>) src(%dma_wait3A_506 : memref<16x128xf32, #tpu.memory_space<hbm>>) dst(%arg13 : memref<16x128xf32, #tpu.memory_space<vmem>>)
    %get3A_507 = arith.constant 507 : index
    %get3A_508 = tpu.vector_load %arg9[%get3A_507] {strides = array<i32>} : memref<528xi32, #tpu.memory_space<vmem>>, vector<16xi32>,
    %slice3A_509 = vector.extract_strided_slice %get3A_508 {offsets = [0], sizes = [1], strides = [1]} : vector<16xi32> to vector<1xi32>
    %squeeze3A_510 = vector.extract %slice3A_509[0] : i32 from vector<1xi32>
    %and3A_511 = arith.constant 127 : i32
    %and3A_512 = arith.andi %squeeze3A_510, %and3A_511 : i32
    %broadcast_in_dim3A_513 = vector.broadcast %and3A_512 : i32 to vector<16xi32>
    %gather3A_514 = tpu.vector_load_idx %arg13[%iota3A, %broadcast_in_dim3A_513] : memref<16x128xf32, #tpu.memory_space<vmem>>[vector<16xi32>, vector<16xi32>], vector<16xf32>,
    %add3A_515 = arith.constant 32 : i32
    %add3A_516 = vector.broadcast %add3A_515 : i32 to vector<16xi32>
    %add3A_517 = arith.addi %iota3A, %add3A_516 : vector<16xi32>
    %broadcast_in_dim3A_518 = arith.constant 507 : i32
    %broadcast_in_dim3A_519 = vector.broadcast %broadcast_in_dim3A_518 : i32 to vector<16xi32>
    tpu.vector_store_idx %arg11[%add3A_517, %broadcast_in_dim3A_519], %gather3A_514 : memref<64x512xf32, #tpu.memory_space<vmem>>[vector<16xi32>, vector<16xi32>], vector<16xf32>,
    %get3A_520 = arith.constant 1 : index
    %get3A_521 = tpu.vector_load %arg10[%get3A_520] {strides = array<i32>} : memref<528xi32, #tpu.memory_space<vmem>>, vector<16xi32>,
    %slice3A_522 = vector.extract_strided_slice %get3A_521 {offsets = [0], sizes = [1], strides = [1]} : vector<16xi32> to vector<1xi32>
    %squeeze3A_523 = vector.extract %slice3A_522[0] : i32 from vector<1xi32>
    %shift_right_logical3A_524 = arith.constant 7 : i32
    %shift_right_logical3A_525 = arith.shrui %squeeze3A_523, %shift_right_logical3A_524 : i32
    %mul3A_526 = arith.constant 128 : i32
    %mul3A_527 = arith.muli %shift_right_logical3A_525, %mul3A_526 : i32
    %multiple_of3A_528 = tpu.assume_multiple %mul3A_527, 128 : i32
    %dma_start3A_529 = arith.constant 0 : i32
    %dma_start3A_530 = tpu.memref_slice %arg7[%dma_start3A_529, %multiple_of3A_528] : memref<16x1000000xf32, #tpu.memory_space<hbm>> -> memref<16x128xf32, #tpu.memory_space<hbm>>
    %dma_start3A_531 = arith.constant 0 : i32
    %dma_start3A_532 = tpu.memref_slice %arg7[%dma_start3A_531, %multiple_of3A_528] : memref<16x1000000xf32, #tpu.memory_space<hbm>> -> memref<16x128xf32, #tpu.memory_space<hbm>>
    tpu.enqueue_dma source(%dma_start3A_532 : memref<16x128xf32, #tpu.memory_space<hbm>>) target(%arg13 : memref<16x128xf32, #tpu.memory_space<vmem>>) target_semaphore(%arg19 : memref<!tpu.dma_semaphore, #tpu.memory_space<semaphore_mem>>)
    %dma_wait3A_533 = arith.constant 0 : i32
    %dma_wait3A_534 = arith.constant 0 : i32
    %dma_wait3A_535 = tpu.memref_slice %arg4[%dma_wait3A_533, %dma_wait3A_534] : memref<16x1000000xf32, #tpu.memory_space<hbm>> -> memref<16x128xf32, #tpu.memory_space<hbm>>
    %dma_wait3A_536 = arith.constant 0 : i32
    %dma_wait3A_537 = arith.constant 0 : i32
    %dma_wait3A_538 = tpu.memref_slice %arg4[%dma_wait3A_536, %dma_wait3A_537] : memref<16x1000000xf32, #tpu.memory_space<hbm>> -> memref<16x128xf32, #tpu.memory_space<hbm>>
    tpu.wait_dma2 semaphore(%arg20 : memref<!tpu.dma_semaphore, #tpu.memory_space<semaphore_mem>>) src(%dma_wait3A_538 : memref<16x128xf32, #tpu.memory_space<hbm>>) dst(%arg14 : memref<16x128xf32, #tpu.memory_space<vmem>>)
    %get3A_539 = arith.constant 508 : index
    %get3A_540 = tpu.vector_load %arg9[%get3A_539] {strides = array<i32>} : memref<528xi32, #tpu.memory_space<vmem>>, vector<16xi32>,
    %slice3A_541 = vector.extract_strided_slice %get3A_540 {offsets = [0], sizes = [1], strides = [1]} : vector<16xi32> to vector<1xi32>
    %squeeze3A_542 = vector.extract %slice3A_541[0] : i32 from vector<1xi32>
    %and3A_543 = arith.constant 127 : i32
    %and3A_544 = arith.andi %squeeze3A_542, %and3A_543 : i32
    %broadcast_in_dim3A_545 = vector.broadcast %and3A_544 : i32 to vector<16xi32>
    %gather3A_546 = tpu.vector_load_idx %arg14[%iota3A, %broadcast_in_dim3A_545] : memref<16x128xf32, #tpu.memory_space<vmem>>[vector<16xi32>, vector<16xi32>], vector<16xf32>,
    %add3A_547 = arith.constant 32 : i32
    %add3A_548 = vector.broadcast %add3A_547 : i32 to vector<16xi32>
    %add3A_549 = arith.addi %iota3A, %add3A_548 : vector<16xi32>
    %broadcast_in_dim3A_550 = arith.constant 508 : i32
    %broadcast_in_dim3A_551 = vector.broadcast %broadcast_in_dim3A_550 : i32 to vector<16xi32>
    tpu.vector_store_idx %arg11[%add3A_549, %broadcast_in_dim3A_551], %gather3A_546 : memref<64x512xf32, #tpu.memory_space<vmem>>[vector<16xi32>, vector<16xi32>], vector<16xf32>,
    %get3A_552 = arith.constant 2 : index
    %get3A_553 = tpu.vector_load %arg10[%get3A_552] {strides = array<i32>} : memref<528xi32, #tpu.memory_space<vmem>>, vector<16xi32>,
    %slice3A_554 = vector.extract_strided_slice %get3A_553 {offsets = [0], sizes = [1], strides = [1]} : vector<16xi32> to vector<1xi32>
    %squeeze3A_555 = vector.extract %slice3A_554[0] : i32 from vector<1xi32>
    %shift_right_logical3A_556 = arith.constant 7 : i32
    %shift_right_logical3A_557 = arith.shrui %squeeze3A_555, %shift_right_logical3A_556 : i32
    %mul3A_558 = arith.constant 128 : i32
    %mul3A_559 = arith.muli %shift_right_logical3A_557, %mul3A_558 : i32
    %multiple_of3A_560 = tpu.assume_multiple %mul3A_559, 128 : i32
    %dma_start3A_561 = arith.constant 0 : i32
    %dma_start3A_562 = tpu.memref_slice %arg7[%dma_start3A_561, %multiple_of3A_560] : memref<16x1000000xf32, #tpu.memory_space<hbm>> -> memref<16x128xf32, #tpu.memory_space<hbm>>
    %dma_start3A_563 = arith.constant 0 : i32
    %dma_start3A_564 = tpu.memref_slice %arg7[%dma_start3A_563, %multiple_of3A_560] : memref<16x1000000xf32, #tpu.memory_space<hbm>> -> memref<16x128xf32, #tpu.memory_space<hbm>>
    tpu.enqueue_dma source(%dma_start3A_564 : memref<16x128xf32, #tpu.memory_space<hbm>>) target(%arg14 : memref<16x128xf32, #tpu.memory_space<vmem>>) target_semaphore(%arg20 : memref<!tpu.dma_semaphore, #tpu.memory_space<semaphore_mem>>)
    %dma_wait3A_565 = arith.constant 0 : i32
    %dma_wait3A_566 = arith.constant 0 : i32
    %dma_wait3A_567 = tpu.memref_slice %arg4[%dma_wait3A_565, %dma_wait3A_566] : memref<16x1000000xf32, #tpu.memory_space<hbm>> -> memref<16x128xf32, #tpu.memory_space<hbm>>
    %dma_wait3A_568 = arith.constant 0 : i32
    %dma_wait3A_569 = arith.constant 0 : i32
    %dma_wait3A_570 = tpu.memref_slice %arg4[%dma_wait3A_568, %dma_wait3A_569] : memref<16x1000000xf32, #tpu.memory_space<hbm>> -> memref<16x128xf32, #tpu.memory_space<hbm>>
    tpu.wait_dma2 semaphore(%arg21 : memref<!tpu.dma_semaphore, #tpu.memory_space<semaphore_mem>>) src(%dma_wait3A_570 : memref<16x128xf32, #tpu.memory_space<hbm>>) dst(%arg15 : memref<16x128xf32, #tpu.memory_space<vmem>>)
    %get3A_571 = arith.constant 509 : index
    %get3A_572 = tpu.vector_load %arg9[%get3A_571] {strides = array<i32>} : memref<528xi32, #tpu.memory_space<vmem>>, vector<16xi32>,
    %slice3A_573 = vector.extract_strided_slice %get3A_572 {offsets = [0], sizes = [1], strides = [1]} : vector<16xi32> to vector<1xi32>
    %squeeze3A_574 = vector.extract %slice3A_573[0] : i32 from vector<1xi32>
    %and3A_575 = arith.constant 127 : i32
    %and3A_576 = arith.andi %squeeze3A_574, %and3A_575 : i32
    %broadcast_in_dim3A_577 = vector.broadcast %and3A_576 : i32 to vector<16xi32>
    %gather3A_578 = tpu.vector_load_idx %arg15[%iota3A, %broadcast_in_dim3A_577] : memref<16x128xf32, #tpu.memory_space<vmem>>[vector<16xi32>, vector<16xi32>], vector<16xf32>,
    %add3A_579 = arith.constant 32 : i32
    %add3A_580 = vector.broadcast %add3A_579 : i32 to vector<16xi32>
    %add3A_581 = arith.addi %iota3A, %add3A_580 : vector<16xi32>
    %broadcast_in_dim3A_582 = arith.constant 509 : i32
    %broadcast_in_dim3A_583 = vector.broadcast %broadcast_in_dim3A_582 : i32 to vector<16xi32>
    tpu.vector_store_idx %arg11[%add3A_581, %broadcast_in_dim3A_583], %gather3A_578 : memref<64x512xf32, #tpu.memory_space<vmem>>[vector<16xi32>, vector<16xi32>], vector<16xf32>,
    %get3A_584 = arith.constant 3 : index
    %get3A_585 = tpu.vector_load %arg10[%get3A_584] {strides = array<i32>} : memref<528xi32, #tpu.memory_space<vmem>>, vector<16xi32>,
    %slice3A_586 = vector.extract_strided_slice %get3A_585 {offsets = [0], sizes = [1], strides = [1]} : vector<16xi32> to vector<1xi32>
    %squeeze3A_587 = vector.extract %slice3A_586[0] : i32 from vector<1xi32>
    %shift_right_logical3A_588 = arith.constant 7 : i32
    %shift_right_logical3A_589 = arith.shrui %squeeze3A_587, %shift_right_logical3A_588 : i32
    %mul3A_590 = arith.constant 128 : i32
    %mul3A_591 = arith.muli %shift_right_logical3A_589, %mul3A_590 : i32
    %multiple_of3A_592 = tpu.assume_multiple %mul3A_591, 128 : i32
    %dma_start3A_593 = arith.constant 0 : i32
    %dma_start3A_594 = tpu.memref_slice %arg7[%dma_start3A_593, %multiple_of3A_592] : memref<16x1000000xf32, #tpu.memory_space<hbm>> -> memref<16x128xf32, #tpu.memory_space<hbm>>
    %dma_start3A_595 = arith.constant 0 : i32
    %dma_start3A_596 = tpu.memref_slice %arg7[%dma_start3A_595, %multiple_of3A_592] : memref<16x1000000xf32, #tpu.memory_space<hbm>> -> memref<16x128xf32, #tpu.memory_space<hbm>>
    tpu.enqueue_dma source(%dma_start3A_596 : memref<16x128xf32, #tpu.memory_space<hbm>>) target(%arg15 : memref<16x128xf32, #tpu.memory_space<vmem>>) target_semaphore(%arg21 : memref<!tpu.dma_semaphore, #tpu.memory_space<semaphore_mem>>)
    %dma_wait3A_597 = arith.constant 0 : i32
    %dma_wait3A_598 = arith.constant 0 : i32
    %dma_wait3A_599 = tpu.memref_slice %arg4[%dma_wait3A_597, %dma_wait3A_598] : memref<16x1000000xf32, #tpu.memory_space<hbm>> -> memref<16x128xf32, #tpu.memory_space<hbm>>
    %dma_wait3A_600 = arith.constant 0 : i32
    %dma_wait3A_601 = arith.constant 0 : i32
    %dma_wait3A_602 = tpu.memref_slice %arg4[%dma_wait3A_600, %dma_wait3A_601] : memref<16x1000000xf32, #tpu.memory_space<hbm>> -> memref<16x128xf32, #tpu.memory_space<hbm>>
    tpu.wait_dma2 semaphore(%arg22 : memref<!tpu.dma_semaphore, #tpu.memory_space<semaphore_mem>>) src(%dma_wait3A_602 : memref<16x128xf32, #tpu.memory_space<hbm>>) dst(%arg16 : memref<16x128xf32, #tpu.memory_space<vmem>>)
    %get3A_603 = arith.constant 510 : index
    %get3A_604 = tpu.vector_load %arg9[%get3A_603] {strides = array<i32>} : memref<528xi32, #tpu.memory_space<vmem>>, vector<16xi32>,
    %slice3A_605 = vector.extract_strided_slice %get3A_604 {offsets = [0], sizes = [1], strides = [1]} : vector<16xi32> to vector<1xi32>
    %squeeze3A_606 = vector.extract %slice3A_605[0] : i32 from vector<1xi32>
    %and3A_607 = arith.constant 127 : i32
    %and3A_608 = arith.andi %squeeze3A_606, %and3A_607 : i32
    %broadcast_in_dim3A_609 = vector.broadcast %and3A_608 : i32 to vector<16xi32>
    %gather3A_610 = tpu.vector_load_idx %arg16[%iota3A, %broadcast_in_dim3A_609] : memref<16x128xf32, #tpu.memory_space<vmem>>[vector<16xi32>, vector<16xi32>], vector<16xf32>,
    %add3A_611 = arith.constant 32 : i32
    %add3A_612 = vector.broadcast %add3A_611 : i32 to vector<16xi32>
    %add3A_613 = arith.addi %iota3A, %add3A_612 : vector<16xi32>
    %broadcast_in_dim3A_614 = arith.constant 510 : i32
    %broadcast_in_dim3A_615 = vector.broadcast %broadcast_in_dim3A_614 : i32 to vector<16xi32>
    tpu.vector_store_idx %arg11[%add3A_613, %broadcast_in_dim3A_615], %gather3A_610 : memref<64x512xf32, #tpu.memory_space<vmem>>[vector<16xi32>, vector<16xi32>], vector<16xf32>,
    %get3A_616 = arith.constant 4 : index
    %get3A_617 = tpu.vector_load %arg10[%get3A_616] {strides = array<i32>} : memref<528xi32, #tpu.memory_space<vmem>>, vector<16xi32>,
    %slice3A_618 = vector.extract_strided_slice %get3A_617 {offsets = [0], sizes = [1], strides = [1]} : vector<16xi32> to vector<1xi32>
    %squeeze3A_619 = vector.extract %slice3A_618[0] : i32 from vector<1xi32>
    %shift_right_logical3A_620 = arith.constant 7 : i32
    %shift_right_logical3A_621 = arith.shrui %squeeze3A_619, %shift_right_logical3A_620 : i32
    %mul3A_622 = arith.constant 128 : i32
    %mul3A_623 = arith.muli %shift_right_logical3A_621, %mul3A_622 : i32
    %multiple_of3A_624 = tpu.assume_multiple %mul3A_623, 128 : i32
    %dma_start3A_625 = arith.constant 0 : i32
    %dma_start3A_626 = tpu.memref_slice %arg7[%dma_start3A_625, %multiple_of3A_624] : memref<16x1000000xf32, #tpu.memory_space<hbm>> -> memref<16x128xf32, #tpu.memory_space<hbm>>
    %dma_start3A_627 = arith.constant 0 : i32
    %dma_start3A_628 = tpu.memref_slice %arg7[%dma_start3A_627, %multiple_of3A_624] : memref<16x1000000xf32, #tpu.memory_space<hbm>> -> memref<16x128xf32, #tpu.memory_space<hbm>>
    tpu.enqueue_dma source(%dma_start3A_628 : memref<16x128xf32, #tpu.memory_space<hbm>>) target(%arg16 : memref<16x128xf32, #tpu.memory_space<vmem>>) target_semaphore(%arg22 : memref<!tpu.dma_semaphore, #tpu.memory_space<semaphore_mem>>)
    %dma_wait3A_629 = arith.constant 0 : i32
    %dma_wait3A_630 = arith.constant 0 : i32
    %dma_wait3A_631 = tpu.memref_slice %arg4[%dma_wait3A_629, %dma_wait3A_630] : memref<16x1000000xf32, #tpu.memory_space<hbm>> -> memref<16x128xf32, #tpu.memory_space<hbm>>
    %dma_wait3A_632 = arith.constant 0 : i32
    %dma_wait3A_633 = arith.constant 0 : i32
    %dma_wait3A_634 = tpu.memref_slice %arg4[%dma_wait3A_632, %dma_wait3A_633] : memref<16x1000000xf32, #tpu.memory_space<hbm>> -> memref<16x128xf32, #tpu.memory_space<hbm>>
    tpu.wait_dma2 semaphore(%arg23 : memref<!tpu.dma_semaphore, #tpu.memory_space<semaphore_mem>>) src(%dma_wait3A_634 : memref<16x128xf32, #tpu.memory_space<hbm>>) dst(%arg17 : memref<16x128xf32, #tpu.memory_space<vmem>>)
    %get3A_635 = arith.constant 511 : index
    %get3A_636 = tpu.vector_load %arg9[%get3A_635] {strides = array<i32>} : memref<528xi32, #tpu.memory_space<vmem>>, vector<16xi32>,
    %slice3A_637 = vector.extract_strided_slice %get3A_636 {offsets = [0], sizes = [1], strides = [1]} : vector<16xi32> to vector<1xi32>
    %squeeze3A_638 = vector.extract %slice3A_637[0] : i32 from vector<1xi32>
    %and3A_639 = arith.constant 127 : i32
    %and3A_640 = arith.andi %squeeze3A_638, %and3A_639 : i32
    %broadcast_in_dim3A_641 = vector.broadcast %and3A_640 : i32 to vector<16xi32>
    %gather3A_642 = tpu.vector_load_idx %arg17[%iota3A, %broadcast_in_dim3A_641] : memref<16x128xf32, #tpu.memory_space<vmem>>[vector<16xi32>, vector<16xi32>], vector<16xf32>,
    %add3A_643 = arith.constant 32 : i32
    %add3A_644 = vector.broadcast %add3A_643 : i32 to vector<16xi32>
    %add3A_645 = arith.addi %iota3A, %add3A_644 : vector<16xi32>
    %broadcast_in_dim3A_646 = arith.constant 511 : i32
    %broadcast_in_dim3A_647 = vector.broadcast %broadcast_in_dim3A_646 : i32 to vector<16xi32>
    tpu.vector_store_idx %arg11[%add3A_645, %broadcast_in_dim3A_647], %gather3A_642 : memref<64x512xf32, #tpu.memory_space<vmem>>[vector<16xi32>, vector<16xi32>], vector<16xf32>,
    %get3A_648 = arith.constant 5 : index
    %get3A_649 = tpu.vector_load %arg10[%get3A_648] {strides = array<i32>} : memref<528xi32, #tpu.memory_space<vmem>>, vector<16xi32>,
    %slice3A_650 = vector.extract_strided_slice %get3A_649 {offsets = [0], sizes = [1], strides = [1]} : vector<16xi32> to vector<1xi32>
    %squeeze3A_651 = vector.extract %slice3A_650[0] : i32 from vector<1xi32>
    %shift_right_logical3A_652 = arith.constant 7 : i32
    %shift_right_logical3A_653 = arith.shrui %squeeze3A_651, %shift_right_logical3A_652 : i32
    %mul3A_654 = arith.constant 128 : i32
    %mul3A_655 = arith.muli %shift_right_logical3A_653, %mul3A_654 : i32
    %multiple_of3A_656 = tpu.assume_multiple %mul3A_655, 128 : i32
    %dma_start3A_657 = arith.constant 0 : i32
    %dma_start3A_658 = tpu.memref_slice %arg7[%dma_start3A_657, %multiple_of3A_656] : memref<16x1000000xf32, #tpu.memory_space<hbm>> -> memref<16x128xf32, #tpu.memory_space<hbm>>
    %dma_start3A_659 = arith.constant 0 : i32
    %dma_start3A_660 = tpu.memref_slice %arg7[%dma_start3A_659, %multiple_of3A_656] : memref<16x1000000xf32, #tpu.memory_space<hbm>> -> memref<16x128xf32, #tpu.memory_space<hbm>>
    tpu.enqueue_dma source(%dma_start3A_660 : memref<16x128xf32, #tpu.memory_space<hbm>>) target(%arg17 : memref<16x128xf32, #tpu.memory_space<vmem>>) target_semaphore(%arg23 : memref<!tpu.dma_semaphore, #tpu.memory_space<semaphore_mem>>)
    %scan3A_661 = arith.constant 0 : i32
    %scan3A_662 = arith.constant 84 : i32
    %scan3A_663 = arith.addi %scan3A_661, %scan3A_662 : i32
    %scan3A_664 = arith.constant 1 : i32
    scf.for %scan3A_780 = %scan3A_661 to %scan3A_663 step %scan3A_664  : i32 {
      %mul3A_781 = arith.constant 6 : i32
      %mul3A_782 = arith.muli %scan3A_780, %mul3A_781 : i32
      %add3A_783 = arith.constant 0 : i32
      %add3A_784 = arith.addi %mul3A_782, %add3A_783 : i32
      %dma_wait3A_785 = arith.constant 0 : i32
      %dma_wait3A_786 = arith.constant 0 : i32
      %dma_wait3A_787 = tpu.memref_slice %arg4[%dma_wait3A_785, %dma_wait3A_786] : memref<16x1000000xf32, #tpu.memory_space<hbm>> -> memref<16x128xf32, #tpu.memory_space<hbm>>
      %dma_wait3A_788 = arith.constant 0 : i32
      %dma_wait3A_789 = arith.constant 0 : i32
      %dma_wait3A_790 = tpu.memref_slice %arg4[%dma_wait3A_788, %dma_wait3A_789] : memref<16x1000000xf32, #tpu.memory_space<hbm>> -> memref<16x128xf32, #tpu.memory_space<hbm>>
      tpu.wait_dma2 semaphore(%arg18 : memref<!tpu.dma_semaphore, #tpu.memory_space<semaphore_mem>>) src(%dma_wait3A_790 : memref<16x128xf32, #tpu.memory_space<hbm>>) dst(%arg12 : memref<16x128xf32, #tpu.memory_space<vmem>>)
      %get3A_791 = arith.index_cast %add3A_784 : i32 to index
      %get3A_792 = tpu.vector_load %arg10[%get3A_791] {strides = array<i32>} : memref<528xi32, #tpu.memory_space<vmem>>, vector<16xi32>,
      %slice3A_793 = vector.extract_strided_slice %get3A_792 {offsets = [0], sizes = [1], strides = [1]} : vector<16xi32> to vector<1xi32>
      %squeeze3A_794 = vector.extract %slice3A_793[0] : i32 from vector<1xi32>
      %and3A_795 = arith.constant 127 : i32
      %and3A_796 = arith.andi %squeeze3A_794, %and3A_795 : i32
      %broadcast_in_dim3A_797 = vector.broadcast %and3A_796 : i32 to vector<16xi32>
      %gather3A_798 = tpu.vector_load_idx %arg12[%iota3A, %broadcast_in_dim3A_797] : memref<16x128xf32, #tpu.memory_space<vmem>>[vector<16xi32>, vector<16xi32>], vector<16xf32>,
      %add3A_799 = arith.constant 48 : i32
      %add3A_800 = vector.broadcast %add3A_799 : i32 to vector<16xi32>
      %add3A_801 = arith.addi %iota3A, %add3A_800 : vector<16xi32>
      %broadcast_in_dim3A_802 = vector.broadcast %add3A_784 : i32 to vector<16xi32>
      tpu.vector_store_idx %arg11[%add3A_801, %broadcast_in_dim3A_802], %gather3A_798 : memref<64x512xf32, #tpu.memory_space<vmem>>[vector<16xi32>, vector<16xi32>], vector<16xf32>,
      %add3A_803 = arith.constant 6 : i32
      %add3A_804 = arith.addi %add3A_784, %add3A_803 : i32
      %get3A_805 = arith.index_cast %add3A_804 : i32 to index
      %get3A_806 = tpu.vector_load %arg10[%get3A_805] {strides = array<i32>} : memref<528xi32, #tpu.memory_space<vmem>>, vector<16xi32>,
      %slice3A_807 = vector.extract_strided_slice %get3A_806 {offsets = [0], sizes = [1], strides = [1]} : vector<16xi32> to vector<1xi32>
      %squeeze3A_808 = vector.extract %slice3A_807[0] : i32 from vector<1xi32>
      %shift_right_logical3A_809 = arith.constant 7 : i32
      %shift_right_logical3A_810 = arith.shrui %squeeze3A_808, %shift_right_logical3A_809 : i32
      %mul3A_811 = arith.constant 128 : i32
      %mul3A_812 = arith.muli %shift_right_logical3A_810, %mul3A_811 : i32
      %multiple_of3A_813 = tpu.assume_multiple %mul3A_812, 128 : i32
      %dma_start3A_814 = arith.constant 0 : i32
      %dma_start3A_815 = tpu.memref_slice %arg7[%dma_start3A_814, %multiple_of3A_813] : memref<16x1000000xf32, #tpu.memory_space<hbm>> -> memref<16x128xf32, #tpu.memory_space<hbm>>
      %dma_start3A_816 = arith.constant 0 : i32
      %dma_start3A_817 = tpu.memref_slice %arg7[%dma_start3A_816, %multiple_of3A_813] : memref<16x1000000xf32, #tpu.memory_space<hbm>> -> memref<16x128xf32, #tpu.memory_space<hbm>>
      tpu.enqueue_dma source(%dma_start3A_817 : memref<16x128xf32, #tpu.memory_space<hbm>>) target(%arg12 : memref<16x128xf32, #tpu.memory_space<vmem>>) target_semaphore(%arg18 : memref<!tpu.dma_semaphore, #tpu.memory_space<semaphore_mem>>)
      %mul3A_818 = arith.constant 6 : i32
      %mul3A_819 = arith.muli %scan3A_780, %mul3A_818 : i32
      %add3A_820 = arith.constant 1 : i32
      %add3A_821 = arith.addi %mul3A_819, %add3A_820 : i32
      %dma_wait3A_822 = arith.constant 0 : i32
      %dma_wait3A_823 = arith.constant 0 : i32
      %dma_wait3A_824 = tpu.memref_slice %arg4[%dma_wait3A_822, %dma_wait3A_823] : memref<16x1000000xf32, #tpu.memory_space<hbm>> -> memref<16x128xf32, #tpu.memory_space<hbm>>
      %dma_wait3A_825 = arith.constant 0 : i32
      %dma_wait3A_826 = arith.constant 0 : i32
      %dma_wait3A_827 = tpu.memref_slice %arg4[%dma_wait3A_825, %dma_wait3A_826] : memref<16x1000000xf32, #tpu.memory_space<hbm>> -> memref<16x128xf32, #tpu.memory_space<hbm>>
      tpu.wait_dma2 semaphore(%arg19 : memref<!tpu.dma_semaphore, #tpu.memory_space<semaphore_mem>>) src(%dma_wait3A_827 : memref<16x128xf32, #tpu.memory_space<hbm>>) dst(%arg13 : memref<16x128xf32, #tpu.memory_space<vmem>>)
      %get3A_828 = arith.index_cast %add3A_821 : i32 to index
      %get3A_829 = tpu.vector_load %arg10[%get3A_828] {strides = array<i32>} : memref<528xi32, #tpu.memory_space<vmem>>, vector<16xi32>,
      %slice3A_830 = vector.extract_strided_slice %get3A_829 {offsets = [0], sizes = [1], strides = [1]} : vector<16xi32> to vector<1xi32>
      %squeeze3A_831 = vector.extract %slice3A_830[0] : i32 from vector<1xi32>
      %and3A_832 = arith.constant 127 : i32
      %and3A_833 = arith.andi %squeeze3A_831, %and3A_832 : i32
      %broadcast_in_dim3A_834 = vector.broadcast %and3A_833 : i32 to vector<16xi32>
      %gather3A_835 = tpu.vector_load_idx %arg13[%iota3A, %broadcast_in_dim3A_834] : memref<16x128xf32, #tpu.memory_space<vmem>>[vector<16xi32>, vector<16xi32>], vector<16xf32>,
      %add3A_836 = arith.constant 48 : i32
      %add3A_837 = vector.broadcast %add3A_836 : i32 to vector<16xi32>
      %add3A_838 = arith.addi %iota3A, %add3A_837 : vector<16xi32>
      %broadcast_in_dim3A_839 = vector.broadcast %add3A_821 : i32 to vector<16xi32>
      tpu.vector_store_idx %arg11[%add3A_838, %broadcast_in_dim3A_839], %gather3A_835 : memref<64x512xf32, #tpu.memory_space<vmem>>[vector<16xi32>, vector<16xi32>], vector<16xf32>,
      %add3A_840 = arith.constant 6 : i32
      %add3A_841 = arith.addi %add3A_821, %add3A_840 : i32
      %get3A_842 = arith.index_cast %add3A_841 : i32 to index
      %get3A_843 = tpu.vector_load %arg10[%get3A_842] {strides = array<i32>} : memref<528xi32, #tpu.memory_space<vmem>>, vector<16xi32>,
      %slice3A_844 = vector.extract_strided_slice %get3A_843 {offsets = [0], sizes = [1], strides = [1]} : vector<16xi32> to vector<1xi32>
      %squeeze3A_845 = vector.extract %slice3A_844[0] : i32 from vector<1xi32>
      %shift_right_logical3A_846 = arith.constant 7 : i32
      %shift_right_logical3A_847 = arith.shrui %squeeze3A_845, %shift_right_logical3A_846 : i32
      %mul3A_848 = arith.constant 128 : i32
      %mul3A_849 = arith.muli %shift_right_logical3A_847, %mul3A_848 : i32
      %multiple_of3A_850 = tpu.assume_multiple %mul3A_849, 128 : i32
      %dma_start3A_851 = arith.constant 0 : i32
      %dma_start3A_852 = tpu.memref_slice %arg7[%dma_start3A_851, %multiple_of3A_850] : memref<16x1000000xf32, #tpu.memory_space<hbm>> -> memref<16x128xf32, #tpu.memory_space<hbm>>
      %dma_start3A_853 = arith.constant 0 : i32
      %dma_start3A_854 = tpu.memref_slice %arg7[%dma_start3A_853, %multiple_of3A_850] : memref<16x1000000xf32, #tpu.memory_space<hbm>> -> memref<16x128xf32, #tpu.memory_space<hbm>>
      tpu.enqueue_dma source(%dma_start3A_854 : memref<16x128xf32, #tpu.memory_space<hbm>>) target(%arg13 : memref<16x128xf32, #tpu.memory_space<vmem>>) target_semaphore(%arg19 : memref<!tpu.dma_semaphore, #tpu.memory_space<semaphore_mem>>)
      %mul3A_855 = arith.constant 6 : i32
      %mul3A_856 = arith.muli %scan3A_780, %mul3A_855 : i32
      %add3A_857 = arith.constant 2 : i32
      %add3A_858 = arith.addi %mul3A_856, %add3A_857 : i32
      %dma_wait3A_859 = arith.constant 0 : i32
      %dma_wait3A_860 = arith.constant 0 : i32
      %dma_wait3A_861 = tpu.memref_slice %arg4[%dma_wait3A_859, %dma_wait3A_860] : memref<16x1000000xf32, #tpu.memory_space<hbm>> -> memref<16x128xf32, #tpu.memory_space<hbm>>
      %dma_wait3A_862 = arith.constant 0 : i32
      %dma_wait3A_863 = arith.constant 0 : i32
      %dma_wait3A_864 = tpu.memref_slice %arg4[%dma_wait3A_862, %dma_wait3A_863] : memref<16x1000000xf32, #tpu.memory_space<hbm>> -> memref<16x128xf32, #tpu.memory_space<hbm>>
      tpu.wait_dma2 semaphore(%arg20 : memref<!tpu.dma_semaphore, #tpu.memory_space<semaphore_mem>>) src(%dma_wait3A_864 : memref<16x128xf32, #tpu.memory_space<hbm>>) dst(%arg14 : memref<16x128xf32, #tpu.memory_space<vmem>>)
      %get3A_865 = arith.index_cast %add3A_858 : i32 to index
      %get3A_866 = tpu.vector_load %arg10[%get3A_865] {strides = array<i32>} : memref<528xi32, #tpu.memory_space<vmem>>, vector<16xi32>,
      %slice3A_867 = vector.extract_strided_slice %get3A_866 {offsets = [0], sizes = [1], strides = [1]} : vector<16xi32> to vector<1xi32>
      %squeeze3A_868 = vector.extract %slice3A_867[0] : i32 from vector<1xi32>
      %and3A_869 = arith.constant 127 : i32
      %and3A_870 = arith.andi %squeeze3A_868, %and3A_869 : i32
      %broadcast_in_dim3A_871 = vector.broadcast %and3A_870 : i32 to vector<16xi32>
      %gather3A_872 = tpu.vector_load_idx %arg14[%iota3A, %broadcast_in_dim3A_871] : memref<16x128xf32, #tpu.memory_space<vmem>>[vector<16xi32>, vector<16xi32>], vector<16xf32>,
      %add3A_873 = arith.constant 48 : i32
      %add3A_874 = vector.broadcast %add3A_873 : i32 to vector<16xi32>
      %add3A_875 = arith.addi %iota3A, %add3A_874 : vector<16xi32>
      %broadcast_in_dim3A_876 = vector.broadcast %add3A_858 : i32 to vector<16xi32>
      tpu.vector_store_idx %arg11[%add3A_875, %broadcast_in_dim3A_876], %gather3A_872 : memref<64x512xf32, #tpu.memory_space<vmem>>[vector<16xi32>, vector<16xi32>], vector<16xf32>,
      %add3A_877 = arith.constant 6 : i32
      %add3A_878 = arith.addi %add3A_858, %add3A_877 : i32
      %get3A_879 = arith.index_cast %add3A_878 : i32 to index
      %get3A_880 = tpu.vector_load %arg10[%get3A_879] {strides = array<i32>} : memref<528xi32, #tpu.memory_space<vmem>>, vector<16xi32>,
      %slice3A_881 = vector.extract_strided_slice %get3A_880 {offsets = [0], sizes = [1], strides = [1]} : vector<16xi32> to vector<1xi32>
      %squeeze3A_882 = vector.extract %slice3A_881[0] : i32 from vector<1xi32>
      %shift_right_logical3A_883 = arith.constant 7 : i32
      %shift_right_logical3A_884 = arith.shrui %squeeze3A_882, %shift_right_logical3A_883 : i32
      %mul3A_885 = arith.constant 128 : i32
      %mul3A_886 = arith.muli %shift_right_logical3A_884, %mul3A_885 : i32
      %multiple_of3A_887 = tpu.assume_multiple %mul3A_886, 128 : i32
      %dma_start3A_888 = arith.constant 0 : i32
      %dma_start3A_889 = tpu.memref_slice %arg7[%dma_start3A_888, %multiple_of3A_887] : memref<16x1000000xf32, #tpu.memory_space<hbm>> -> memref<16x128xf32, #tpu.memory_space<hbm>>
      %dma_start3A_890 = arith.constant 0 : i32
      %dma_start3A_891 = tpu.memref_slice %arg7[%dma_start3A_890, %multiple_of3A_887] : memref<16x1000000xf32, #tpu.memory_space<hbm>> -> memref<16x128xf32, #tpu.memory_space<hbm>>
      tpu.enqueue_dma source(%dma_start3A_891 : memref<16x128xf32, #tpu.memory_space<hbm>>) target(%arg14 : memref<16x128xf32, #tpu.memory_space<vmem>>) target_semaphore(%arg20 : memref<!tpu.dma_semaphore, #tpu.memory_space<semaphore_mem>>)
      %mul3A_892 = arith.constant 6 : i32
      %mul3A_893 = arith.muli %scan3A_780, %mul3A_892 : i32
      %add3A_894 = arith.constant 3 : i32
      %add3A_895 = arith.addi %mul3A_893, %add3A_894 : i32
      %dma_wait3A_896 = arith.constant 0 : i32
      %dma_wait3A_897 = arith.constant 0 : i32
      %dma_wait3A_898 = tpu.memref_slice %arg4[%dma_wait3A_896, %dma_wait3A_897] : memref<16x1000000xf32, #tpu.memory_space<hbm>> -> memref<16x128xf32, #tpu.memory_space<hbm>>
      %dma_wait3A_899 = arith.constant 0 : i32
      %dma_wait3A_900 = arith.constant 0 : i32
      %dma_wait3A_901 = tpu.memref_slice %arg4[%dma_wait3A_899, %dma_wait3A_900] : memref<16x1000000xf32, #tpu.memory_space<hbm>> -> memref<16x128xf32, #tpu.memory_space<hbm>>
      tpu.wait_dma2 semaphore(%arg21 : memref<!tpu.dma_semaphore, #tpu.memory_space<semaphore_mem>>) src(%dma_wait3A_901 : memref<16x128xf32, #tpu.memory_space<hbm>>) dst(%arg15 : memref<16x128xf32, #tpu.memory_space<vmem>>)
      %get3A_902 = arith.index_cast %add3A_895 : i32 to index
      %get3A_903 = tpu.vector_load %arg10[%get3A_902] {strides = array<i32>} : memref<528xi32, #tpu.memory_space<vmem>>, vector<16xi32>,
      %slice3A_904 = vector.extract_strided_slice %get3A_903 {offsets = [0], sizes = [1], strides = [1]} : vector<16xi32> to vector<1xi32>
      %squeeze3A_905 = vector.extract %slice3A_904[0] : i32 from vector<1xi32>
      %and3A_906 = arith.constant 127 : i32
      %and3A_907 = arith.andi %squeeze3A_905, %and3A_906 : i32
      %broadcast_in_dim3A_908 = vector.broadcast %and3A_907 : i32 to vector<16xi32>
      %gather3A_909 = tpu.vector_load_idx %arg15[%iota3A, %broadcast_in_dim3A_908] : memref<16x128xf32, #tpu.memory_space<vmem>>[vector<16xi32>, vector<16xi32>], vector<16xf32>,
      %add3A_910 = arith.constant 48 : i32
      %add3A_911 = vector.broadcast %add3A_910 : i32 to vector<16xi32>
      %add3A_912 = arith.addi %iota3A, %add3A_911 : vector<16xi32>
      %broadcast_in_dim3A_913 = vector.broadcast %add3A_895 : i32 to vector<16xi32>
      tpu.vector_store_idx %arg11[%add3A_912, %broadcast_in_dim3A_913], %gather3A_909 : memref<64x512xf32, #tpu.memory_space<vmem>>[vector<16xi32>, vector<16xi32>], vector<16xf32>,
      %add3A_914 = arith.constant 6 : i32
      %add3A_915 = arith.addi %add3A_895, %add3A_914 : i32
      %get3A_916 = arith.index_cast %add3A_915 : i32 to index
      %get3A_917 = tpu.vector_load %arg10[%get3A_916] {strides = array<i32>} : memref<528xi32, #tpu.memory_space<vmem>>, vector<16xi32>,
      %slice3A_918 = vector.extract_strided_slice %get3A_917 {offsets = [0], sizes = [1], strides = [1]} : vector<16xi32> to vector<1xi32>
      %squeeze3A_919 = vector.extract %slice3A_918[0] : i32 from vector<1xi32>
      %shift_right_logical3A_920 = arith.constant 7 : i32
      %shift_right_logical3A_921 = arith.shrui %squeeze3A_919, %shift_right_logical3A_920 : i32
      %mul3A_922 = arith.constant 128 : i32
      %mul3A_923 = arith.muli %shift_right_logical3A_921, %mul3A_922 : i32
      %multiple_of3A_924 = tpu.assume_multiple %mul3A_923, 128 : i32
      %dma_start3A_925 = arith.constant 0 : i32
      %dma_start3A_926 = tpu.memref_slice %arg7[%dma_start3A_925, %multiple_of3A_924] : memref<16x1000000xf32, #tpu.memory_space<hbm>> -> memref<16x128xf32, #tpu.memory_space<hbm>>
      %dma_start3A_927 = arith.constant 0 : i32
      %dma_start3A_928 = tpu.memref_slice %arg7[%dma_start3A_927, %multiple_of3A_924] : memref<16x1000000xf32, #tpu.memory_space<hbm>> -> memref<16x128xf32, #tpu.memory_space<hbm>>
      tpu.enqueue_dma source(%dma_start3A_928 : memref<16x128xf32, #tpu.memory_space<hbm>>) target(%arg15 : memref<16x128xf32, #tpu.memory_space<vmem>>) target_semaphore(%arg21 : memref<!tpu.dma_semaphore, #tpu.memory_space<semaphore_mem>>)
      %mul3A_929 = arith.constant 6 : i32
      %mul3A_930 = arith.muli %scan3A_780, %mul3A_929 : i32
      %add3A_931 = arith.constant 4 : i32
      %add3A_932 = arith.addi %mul3A_930, %add3A_931 : i32
      %dma_wait3A_933 = arith.constant 0 : i32
      %dma_wait3A_934 = arith.constant 0 : i32
      %dma_wait3A_935 = tpu.memref_slice %arg4[%dma_wait3A_933, %dma_wait3A_934] : memref<16x1000000xf32, #tpu.memory_space<hbm>> -> memref<16x128xf32, #tpu.memory_space<hbm>>
      %dma_wait3A_936 = arith.constant 0 : i32
      %dma_wait3A_937 = arith.constant 0 : i32
      %dma_wait3A_938 = tpu.memref_slice %arg4[%dma_wait3A_936, %dma_wait3A_937] : memref<16x1000000xf32, #tpu.memory_space<hbm>> -> memref<16x128xf32, #tpu.memory_space<hbm>>
      tpu.wait_dma2 semaphore(%arg22 : memref<!tpu.dma_semaphore, #tpu.memory_space<semaphore_mem>>) src(%dma_wait3A_938 : memref<16x128xf32, #tpu.memory_space<hbm>>) dst(%arg16 : memref<16x128xf32, #tpu.memory_space<vmem>>)
      %get3A_939 = arith.index_cast %add3A_932 : i32 to index
      %get3A_940 = tpu.vector_load %arg10[%get3A_939] {strides = array<i32>} : memref<528xi32, #tpu.memory_space<vmem>>, vector<16xi32>,
      %slice3A_941 = vector.extract_strided_slice %get3A_940 {offsets = [0], sizes = [1], strides = [1]} : vector<16xi32> to vector<1xi32>
      %squeeze3A_942 = vector.extract %slice3A_941[0] : i32 from vector<1xi32>
      %and3A_943 = arith.constant 127 : i32
      %and3A_944 = arith.andi %squeeze3A_942, %and3A_943 : i32
      %broadcast_in_dim3A_945 = vector.broadcast %and3A_944 : i32 to vector<16xi32>
      %gather3A_946 = tpu.vector_load_idx %arg16[%iota3A, %broadcast_in_dim3A_945] : memref<16x128xf32, #tpu.memory_space<vmem>>[vector<16xi32>, vector<16xi32>], vector<16xf32>,
      %add3A_947 = arith.constant 48 : i32
      %add3A_948 = vector.broadcast %add3A_947 : i32 to vector<16xi32>
      %add3A_949 = arith.addi %iota3A, %add3A_948 : vector<16xi32>
      %broadcast_in_dim3A_950 = vector.broadcast %add3A_932 : i32 to vector<16xi32>
      tpu.vector_store_idx %arg11[%add3A_949, %broadcast_in_dim3A_950], %gather3A_946 : memref<64x512xf32, #tpu.memory_space<vmem>>[vector<16xi32>, vector<16xi32>], vector<16xf32>,
      %add3A_951 = arith.constant 6 : i32
      %add3A_952 = arith.addi %add3A_932, %add3A_951 : i32
      %get3A_953 = arith.index_cast %add3A_952 : i32 to index
      %get3A_954 = tpu.vector_load %arg10[%get3A_953] {strides = array<i32>} : memref<528xi32, #tpu.memory_space<vmem>>, vector<16xi32>,
      %slice3A_955 = vector.extract_strided_slice %get3A_954 {offsets = [0], sizes = [1], strides = [1]} : vector<16xi32> to vector<1xi32>
      %squeeze3A_956 = vector.extract %slice3A_955[0] : i32 from vector<1xi32>
      %shift_right_logical3A_957 = arith.constant 7 : i32
      %shift_right_logical3A_958 = arith.shrui %squeeze3A_956, %shift_right_logical3A_957 : i32
      %mul3A_959 = arith.constant 128 : i32
      %mul3A_960 = arith.muli %shift_right_logical3A_958, %mul3A_959 : i32
      %multiple_of3A_961 = tpu.assume_multiple %mul3A_960, 128 : i32
      %dma_start3A_962 = arith.constant 0 : i32
      %dma_start3A_963 = tpu.memref_slice %arg7[%dma_start3A_962, %multiple_of3A_961] : memref<16x1000000xf32, #tpu.memory_space<hbm>> -> memref<16x128xf32, #tpu.memory_space<hbm>>
      %dma_start3A_964 = arith.constant 0 : i32
      %dma_start3A_965 = tpu.memref_slice %arg7[%dma_start3A_964, %multiple_of3A_961] : memref<16x1000000xf32, #tpu.memory_space<hbm>> -> memref<16x128xf32, #tpu.memory_space<hbm>>
      tpu.enqueue_dma source(%dma_start3A_965 : memref<16x128xf32, #tpu.memory_space<hbm>>) target(%arg16 : memref<16x128xf32, #tpu.memory_space<vmem>>) target_semaphore(%arg22 : memref<!tpu.dma_semaphore, #tpu.memory_space<semaphore_mem>>)
      %mul3A_966 = arith.constant 6 : i32
      %mul3A_967 = arith.muli %scan3A_780, %mul3A_966 : i32
      %add3A_968 = arith.constant 5 : i32
      %add3A_969 = arith.addi %mul3A_967, %add3A_968 : i32
      %dma_wait3A_970 = arith.constant 0 : i32
      %dma_wait3A_971 = arith.constant 0 : i32
      %dma_wait3A_972 = tpu.memref_slice %arg4[%dma_wait3A_970, %dma_wait3A_971] : memref<16x1000000xf32, #tpu.memory_space<hbm>> -> memref<16x128xf32, #tpu.memory_space<hbm>>
      %dma_wait3A_973 = arith.constant 0 : i32
      %dma_wait3A_974 = arith.constant 0 : i32
      %dma_wait3A_975 = tpu.memref_slice %arg4[%dma_wait3A_973, %dma_wait3A_974] : memref<16x1000000xf32, #tpu.memory_space<hbm>> -> memref<16x128xf32, #tpu.memory_space<hbm>>
      tpu.wait_dma2 semaphore(%arg23 : memref<!tpu.dma_semaphore, #tpu.memory_space<semaphore_mem>>) src(%dma_wait3A_975 : memref<16x128xf32, #tpu.memory_space<hbm>>) dst(%arg17 : memref<16x128xf32, #tpu.memory_space<vmem>>)
      %get3A_976 = arith.index_cast %add3A_969 : i32 to index
      %get3A_977 = tpu.vector_load %arg10[%get3A_976] {strides = array<i32>} : memref<528xi32, #tpu.memory_space<vmem>>, vector<16xi32>,
      %slice3A_978 = vector.extract_strided_slice %get3A_977 {offsets = [0], sizes = [1], strides = [1]} : vector<16xi32> to vector<1xi32>
      %squeeze3A_979 = vector.extract %slice3A_978[0] : i32 from vector<1xi32>
      %and3A_980 = arith.constant 127 : i32
      %and3A_981 = arith.andi %squeeze3A_979, %and3A_980 : i32
      %broadcast_in_dim3A_982 = vector.broadcast %and3A_981 : i32 to vector<16xi32>
      %gather3A_983 = tpu.vector_load_idx %arg17[%iota3A, %broadcast_in_dim3A_982] : memref<16x128xf32, #tpu.memory_space<vmem>>[vector<16xi32>, vector<16xi32>], vector<16xf32>,
      %add3A_984 = arith.constant 48 : i32
      %add3A_985 = vector.broadcast %add3A_984 : i32 to vector<16xi32>
      %add3A_986 = arith.addi %iota3A, %add3A_985 : vector<16xi32>
      %broadcast_in_dim3A_987 = vector.broadcast %add3A_969 : i32 to vector<16xi32>
      tpu.vector_store_idx %arg11[%add3A_986, %broadcast_in_dim3A_987], %gather3A_983 : memref<64x512xf32, #tpu.memory_space<vmem>>[vector<16xi32>, vector<16xi32>], vector<16xf32>,
      %add3A_988 = arith.constant 6 : i32
      %add3A_989 = arith.addi %add3A_969, %add3A_988 : i32
      %get3A_990 = arith.index_cast %add3A_989 : i32 to index
      %get3A_991 = tpu.vector_load %arg10[%get3A_990] {strides = array<i32>} : memref<528xi32, #tpu.memory_space<vmem>>, vector<16xi32>,
      %slice3A_992 = vector.extract_strided_slice %get3A_991 {offsets = [0], sizes = [1], strides = [1]} : vector<16xi32> to vector<1xi32>
      %squeeze3A_993 = vector.extract %slice3A_992[0] : i32 from vector<1xi32>
      %shift_right_logical3A_994 = arith.constant 7 : i32
      %shift_right_logical3A_995 = arith.shrui %squeeze3A_993, %shift_right_logical3A_994 : i32
      %mul3A_996 = arith.constant 128 : i32
      %mul3A_997 = arith.muli %shift_right_logical3A_995, %mul3A_996 : i32
      %multiple_of3A_998 = tpu.assume_multiple %mul3A_997, 128 : i32
      %dma_start3A_999 = arith.constant 0 : i32
      %dma_start3A_1000 = tpu.memref_slice %arg7[%dma_start3A_999, %multiple_of3A_998] : memref<16x1000000xf32, #tpu.memory_space<hbm>> -> memref<16x128xf32, #tpu.memory_space<hbm>>
      %dma_start3A_1001 = arith.constant 0 : i32
      %dma_start3A_1002 = tpu.memref_slice %arg7[%dma_start3A_1001, %multiple_of3A_998] : memref<16x1000000xf32, #tpu.memory_space<hbm>> -> memref<16x128xf32, #tpu.memory_space<hbm>>
      tpu.enqueue_dma source(%dma_start3A_1002 : memref<16x128xf32, #tpu.memory_space<hbm>>) target(%arg17 : memref<16x128xf32, #tpu.memory_space<vmem>>) target_semaphore(%arg23 : memref<!tpu.dma_semaphore, #tpu.memory_space<semaphore_mem>>)
    }
    %scan3A_665 = arith.constant 84 : i32
    %dma_wait3A_666 = arith.constant 0 : i32
    %dma_wait3A_667 = arith.constant 0 : i32
    %dma_wait3A_668 = tpu.memref_slice %arg4[%dma_wait3A_666, %dma_wait3A_667] : memref<16x1000000xf32, #tpu.memory_space<hbm>> -> memref<16x128xf32, #tpu.memory_space<hbm>>
    %dma_wait3A_669 = arith.constant 0 : i32
    %dma_wait3A_670 = arith.constant 0 : i32
    %dma_wait3A_671 = tpu.memref_slice %arg4[%dma_wait3A_669, %dma_wait3A_670] : memref<16x1000000xf32, #tpu.memory_space<hbm>> -> memref<16x128xf32, #tpu.memory_space<hbm>>
    tpu.wait_dma2 semaphore(%arg18 : memref<!tpu.dma_semaphore, #tpu.memory_space<semaphore_mem>>) src(%dma_wait3A_671 : memref<16x128xf32, #tpu.memory_space<hbm>>) dst(%arg12 : memref<16x128xf32, #tpu.memory_space<vmem>>)
    %get3A_672 = arith.constant 506 : index
    %get3A_673 = tpu.vector_load %arg10[%get3A_672] {strides = array<i32>} : memref<528xi32, #tpu.memory_space<vmem>>, vector<16xi32>,
    %slice3A_674 = vector.extract_strided_slice %get3A_673 {offsets = [0], sizes = [1], strides = [1]} : vector<16xi32> to vector<1xi32>
    %squeeze3A_675 = vector.extract %slice3A_674[0] : i32 from vector<1xi32>
    %and3A_676 = arith.constant 127 : i32
    %and3A_677 = arith.andi %squeeze3A_675, %and3A_676 : i32
    %broadcast_in_dim3A_678 = vector.broadcast %and3A_677 : i32 to vector<16xi32>
    %gather3A_679 = tpu.vector_load_idx %arg12[%iota3A, %broadcast_in_dim3A_678] : memref<16x128xf32, #tpu.memory_space<vmem>>[vector<16xi32>, vector<16xi32>], vector<16xf32>,
    %add3A_680 = arith.constant 48 : i32
    %add3A_681 = vector.broadcast %add3A_680 : i32 to vector<16xi32>
    %add3A_682 = arith.addi %iota3A, %add3A_681 : vector<16xi32>
    %broadcast_in_dim3A_683 = arith.constant 506 : i32
    %broadcast_in_dim3A_684 = vector.broadcast %broadcast_in_dim3A_683 : i32 to vector<16xi32>
    tpu.vector_store_idx %arg11[%add3A_682, %broadcast_in_dim3A_684], %gather3A_679 : memref<64x512xf32, #tpu.memory_space<vmem>>[vector<16xi32>, vector<16xi32>], vector<16xf32>,
    %dma_wait3A_685 = arith.constant 0 : i32
    %dma_wait3A_686 = arith.constant 0 : i32
    %dma_wait3A_687 = tpu.memref_slice %arg4[%dma_wait3A_685, %dma_wait3A_686] : memref<16x1000000xf32, #tpu.memory_space<hbm>> -> memref<16x128xf32, #tpu.memory_space<hbm>>
    %dma_wait3A_688 = arith.constant 0 : i32
    %dma_wait3A_689 = arith.constant 0 : i32
    %dma_wait3A_690 = tpu.memref_slice %arg4[%dma_wait3A_688, %dma_wait3A_689] : memref<16x1000000xf32, #tpu.memory_space<hbm>> -> memref<16x128xf32, #tpu.memory_space<hbm>>
    tpu.wait_dma2 semaphore(%arg19 : memref<!tpu.dma_semaphore, #tpu.memory_space<semaphore_mem>>) src(%dma_wait3A_690 : memref<16x128xf32, #tpu.memory_space<hbm>>) dst(%arg13 : memref<16x128xf32, #tpu.memory_space<vmem>>)
    %get3A_691 = arith.constant 507 : index
    %get3A_692 = tpu.vector_load %arg10[%get3A_691] {strides = array<i32>} : memref<528xi32, #tpu.memory_space<vmem>>, vector<16xi32>,
    %slice3A_693 = vector.extract_strided_slice %get3A_692 {offsets = [0], sizes = [1], strides = [1]} : vector<16xi32> to vector<1xi32>
    %squeeze3A_694 = vector.extract %slice3A_693[0] : i32 from vector<1xi32>
    %and3A_695 = arith.constant 127 : i32
    %and3A_696 = arith.andi %squeeze3A_694, %and3A_695 : i32
    %broadcast_in_dim3A_697 = vector.broadcast %and3A_696 : i32 to vector<16xi32>
    %gather3A_698 = tpu.vector_load_idx %arg13[%iota3A, %broadcast_in_dim3A_697] : memref<16x128xf32, #tpu.memory_space<vmem>>[vector<16xi32>, vector<16xi32>], vector<16xf32>,
    %add3A_699 = arith.constant 48 : i32
    %add3A_700 = vector.broadcast %add3A_699 : i32 to vector<16xi32>
    %add3A_701 = arith.addi %iota3A, %add3A_700 : vector<16xi32>
    %broadcast_in_dim3A_702 = arith.constant 507 : i32
    %broadcast_in_dim3A_703 = vector.broadcast %broadcast_in_dim3A_702 : i32 to vector<16xi32>
    tpu.vector_store_idx %arg11[%add3A_701, %broadcast_in_dim3A_703], %gather3A_698 : memref<64x512xf32, #tpu.memory_space<vmem>>[vector<16xi32>, vector<16xi32>], vector<16xf32>,
    %dma_wait3A_704 = arith.constant 0 : i32
    %dma_wait3A_705 = arith.constant 0 : i32
    %dma_wait3A_706 = tpu.memref_slice %arg4[%dma_wait3A_704, %dma_wait3A_705] : memref<16x1000000xf32, #tpu.memory_space<hbm>> -> memref<16x128xf32, #tpu.memory_space<hbm>>
    %dma_wait3A_707 = arith.constant 0 : i32
    %dma_wait3A_708 = arith.constant 0 : i32
    %dma_wait3A_709 = tpu.memref_slice %arg4[%dma_wait3A_707, %dma_wait3A_708] : memref<16x1000000xf32, #tpu.memory_space<hbm>> -> memref<16x128xf32, #tpu.memory_space<hbm>>
    tpu.wait_dma2 semaphore(%arg20 : memref<!tpu.dma_semaphore, #tpu.memory_space<semaphore_mem>>) src(%dma_wait3A_709 : memref<16x128xf32, #tpu.memory_space<hbm>>) dst(%arg14 : memref<16x128xf32, #tpu.memory_space<vmem>>)
    %get3A_710 = arith.constant 508 : index
    %get3A_711 = tpu.vector_load %arg10[%get3A_710] {strides = array<i32>} : memref<528xi32, #tpu.memory_space<vmem>>, vector<16xi32>,
    %slice3A_712 = vector.extract_strided_slice %get3A_711 {offsets = [0], sizes = [1], strides = [1]} : vector<16xi32> to vector<1xi32>
    %squeeze3A_713 = vector.extract %slice3A_712[0] : i32 from vector<1xi32>
    %and3A_714 = arith.constant 127 : i32
    %and3A_715 = arith.andi %squeeze3A_713, %and3A_714 : i32
    %broadcast_in_dim3A_716 = vector.broadcast %and3A_715 : i32 to vector<16xi32>
    %gather3A_717 = tpu.vector_load_idx %arg14[%iota3A, %broadcast_in_dim3A_716] : memref<16x128xf32, #tpu.memory_space<vmem>>[vector<16xi32>, vector<16xi32>], vector<16xf32>,
    %add3A_718 = arith.constant 48 : i32
    %add3A_719 = vector.broadcast %add3A_718 : i32 to vector<16xi32>
    %add3A_720 = arith.addi %iota3A, %add3A_719 : vector<16xi32>
    %broadcast_in_dim3A_721 = arith.constant 508 : i32
    %broadcast_in_dim3A_722 = vector.broadcast %broadcast_in_dim3A_721 : i32 to vector<16xi32>
    tpu.vector_store_idx %arg11[%add3A_720, %broadcast_in_dim3A_722], %gather3A_717 : memref<64x512xf32, #tpu.memory_space<vmem>>[vector<16xi32>, vector<16xi32>], vector<16xf32>,
    %dma_wait3A_723 = arith.constant 0 : i32
    %dma_wait3A_724 = arith.constant 0 : i32
    %dma_wait3A_725 = tpu.memref_slice %arg4[%dma_wait3A_723, %dma_wait3A_724] : memref<16x1000000xf32, #tpu.memory_space<hbm>> -> memref<16x128xf32, #tpu.memory_space<hbm>>
    %dma_wait3A_726 = arith.constant 0 : i32
    %dma_wait3A_727 = arith.constant 0 : i32
    %dma_wait3A_728 = tpu.memref_slice %arg4[%dma_wait3A_726, %dma_wait3A_727] : memref<16x1000000xf32, #tpu.memory_space<hbm>> -> memref<16x128xf32, #tpu.memory_space<hbm>>
    tpu.wait_dma2 semaphore(%arg21 : memref<!tpu.dma_semaphore, #tpu.memory_space<semaphore_mem>>) src(%dma_wait3A_728 : memref<16x128xf32, #tpu.memory_space<hbm>>) dst(%arg15 : memref<16x128xf32, #tpu.memory_space<vmem>>)
    %get3A_729 = arith.constant 509 : index
    %get3A_730 = tpu.vector_load %arg10[%get3A_729] {strides = array<i32>} : memref<528xi32, #tpu.memory_space<vmem>>, vector<16xi32>,
    %slice3A_731 = vector.extract_strided_slice %get3A_730 {offsets = [0], sizes = [1], strides = [1]} : vector<16xi32> to vector<1xi32>
    %squeeze3A_732 = vector.extract %slice3A_731[0] : i32 from vector<1xi32>
    %and3A_733 = arith.constant 127 : i32
    %and3A_734 = arith.andi %squeeze3A_732, %and3A_733 : i32
    %broadcast_in_dim3A_735 = vector.broadcast %and3A_734 : i32 to vector<16xi32>
    %gather3A_736 = tpu.vector_load_idx %arg15[%iota3A, %broadcast_in_dim3A_735] : memref<16x128xf32, #tpu.memory_space<vmem>>[vector<16xi32>, vector<16xi32>], vector<16xf32>,
    %add3A_737 = arith.constant 48 : i32
    %add3A_738 = vector.broadcast %add3A_737 : i32 to vector<16xi32>
    %add3A_739 = arith.addi %iota3A, %add3A_738 : vector<16xi32>
    %broadcast_in_dim3A_740 = arith.constant 509 : i32
    %broadcast_in_dim3A_741 = vector.broadcast %broadcast_in_dim3A_740 : i32 to vector<16xi32>
    tpu.vector_store_idx %arg11[%add3A_739, %broadcast_in_dim3A_741], %gather3A_736 : memref<64x512xf32, #tpu.memory_space<vmem>>[vector<16xi32>, vector<16xi32>], vector<16xf32>,
    %dma_wait3A_742 = arith.constant 0 : i32
    %dma_wait3A_743 = arith.constant 0 : i32
    %dma_wait3A_744 = tpu.memref_slice %arg4[%dma_wait3A_742, %dma_wait3A_743] : memref<16x1000000xf32, #tpu.memory_space<hbm>> -> memref<16x128xf32, #tpu.memory_space<hbm>>
    %dma_wait3A_745 = arith.constant 0 : i32
    %dma_wait3A_746 = arith.constant 0 : i32
    %dma_wait3A_747 = tpu.memref_slice %arg4[%dma_wait3A_745, %dma_wait3A_746] : memref<16x1000000xf32, #tpu.memory_space<hbm>> -> memref<16x128xf32, #tpu.memory_space<hbm>>
    tpu.wait_dma2 semaphore(%arg22 : memref<!tpu.dma_semaphore, #tpu.memory_space<semaphore_mem>>) src(%dma_wait3A_747 : memref<16x128xf32, #tpu.memory_space<hbm>>) dst(%arg16 : memref<16x128xf32, #tpu.memory_space<vmem>>)
    %get3A_748 = arith.constant 510 : index
    %get3A_749 = tpu.vector_load %arg10[%get3A_748] {strides = array<i32>} : memref<528xi32, #tpu.memory_space<vmem>>, vector<16xi32>,
    %slice3A_750 = vector.extract_strided_slice %get3A_749 {offsets = [0], sizes = [1], strides = [1]} : vector<16xi32> to vector<1xi32>
    %squeeze3A_751 = vector.extract %slice3A_750[0] : i32 from vector<1xi32>
    %and3A_752 = arith.constant 127 : i32
    %and3A_753 = arith.andi %squeeze3A_751, %and3A_752 : i32
    %broadcast_in_dim3A_754 = vector.broadcast %and3A_753 : i32 to vector<16xi32>
    %gather3A_755 = tpu.vector_load_idx %arg16[%iota3A, %broadcast_in_dim3A_754] : memref<16x128xf32, #tpu.memory_space<vmem>>[vector<16xi32>, vector<16xi32>], vector<16xf32>,
    %add3A_756 = arith.constant 48 : i32
    %add3A_757 = vector.broadcast %add3A_756 : i32 to vector<16xi32>
    %add3A_758 = arith.addi %iota3A, %add3A_757 : vector<16xi32>
    %broadcast_in_dim3A_759 = arith.constant 510 : i32
    %broadcast_in_dim3A_760 = vector.broadcast %broadcast_in_dim3A_759 : i32 to vector<16xi32>
    tpu.vector_store_idx %arg11[%add3A_758, %broadcast_in_dim3A_760], %gather3A_755 : memref<64x512xf32, #tpu.memory_space<vmem>>[vector<16xi32>, vector<16xi32>], vector<16xf32>,
    %dma_wait3A_761 = arith.constant 0 : i32
    %dma_wait3A_762 = arith.constant 0 : i32
    %dma_wait3A_763 = tpu.memref_slice %arg4[%dma_wait3A_761, %dma_wait3A_762] : memref<16x1000000xf32, #tpu.memory_space<hbm>> -> memref<16x128xf32, #tpu.memory_space<hbm>>
    %dma_wait3A_764 = arith.constant 0 : i32
    %dma_wait3A_765 = arith.constant 0 : i32
    %dma_wait3A_766 = tpu.memref_slice %arg4[%dma_wait3A_764, %dma_wait3A_765] : memref<16x1000000xf32, #tpu.memory_space<hbm>> -> memref<16x128xf32, #tpu.memory_space<hbm>>
    tpu.wait_dma2 semaphore(%arg23 : memref<!tpu.dma_semaphore, #tpu.memory_space<semaphore_mem>>) src(%dma_wait3A_766 : memref<16x128xf32, #tpu.memory_space<hbm>>) dst(%arg17 : memref<16x128xf32, #tpu.memory_space<vmem>>)
    %get3A_767 = arith.constant 511 : index
    %get3A_768 = tpu.vector_load %arg10[%get3A_767] {strides = array<i32>} : memref<528xi32, #tpu.memory_space<vmem>>, vector<16xi32>,
    %slice3A_769 = vector.extract_strided_slice %get3A_768 {offsets = [0], sizes = [1], strides = [1]} : vector<16xi32> to vector<1xi32>
    %squeeze3A_770 = vector.extract %slice3A_769[0] : i32 from vector<1xi32>
    %and3A_771 = arith.constant 127 : i32
    %and3A_772 = arith.andi %squeeze3A_770, %and3A_771 : i32
    %broadcast_in_dim3A_773 = vector.broadcast %and3A_772 : i32 to vector<16xi32>
    %gather3A_774 = tpu.vector_load_idx %arg17[%iota3A, %broadcast_in_dim3A_773] : memref<16x128xf32, #tpu.memory_space<vmem>>[vector<16xi32>, vector<16xi32>], vector<16xf32>,
    %add3A_775 = arith.constant 48 : i32
    %add3A_776 = vector.broadcast %add3A_775 : i32 to vector<16xi32>
    %add3A_777 = arith.addi %iota3A, %add3A_776 : vector<16xi32>
    %broadcast_in_dim3A_778 = arith.constant 511 : i32
    %broadcast_in_dim3A_779 = vector.broadcast %broadcast_in_dim3A_778 : i32 to vector<16xi32>
    tpu.vector_store_idx %arg11[%add3A_777, %broadcast_in_dim3A_779], %gather3A_774 : memref<64x512xf32, #tpu.memory_space<vmem>>[vector<16xi32>, vector<16xi32>], vector<16xf32>,
    "tpu.region"() ({
      %run_scoped3A = tpu.sem_alloc : memref<!tpu.dma_semaphore, #tpu.memory_space<semaphore_mem>>
      %dma_start3A_780 = arith.constant 0 : i32
      %dma_start3A_781 = tpu.memref_slice %arg8[%dma_start3A_780, %mul3A_2] : memref<64x16384xf32, #tpu.memory_space<hbm>> -> memref<64x512xf32, #tpu.memory_space<hbm>>
      %dma_start3A_782 = arith.constant 0 : i32
      %dma_start3A_783 = tpu.memref_slice %arg8[%dma_start3A_782, %mul3A_2] : memref<64x16384xf32, #tpu.memory_space<hbm>> -> memref<64x512xf32, #tpu.memory_space<hbm>>
      tpu.enqueue_dma source(%arg11 : memref<64x512xf32, #tpu.memory_space<vmem>>) target(%dma_start3A_783 : memref<64x512xf32, #tpu.memory_space<hbm>>) target_semaphore(%run_scoped3A : memref<!tpu.dma_semaphore, #tpu.memory_space<semaphore_mem>>)
      %dma_wait3A_784 = arith.constant 0 : i32
      %dma_wait3A_785 = tpu.memref_slice %arg8[%dma_wait3A_784, %mul3A_2] : memref<64x16384xf32, #tpu.memory_space<hbm>> -> memref<64x512xf32, #tpu.memory_space<hbm>>
      %dma_wait3A_786 = arith.constant 0 : i32
      %dma_wait3A_787 = tpu.memref_slice %arg8[%dma_wait3A_786, %mul3A_2] : memref<64x16384xf32, #tpu.memory_space<hbm>> -> memref<64x512xf32, #tpu.memory_space<hbm>>
      tpu.wait_dma2 semaphore(%run_scoped3A : memref<!tpu.dma_semaphore, #tpu.memory_space<semaphore_mem>>) src(%arg11 : memref<64x512xf32, #tpu.memory_space<vmem>>) dst(%dma_wait3A_787 : memref<64x512xf32, #tpu.memory_space<hbm>>)
      tpu.yield
    }) : () -> ()
    return
  }
}

module attributes {stable_mosaic.version = 14 : i64} {
  func.func @_dense_body(%arg0: i32, %arg1: memref<64x16384xf32, #tpu.memory_space<vmem>>, %arg2: memref<1x16384xf32, #tpu.memory_space<vmem>>, %arg3: memref<64x32xf32, #tpu.memory_space<vmem>>, %arg4: memref<32x64xf32, #tpu.memory_space<vmem>>, %arg5: memref<1x32xf32, #tpu.memory_space<vmem>>, %arg6: memref<1x1xf32, #tpu.memory_space<vmem>>, %arg7: memref<1x16384xf32, #tpu.memory_space<vmem>>) attributes {dimension_semantics = [#tpu.dimension_semantics<arbitrary>], iteration_bounds = array<i64: 1>, scalar_prefetch = 0 : i64, scratch_operands = 0 : i64, tpu.core_type = #tpu.core_type<tc>, window_params = [{transform_indices = @transform_0, window_bounds = array<i64: 64, 16384>}, {transform_indices = @transform_1, window_bounds = array<i64: 1, 16384>}, {pipeline_mode = #tpu.pipeline_mode<synchronous>, transform_indices = @transform_2, window_bounds = array<i64: 64, 32>}, {pipeline_mode = #tpu.pipeline_mode<synchronous>, transform_indices = @transform_3, window_bounds = array<i64: 32, 64>}, {pipeline_mode = #tpu.pipeline_mode<synchronous>, transform_indices = @transform_4, window_bounds = array<i64: 1, 32>}, {pipeline_mode = #tpu.pipeline_mode<synchronous>, transform_indices = @transform_5, window_bounds = array<i64: 1, 1>}, {transform_indices = @transform_6, window_bounds = array<i64: 1, 16384>}]} {
    %eq3A = arith.constant 0 : i32
    %eq3A_0 = arith.cmpi eq, %arg0, %eq3A : i32
    %convert_element_type3A = arith.extui %eq3A_0 : i1 to i32
    %cond3A = arith.constant 0 : i32
    %cond3A_1 = arith.cmpi ne, %convert_element_type3A, %cond3A : i32
    scf.if %cond3A_1 {
      %broadcast_in_dim3A_96 = arith.constant 0.000000e+00 : f32
      %broadcast_in_dim3A_97 = vector.broadcast %broadcast_in_dim3A_96 : f32 to vector<1x1xf32>
      %swap3A_98 = arith.constant 0 : index
      %swap3A_99 = arith.constant 0 : index
      %swap3A_100 = vector.load %arg6[%swap3A_98, %swap3A_99] : memref<1x1xf32, #tpu.memory_space<vmem>>, vector<1x1xf32>
      tpu.vector_store %arg6[%swap3A_98, %swap3A_99], %broadcast_in_dim3A_97 {strides = array<i32>} : memref<1x1xf32, #tpu.memory_space<vmem>>, vector<1x1xf32>,
    } else {
    }
    %get3A = arith.constant 0 : index
    %get3A_2 = arith.constant 0 : index
    %get3A_3 = vector.load %arg1[%get3A, %get3A_2] : memref<64x16384xf32, #tpu.memory_space<vmem>>, vector<32x16384xf32>
    %get3A_4 = arith.constant 0 : index
    %get3A_5 = arith.constant 0 : index
    %get3A_6 = vector.load %arg3[%get3A_4, %get3A_5] : memref<64x32xf32, #tpu.memory_space<vmem>>, vector<64x32xf32>
    %dot_general3A = arith.constant dense<0.000000e+00> : vector<64x16384xf32>
    %dot_general3A_7 = tpu.matmul %get3A_6, %get3A_3, %dot_general3A {dimension_numbers = #tpu.dot_dimension_numbers<[1], [0], [0], [1], [0, 0, 1, 1], [], []>, transpose_lhs_hint = false} : vector<64x32xf32>, vector<32x16384xf32>, vector<64x16384xf32> -> vector<64x16384xf32>
    %tanh3A = math.tanh %dot_general3A_7 : vector<64x16384xf32>
    %get3A_8 = arith.constant 0 : index
    %get3A_9 = arith.constant 0 : index
    %get3A_10 = vector.load %arg4[%get3A_8, %get3A_9] : memref<32x64xf32, #tpu.memory_space<vmem>>, vector<32x64xf32>
    %dot_general3A_11 = arith.constant dense<0.000000e+00> : vector<32x16384xf32>
    %dot_general3A_12 = tpu.matmul %get3A_10, %tanh3A, %dot_general3A_11 {dimension_numbers = #tpu.dot_dimension_numbers<[1], [0], [0], [1], [0, 0, 1, 1], [], []>, transpose_lhs_hint = false} : vector<32x64xf32>, vector<64x16384xf32>, vector<32x16384xf32> -> vector<32x16384xf32>
    %tanh3A_13 = math.tanh %dot_general3A_12 : vector<32x16384xf32>
    %get3A_14 = arith.constant 0 : index
    %get3A_15 = arith.constant 0 : index
    %get3A_16 = vector.load %arg5[%get3A_14, %get3A_15] : memref<1x32xf32, #tpu.memory_space<vmem>>, vector<1x32xf32>
    %dot_general3A_17 = arith.constant dense<0.000000e+00> : vector<1x16384xf32>
    %dot_general3A_18 = tpu.matmul %get3A_16, %tanh3A_13, %dot_general3A_17 {dimension_numbers = #tpu.dot_dimension_numbers<[1], [0], [0], [1], [0, 0, 1, 1], [], []>, transpose_lhs_hint = false} : vector<1x32xf32>, vector<32x16384xf32>, vector<1x16384xf32> -> vector<1x16384xf32>
    %tanh3A_19 = math.tanh %dot_general3A_18 : vector<1x16384xf32>
    %get3A_20 = arith.constant 32 : index
    %get3A_21 = arith.constant 0 : index
    %get3A_22 = vector.load %arg1[%get3A_20, %get3A_21] : memref<64x16384xf32, #tpu.memory_space<vmem>>, vector<16x16384xf32>
    %get3A_23 = arith.constant 48 : index
    %get3A_24 = arith.constant 0 : index
    %get3A_25 = vector.load %arg1[%get3A_23, %get3A_24] : memref<64x16384xf32, #tpu.memory_space<vmem>>, vector<16x16384xf32>
    %reduce_sum3A = arith.constant dense<0.000000e+00> : vector<16384xf32>
    %reduce_sum3A_26 = vector.multi_reduction <add>, %get3A_22, %reduce_sum3A [0] : vector<16x16384xf32> to vector<16384xf32>
    %broadcast_in_dim3A = vector.shape_cast %reduce_sum3A_26 : vector<16384xf32> to vector<1x16384xf32>
    %div3A = arith.constant 1.600000e+01 : f32
    %div3A_27 = vector.broadcast %div3A : f32 to vector<1x16384xf32>
    %div3A_28 = arith.divf %broadcast_in_dim3A, %div3A_27 : vector<1x16384xf32>
    %sub3A = vector.broadcast %div3A_28 : vector<1x16384xf32> to vector<16x16384xf32>
    %sub3A_29 = arith.subf %get3A_22, %sub3A : vector<16x16384xf32>
    %reduce_sum3A_30 = arith.constant dense<0.000000e+00> : vector<16384xf32>
    %reduce_sum3A_31 = vector.multi_reduction <add>, %get3A_25, %reduce_sum3A_30 [0] : vector<16x16384xf32> to vector<16384xf32>
    %broadcast_in_dim3A_32 = vector.shape_cast %reduce_sum3A_31 : vector<16384xf32> to vector<1x16384xf32>
    %div3A_33 = arith.constant 1.600000e+01 : f32
    %div3A_34 = vector.broadcast %div3A_33 : f32 to vector<1x16384xf32>
    %div3A_35 = arith.divf %broadcast_in_dim3A_32, %div3A_34 : vector<1x16384xf32>
    %sub3A_36 = vector.broadcast %div3A_35 : vector<1x16384xf32> to vector<16x16384xf32>
    %sub3A_37 = arith.subf %get3A_25, %sub3A_36 : vector<16x16384xf32>
    %mul3A = arith.mulf %sub3A_29, %sub3A_29 : vector<16x16384xf32>
    %reduce_sum3A_38 = arith.constant dense<0.000000e+00> : vector<16384xf32>
    %reduce_sum3A_39 = vector.multi_reduction <add>, %mul3A, %reduce_sum3A_38 [0] : vector<16x16384xf32> to vector<16384xf32>
    %broadcast_in_dim3A_40 = vector.shape_cast %reduce_sum3A_39 : vector<16384xf32> to vector<1x16384xf32>
    %sqrt3A = math.sqrt %broadcast_in_dim3A_40 : vector<1x16384xf32>
    %max3A = arith.constant 9.99999996E-13 : f32
    %max3A_41 = vector.broadcast %max3A : f32 to vector<1x16384xf32>
    %max3A_42 = arith.maximumf %sqrt3A, %max3A_41 : vector<1x16384xf32>
    %mul3A_43 = arith.mulf %sub3A_37, %sub3A_37 : vector<16x16384xf32>
    %reduce_sum3A_44 = arith.constant dense<0.000000e+00> : vector<16384xf32>
    %reduce_sum3A_45 = vector.multi_reduction <add>, %mul3A_43, %reduce_sum3A_44 [0] : vector<16x16384xf32> to vector<16384xf32>
    %broadcast_in_dim3A_46 = vector.shape_cast %reduce_sum3A_45 : vector<16384xf32> to vector<1x16384xf32>
    %sqrt3A_47 = math.sqrt %broadcast_in_dim3A_46 : vector<1x16384xf32>
    %max3A_48 = arith.constant 9.99999996E-13 : f32
    %max3A_49 = vector.broadcast %max3A_48 : f32 to vector<1x16384xf32>
    %max3A_50 = arith.maximumf %sqrt3A_47, %max3A_49 : vector<1x16384xf32>
    %mul3A_51 = arith.mulf %sub3A_29, %sub3A_37 : vector<16x16384xf32>
    %reduce_sum3A_52 = arith.constant dense<0.000000e+00> : vector<16384xf32>
    %reduce_sum3A_53 = vector.multi_reduction <add>, %mul3A_51, %reduce_sum3A_52 [0] : vector<16x16384xf32> to vector<16384xf32>
    %broadcast_in_dim3A_54 = vector.shape_cast %reduce_sum3A_53 : vector<16384xf32> to vector<1x16384xf32>
    %mul3A_55 = arith.mulf %max3A_42, %max3A_50 : vector<1x16384xf32>
    %div3A_56 = arith.divf %broadcast_in_dim3A_54, %mul3A_55 : vector<1x16384xf32>
    %mul3A_57 = arith.constant 5.000000e-01 : f32
    %mul3A_58 = vector.broadcast %mul3A_57 : f32 to vector<1x16384xf32>
    %mul3A_59 = arith.mulf %mul3A_58, %tanh3A_19 : vector<1x16384xf32>
    %mul3A_60 = arith.constant 5.000000e-01 : f32
    %mul3A_61 = vector.broadcast %mul3A_60 : f32 to vector<1x16384xf32>
    %mul3A_62 = arith.mulf %mul3A_61, %div3A_56 : vector<1x16384xf32>
    %add3A = arith.addf %mul3A_59, %mul3A_62 : vector<1x16384xf32>
    %get3A_63 = arith.constant 0 : index
    %get3A_64 = arith.constant 0 : index
    %get3A_65 = vector.load %arg2[%get3A_63, %get3A_64] : memref<1x16384xf32, #tpu.memory_space<vmem>>, vector<1x16384xf32>
    %sub3A_66 = arith.constant 1.000000e+00 : f32
    %sub3A_67 = vector.broadcast %sub3A_66 : f32 to vector<1x16384xf32>
    %sub3A_68 = arith.subf %get3A_65, %sub3A_67 : vector<1x16384xf32>
    %mul3A_69 = arith.constant 2.500000e-01 : f32
    %mul3A_70 = vector.broadcast %mul3A_69 : f32 to vector<1x16384xf32>
    %mul3A_71 = arith.mulf %sub3A_68, %mul3A_70 : vector<1x16384xf32>
    %get3A_72 = arith.constant 0 : index
    %get3A_73 = arith.constant 0 : index
    %get3A_74 = vector.load %arg6[%get3A_72, %get3A_73] : memref<1x1xf32, #tpu.memory_space<vmem>>, vector<1x1xf32>
    %sub3A_75 = arith.subf %add3A, %mul3A_71 : vector<1x16384xf32>
    %integer_pow3A = arith.mulf %sub3A_75, %sub3A_75 : vector<1x16384xf32>
    %reduce_sum3A_76 = vector.shape_cast %integer_pow3A : vector<1x16384xf32> to vector<1x1x16384xf32>
    %reduce_sum3A_77 = arith.constant dense<0.000000e+00> : vector<1xf32>
    %reduce_sum3A_78 = vector.multi_reduction <add>, %reduce_sum3A_76, %reduce_sum3A_77 [1, 2] : vector<1x1x16384xf32> to vector<1xf32>
    %reduce_sum3A_79 = vector.shape_cast %reduce_sum3A_78 : vector<1xf32> to vector<1x1x1xf32>
    %reduce_sum3A_80 = vector.extract %reduce_sum3A_79[0, 0, 0] : f32 from vector<1x1x1xf32>
    %mul3A_81 = arith.constant 6.10351563E-5 : f32
    %mul3A_82 = arith.mulf %reduce_sum3A_80, %mul3A_81 : f32
    %broadcast_in_dim3A_83 = vector.broadcast %mul3A_82 : f32 to vector<1x1xf32>
    %add3A_84 = arith.addf %get3A_74, %broadcast_in_dim3A_83 : vector<1x1xf32>
    %swap3A = arith.constant 0 : index
    %swap3A_85 = arith.constant 0 : index
    %swap3A_86 = vector.load %arg6[%swap3A, %swap3A_85] : memref<1x1xf32, #tpu.memory_space<vmem>>, vector<1x1xf32>
    tpu.vector_store %arg6[%swap3A, %swap3A_85], %add3A_84 {strides = array<i32>} : memref<1x1xf32, #tpu.memory_space<vmem>>, vector<1x1xf32>,
    %mul3A_87 = arith.constant 4.000000e+00 : f32
    %mul3A_88 = vector.broadcast %mul3A_87 : f32 to vector<1x16384xf32>
    %mul3A_89 = arith.mulf %add3A, %mul3A_88 : vector<1x16384xf32>
    %add3A_90 = arith.constant 1.000000e+00 : f32
    %add3A_91 = vector.broadcast %add3A_90 : f32 to vector<1x16384xf32>
    %add3A_92 = arith.addf %mul3A_89, %add3A_91 : vector<1x16384xf32>
    %swap3A_93 = arith.constant 0 : index
    %swap3A_94 = arith.constant 0 : index
    %swap3A_95 = vector.load %arg7[%swap3A_93, %swap3A_94] : memref<1x16384xf32, #tpu.memory_space<vmem>>, vector<1x16384xf32>
    tpu.vector_store %arg7[%swap3A_93, %swap3A_94], %add3A_92 {strides = array<i32>} : memref<1x16384xf32, #tpu.memory_space<vmem>>, vector<1x16384xf32>,
    return
  }
  func.func @transform_0(%arg0: i32) -> (i32, i32) {
    %c0_i32 = arith.constant 0 : i32
    %c0_i32_0 = arith.constant 0 : i32
    return %c0_i32, %arg0 : i32, i32
  }
  func.func @transform_1(%arg0: i32) -> (i32, i32) {
    %c0_i32 = arith.constant 0 : i32
    %c0_i32_0 = arith.constant 0 : i32
    return %c0_i32, %arg0 : i32, i32
  }
  func.func @transform_2(%arg0: i32) -> (i32, i32) {
    %c0_i32 = arith.constant 0 : i32
    %c0_i32_0 = arith.constant 0 : i32
    %c0_i32_1 = arith.constant 0 : i32
    return %c0_i32, %c0_i32_0 : i32, i32
  }
  func.func @transform_3(%arg0: i32) -> (i32, i32) {
    %c0_i32 = arith.constant 0 : i32
    %c0_i32_0 = arith.constant 0 : i32
    %c0_i32_1 = arith.constant 0 : i32
    return %c0_i32, %c0_i32_0 : i32, i32
  }
  func.func @transform_4(%arg0: i32) -> (i32, i32) {
    %c0_i32 = arith.constant 0 : i32
    %c0_i32_0 = arith.constant 0 : i32
    %c0_i32_1 = arith.constant 0 : i32
    return %c0_i32, %c0_i32_0 : i32, i32
  }
  func.func @transform_5(%arg0: i32) -> (i32, i32) {
    %c0_i32 = arith.constant 0 : i32
    %c0_i32_0 = arith.constant 0 : i32
    %c0_i32_1 = arith.constant 0 : i32
    return %c0_i32, %c0_i32_0 : i32, i32
  }
  func.func @transform_6(%arg0: i32) -> (i32, i32) {
    %c0_i32 = arith.constant 0 : i32
    %c0_i32_0 = arith.constant 0 : i32
    return %c0_i32, %arg0 : i32, i32
  }
}

</mosaic_0001>

<sc_bundles>
// kernel: kernel.4.cloned.1.call-start
scs
__scs_entry_jumppad:
0x0: {  	(pc) =	sbr.rel $0x88, $3  }
0x1: {  	(tag) =	ssettag $0x0;
	lr =	simm.s32 $0x1  }
0x2: {  	[smem:$0x3F97] =	sst lr;
	_ =	strace $0xD0000000  }
0x3: {  	_ = 	snop  }
0x4: {  	_ = 	snop  }
0x5: {  	_ = 	snop  }
0x6: {  	_ = 	snop  }
0x7: {  	_ = 	snop  }
__scs_overlays_trampoline_lowered:
0x8: {  	[smem:$0x3FA6] =	sst s0  }
0x9: {  	[smem:$0x3FA7] =	sst s1  }
0xa: {  	[smem:$0x3FA8] =	sst s2  }
0xb: {  	[smem:$0x3FA9] =	sst s3  }
0xc: {  	[smem:$0x3FAA] =	sst s4  }
0xd: {  	[smem:$0x3FAB] =	sst s5  }
0xe: {  	[smem:$0x3FAC] =	sst s6  }
0xf: {  	[smem:$0x3FAD] =	sst s7  }
0x10: {  	[smem:$0x3FAE] =	sst s8  }
0x11: {  	[smem:$0x3FAF] =	sst s9;
	s0 =	simm.s32 @!p0 $0x0  }
0x12: {  	s1 =	sld [smem:$0x3F95];
	s0 =	simm.s32 @p0 $0x1  }
0x13: {  	[smem:$0x3FB0] =	sst s0;
	s0 =	simm.s32 @!p1 $0x0  }
0x14: {  	s2 =	sld [smem:$0x3F94];
	s0 =	simm.s32 @p1 $0x1  }
0x15: {  	[smem:$0x3FB1] =	sst s0;
	s0 =	simm.s32 @!p2 $0x0  }
0x16: {  	s3 =	sld [smem:$0x3FDB];
	s0 =	simm.s32 @p2 $0x1  }
0x17: {  	s4 =	simm.s32 $0x1BF5;
	[smem:$0x3FB3] =	sst s0  }
0x18: {  	s0 =	sld [smem:$0x3F96];
	_ =	swait.ge [sflag:s4], $0x0  }
0x19: {  	s7 =	sld [smem:$0x3F97]  }
0x1a: {  	s8 =	sadd.s32 $0xFFFFE003, lr  }
0x1b: {  	s9 =	sadd.s32 $0xFFFFFEF7, lr;
	s5 =	simm.s32 $0xFFFFFFFF;
	p2 =	slt.u32 s8, $0xFFFFF086  }
0x1c: {  	p1 =	slt.u32 s9, $0xF7A;
	s5 =	simm.s32 @!p2 $0x0  }
0x1d: {  	s5 =	simm.s32 @p1 $0x1;
	p0 =	seq.s32 s7, s2  }
0x1e: {  	s7 =	smul.u32 @!p0 $0xF7A, s2;
	p2 =	seq.s32 @!p0 s5, $0x0  }
0x1f: {  	s9 =	smul.u32 $0xF7A, s1;
	s8 =	simm.s32 @!p0 $0x1BF5;
	p2 =	por !p2, p0  }
0x20: {  	[sflag:s8] =	ssyncset.s32 @!p0 $0xFFFFF086;
	s6 =	sadd.s32 @!p0 s3, s7;
	s7 =	simm.s32 @!p0 $0x108  }
0x21: {  	s3 =	sadd.s32 s3, s9;
	s6 =	sadd.s32 @!p0 $0x88, s6;
	s7 =	simm.s32 @p2 $0x1082  }
0x22: {  	[simem:s7], [sflag:s8] =	dma.local @!p0 [hbm:s6], $0xF7A  }
0x23: {  	s9 =	sor.u32 $0xD0000000, s2;
	s6 =	simm.s32 $0x108;
	_ =	swait.ge @!p0 [sflag:s8], $0x0  }
0x24: {  	s3 =	sadd.s32 $0x88, s3;
	s6 =	simm.s32 @!p1 $0x1082;
	[sflag:s4] =	ssyncset.s32 $0xFFFFF086  }
0x25: {  	[simem:s6], [sflag:s4] =	dma.local [hbm:s3], $0xF7A  }
0x26: {  	[smem:$0x3F97] =	sst s1;
	(tag) =	ssettag s2;
	_ =	strace s9  }
0x27: {  	s1 =	sld [smem:$0x3FA7]  }
0x28: {  	s2 =	sld [smem:$0x3FA8]  }
0x29: {  	s4 =	sld [smem:$0x3FAA]  }
0x2a: {  	p0 =	seq.s32 s5, $0x0;
	s5 =	sld [smem:$0x3FAB]  }
0x2b: {  	s6 =	sld [smem:$0x3FAC]  }
0x2c: {  	s7 =	sld [smem:$0x3FAD]  }
0x2d: {  	s3 =	simm.s32 $0x108;
	s8 =	sld [smem:$0x3FAE]  }
0x2e: {  	s3 =	simm.s32 @!p0 $0x1082;
	s9 =	sld [smem:$0x3FAF]  }
0x2f: {  	lr =	sadd.s32 s0, s3;
	s0 =	sld [smem:$0x3FA6]  }
0x30: {  	s3 =	sld [smem:$0x3FA9]  }
0x31: {  	[smem:$0x3FB2] =	sst s10  }
0x32: {  	s10 =	sld [smem:$0x3FB0];
	_ =	sdelay $0x3  }
0x33: {  	p0 =	seq.s32 s10, $0x1;
	s10 =	sld [smem:$0x3FB2];
	_ =	sdelay $0x3  }
0x34: {  	[smem:$0x3FB2] =	sst s10  }
0x35: {  	s10 =	sld [smem:$0x3FB1];
	_ =	sdelay $0x3  }
0x36: {  	p1 =	seq.s32 s10, $0x1;
	s10 =	sld [smem:$0x3FB2];
	_ =	sdelay $0x3  }
0x37: {  	[smem:$0x3FB2] =	sst s10  }
0x38: {  	s10 =	sld [smem:$0x3FB3]  }
0x39: {  	_ = 	snop;
	(pc) =	sbr.ind lr, $3  }
0x3a: {  	_ = 	snop  }
0x3b: {  	_ = 	snop  }
0x3c: {  	p2 =	seq.s32 s10, $0x1;
	s10 =	sld [smem:$0x3FB2]  }
0x3d: {  	_ =	shalt  }
0x3e: {  	_ =	shalt  }
0x3f: {  	_ =	shalt  }
0x40: {  	_ =	shalt  }
0x41: {  	_ =	shalt  }
0x42: {  	_ =	shalt  }
0x43: {  	_ =	shalt  }
0x44: {  	_ =	shalt  }
0x45: {  	_ =	shalt  }
0x46: {  	_ =	shalt  }
0x47: {  	_ =	shalt  }
0x48: {  	_ =	shalt  }
0x49: {  	_ =	shalt  }
0x4a: {  	_ =	shalt  }
0x4b: {  	_ =	shalt  }
0x4c: {  	_ =	shalt  }
0x4d: {  	_ =	shalt  }
0x4e: {  	_ =	shalt  }
0x4f: {  	_ =	shalt  }
0x50: {  	_ =	shalt  }
0x51: {  	_ =	shalt  }
0x52: {  	_ =	shalt  }
0x53: {  	_ =	shalt  }
0x54: {  	_ =	shalt  }
0x55: {  	_ =	shalt  }
0x56: {  	_ =	shalt  }
0x57: {  	_ =	shalt  }
0x58: {  	_ =	shalt  }
0x59: {  	_ =	shalt  }
0x5a: {  	_ =	shalt  }
0x5b: {  	_ =	shalt  }
0x5c: {  	_ =	shalt  }
0x5d: {  	_ =	shalt  }
0x5e: {  	_ =	shalt  }
0x5f: {  	_ =	shalt  }
0x60: {  	_ =	shalt  }
0x61: {  	_ =	shalt  }
0x62: {  	_ =	shalt  }
0x63: {  	_ =	shalt  }
0x64: {  	_ =	shalt  }
0x65: {  	_ =	shalt  }
0x66: {  	_ =	shalt  }
0x67: {  	_ =	shalt  }
0x68: {  	_ =	shalt  }
0x69: {  	_ =	shalt  }
0x6a: {  	_ =	shalt  }
0x6b: {  	_ =	shalt  }
0x6c: {  	_ =	shalt  }
0x6d: {  	_ =	shalt  }
0x6e: {  	_ =	shalt  }
0x6f: {  	_ =	shalt  }
0x70: {  	_ =	shalt  }
0x71: {  	_ =	shalt  }
0x72: {  	_ =	shalt  }
0x73: {  	_ =	shalt  }
0x74: {  	_ =	shalt  }
0x75: {  	_ =	shalt  }
0x76: {  	_ =	shalt  }
0x77: {  	_ =	shalt  }
0x78: {  	_ =	shalt  }
0x79: {  	_ =	shalt  }
0x7a: {  	_ =	shalt  }
0x7b: {  	_ =	shalt  }
0x7c: {  	_ =	shalt  }
0x7d: {  	_ =	shalt  }
0x7e: {  	_ =	shalt  }
0x7f: {  	_ =	shalt  }
0x80: {  	_ =	shalt  }
0x81: {  	_ =	shalt  }
0x82: {  	_ =	shalt  }
0x83: {  	_ =	shalt  }
0x84: {  	_ =	shalt  }
0x85: {  	_ =	shalt  }
0x86: {  	_ =	shalt  }
0x87: {  	_ =	shalt  }
.Lfunc_end0:
.L_simem_size_0:
called_computation_lowered:
.L_overlay_start_0:
0x88: {  	s2 =	sld [smem:$0x3FD9]  }
0x89: {  	s3 =	sld [smem:$0x3FFE];
	_ =	sdelay $0x1  }
0x8a: {  	s1 =	srdreg.scid  }
0x8b: {  	s0 =	sand.u32 $0x1, s1  }
0x8c: {  	s17 =	sshll.u32 s0, $0xA;
	s2 =	sadd.s32 s3, s2  }
0x8d: {  	s2 =	sadd.s32 s2, s17  }
0x8e: {  	[smem:$0x3FBE] =	sst s2  }
0x8f: {  	_ = 	snop  }
0x90: {  	s2 =	sld [smem:$0x3FC9]  }
0x91: {  	s18 =	sld [smem:$0x3FC8]  }
0x92: {  	s4 =	sld [smem:$0x3FC6]  }
0x93: {  	s5 =	sld [smem:$0x3FC5]  }
0x94: {  	s6 =	sld [smem:$0x3FC4]  }
0x95: {  	s7 =	sld [smem:$0x3FC3];
	(tm) =	ssettm $0x1  }
0x96: {  	s8 =	sld [smem:$0x3FFB];
	_ =	sdelay $0x3  }
0x97: {  	_ =	strace s8  }
0x98: {  	s8 =	sld [smem:$0x3FFC];
	_ =	sdelay $0x3  }
0x99: {  	_ =	strace s8  }
0x9a: {  	s8 =	sld [smem:$0x3FFD];
	_ =	sdelay $0x3  }
0x9b: {  	_ =	strace s8  }
0x9c: {  	_ =	strace $0x8FFFFFFF  }
0x9d: {  	s19 =	sld [smem:$0x3FDB];
	_ =	sdelay $0x1  }
0x9e: {  	s9 =	simm.s32 $_scs_section_size  }
0x9f: {  	s10 =	simm.s32 $_size__tile_overlayer_lowered;
	s11 =	simm.s32 $_tile_overlayer_lowered  }
0xa0: {  	s22 =	simm.s32 $0x1BFF;
	s21 =	sshll.u32 s11, $0x1;
	s8 =	sadd.s32 s9, s19  }
0xa1: {  	s12 =	simm.s32 $0x0;
	s20 =	sshll.u32 s10, $0x1;
	s10 =	sadd.s32 s21, s8  }
0xa2: {  	[timem:s12], [sflag:s22] =	dma.local [hbm:s10], s20  }
0xa3: {  	_ =	swait.ge [sflag:s22], s20  }
0xa4: {  	s9 =	ssub.s32 $0x0, s20;
	[sflag:s22] =	ssyncset.done $0x0  }
0xa5: {  	[sflag:s22] =	ssyncadd.s32 s9;
	_ =	sdelay $0x1  }
0xa6: {  	s23 =	simm.s32 $0x1B8B  }
0xa7: {  	_ =	swait.ge [sflag:s23], $0x1  }
0xa8: {  	[sflag:s23] =	ssyncset.done $0x0  }
0xa9: {  	s25 =	simm.s32 $0x1B8E;
	s24 =	sld [smem:$0x3FFE];
	[sflag:s23] =	ssyncadd.s32 $0xFFFFFFFF  }
0xaa: {  	s26 =	simm.s32 $execute0_lowered;
	[smem:$0x3FD2] =	sst s25  }
0xab: {  	s10 =	sshll.u32 s26, $0x1;
	_ =	strace $0x80000046;
	[dreg:$0x1] =	wrdreg $0xFFFFFFFF  }
0xac: {  	s28 =	simm.s32 $_size_execute0_lowered;
	s8 =	sadd.s32 s8, s10;
	[dreg:$0x0] =	wrdreg $0x0  }
0xad: {  	s10 =	sshll.u32 s28, $0x1;
	[dreg:$0x2] =	wrdreg s8  }
0xae: {  	[dreg:$0x3] =	wrdreg s10  }
0xaf: {  	[dreg:$0x4] =	wrdreg $0xC0  }
0xb0: {  	_ =	task [dreg:s12], $0x5FFFF  }
0xb1: {  	[dreg:$0x1] =	wrdreg $0xFFFFFFFF  }
0xb2: {  	[dreg:$0x0] =	wrdreg $0x60  }
0xb3: {  	[dreg:$0x2] =	wrdreg s2  }
0xb4: {  	[dreg:$0x3] =	wrdreg s18  }
0xb5: {  	[dreg:$0x4] =	wrdreg s4  }
0xb6: {  	[dreg:$0x5] =	wrdreg s5  }
0xb7: {  	[dreg:$0x6] =	wrdreg s6  }
0xb8: {  	[dreg:$0x7] =	wrdreg s7  }
0xb9: {  	[dreg:$0x8] =	wrdreg s24  }
0xba: {  	[dreg:$0x9] =	wrdreg $0x9  }
0xbb: {  	_ =	task.clear_ibuf [dreg:s12], $0xAFFFF;
	_ =	strace $0x90000046  }
0xbc: {  	s29 =	simm.s32 $0x9;
	_ =	strace $0x80000048  }
0xbd: {  	_ =	swait.ge [sflag:s29], $0x1  }
0xbe: {  	[sflag:s29] =	ssyncadd.s32 $0xFFFFFFFF  }
0xbf: {  	_ =	strace $0x90000048  }
0xc0: {  	_ =	sfence  }
0xc1: {  	s30 =	sld [smem:$0x0];
	_ =	sdelay $0x2  }
0xc2: {  	s31 =	sshll.u32 s1, $0xD;
	s1 =	sshrl.u32 s1, $0x2  }
0xc3: {  	s3 =	sand.u32 $0x4000, s31;
	s1 =	sadd.s32 s1, s30  }
0xc4: {  	s0 =	sor.u32 s3, s0;
	s1 =	sshll.u32 s1, $0x11  }
0xc5: {  	s0 =	sor.u32 s1, s0  }
0xc6: {  	s0 =	sadd.s32 $0x8F2B, s0  }
0xc7: {  	[sflag:s0] =	ssyncadd.remote.s32 $0x1  }
0xc8: {  	_ =	sfence.sel $0xFFFF  }
0xc9: {  	[dreg:$0x0] =	wrdreg $0xFFFFFFFF;
	(pc) =	sbr.abs _section_cstart, $3  }
0xca: {  	[dreg:$0x1] =	wrdreg $0xFFFFFFFF  }
0xcb: {  	_ =	task.clear_ibuf [dreg:s12], $0x2FFFF;
	_ =	strace $0x9FFFFFFF  }
0xcc: {  	(tm) =	ssettm $0x7FFFFFFF  }
0xcd: {  	_ =	shalt  }
tec
execute0_lowered:
.L_overlay_start_1:
0x0: {  	(tag) =	ssettag $0x1  }
0x1: {  	v0 =	vimm.s32 $0x1380;
	vm14 =	vcmask $0x300;
	vm13 =	vcmask $0x704  }
0x2: {  	vm12 =	vcmask $0xB08;
	vm11 =	vcmask $0xF0C;
	vm10 =	vcmask $0x1310  }
0x3: {  	vm9 =	vcmask $0x1714;
	vm8 =	vcmask $0x1B18;
	vm7 =	vcmask $0x1F1C  }
0x4: {  	vm6 =	vcmask $0x2320;
	vm5 =	vcmask $0x2724;
	vm4 =	vcmask $0x2B28  }
0x5: {  	vm3 =	vcmask $0x2F2C;
	vm2 =	vcmask $0x3330;
	vm1 =	vcmask $0x3734  }
0x6: {  	v1 =	vlaneseq.u32;
	vm0 =	vcmask $0x3B38;
	v3 =	vimm.s32 $0x1FFB  }
0x7: {  	v4 =	vimm.s32 $0x1FFC;
	v5 =	vimm.s32 $0x1FFD;
	v6 =	vimm.s32 $0x1FFE  }
0x8: {  	v7 =	vimm.s32 $0x1FFF;
	v8 =	vimm.s32 $0x3380;
	v9 =	vimm.s32 $0x3FFA  }
0x9: {  	v10 =	vimm.s32 $0x3FFB;
	v11 =	vimm.s32 $0x3FFC;
	v12 =	vimm.s32 $0x3FFD  }
0xa: {  	v13 =	vimm.s32 $0x3FFE;
	v14 =	vimm.s32 $0x3FFF;
	v15 =	vimm.s32 $0x5380  }
0xb: {  	v16 =	vimm.s32 $0x5FFA;
	v17 =	vimm.s32 $0x5FFB;
	v18 =	vimm.s32 $0x5FFC  }
0xc: {  	v19 =	vimm.s32 $0x5FFD;
	v20 =	vimm.s32 $0x5FFE;
	v21 =	vimm.s32 $0x5FFF  }
0xd: {  	v22 =	vimm.s32 $0x7380;
	v23 =	vimm.s32 $0x7FFA;
	v24 =	vimm.s32 $0x7FFB  }
0xe: {  	v25 =	vimm.s32 $0x7FFC;
	v26 =	vimm.s32 $0x7FFD;
	v27 =	vimm.s32 $0x7FFE  }
0xf: {  	v28 =	vimm.s32 $0x7FFF;
	v0 =	vsel vm14, $0x0, v0;
	v3 =	vsel vm14, $0xC7B, v3  }
0x10: {  	v4 =	vsel vm14, $0xC7C, v4;
	v5 =	vsel vm14, $0xC7D, v5;
	v6 =	vsel vm14, $0xC7E, v6  }
0x11: {  	v7 =	vsel vm14, $0xC7F, v7;
	v8 =	vsel vm14, $0x2000, v8;
	v9 =	vsel vm14, $0x2C7A, v9  }
0x12: {  	v10 =	vsel vm14, $0x2C7B, v10;
	v11 =	vsel vm14, $0x2C7C, v11;
	v12 =	vsel vm14, $0x2C7D, v12  }
0x13: {  	v13 =	vsel vm14, $0x2C7E, v13;
	v14 =	vsel vm14, $0x2C7F, v14;
	v15 =	vsel vm14, $0x4000, v15  }
0x14: {  	v16 =	vsel vm14, $0x4C7A, v16;
	v17 =	vsel vm14, $0x4C7B, v17;
	v18 =	vsel vm14, $0x4C7C, v18  }
0x15: {  	v19 =	vsel vm14, $0x4C7D, v19;
	v20 =	vsel vm14, $0x4C7E, v20;
	v21 =	vsel vm14, $0x4C7F, v21  }
0x16: {  	v22 =	vsel vm14, $0x6000, v22;
	v23 =	vsel vm14, $0x6C7A, v23;
	v24 =	vsel vm14, $0x6C7B, v24  }
0x17: {  	v25 =	vsel vm14, $0x6C7C, v25;
	v26 =	vsel vm14, $0x6C7D, v26;
	v27 =	vsel vm14, $0x6C7E, v27  }
0x18: {  	v28 =	vsel vm14, $0x6C7F, v28;
	v0 =	vsel vm13, $0x80, v0;
	v3 =	vsel vm13, $0xCFB, v3  }
0x19: {  	v4 =	vsel vm13, $0xCFC, v4;
	v5 =	vsel vm13, $0xCFD, v5;
	v6 =	vsel vm13, $0xCFE, v6  }
0x1a: {  	v7 =	vsel vm13, $0xCFF, v7;
	v8 =	vsel vm13, $0x2080, v8;
	v9 =	vsel vm13, $0x2CFA, v9  }
0x1b: {  	v10 =	vsel vm13, $0x2CFB, v10;
	v11 =	vsel vm13, $0x2CFC, v11;
	v12 =	vsel vm13, $0x2CFD, v12  }
0x1c: {  	v13 =	vsel vm13, $0x2CFE, v13;
	v14 =	vsel vm13, $0x2CFF, v14;
	v15 =	vsel vm13, $0x4080, v15  }
0x1d: {  	v16 =	vsel vm13, $0x4CFA, v16;
	v17 =	vsel vm13, $0x4CFB, v17;
	v18 =	vsel vm13, $0x4CFC, v18  }
0x1e: {  	v19 =	vsel vm13, $0x4CFD, v19;
	v20 =	vsel vm13, $0x4CFE, v20;
	v21 =	vsel vm13, $0x4CFF, v21  }
0x1f: {  	v22 =	vsel vm13, $0x6080, v22;
	v23 =	vsel vm13, $0x6CFA, v23;
	v24 =	vsel vm13, $0x6CFB, v24  }
0x20: {  	v25 =	vsel vm13, $0x6CFC, v25;
	v26 =	vsel vm13, $0x6CFD, v26;
	v27 =	vsel vm13, $0x6CFE, v27  }
0x21: {  	v28 =	vsel vm13, $0x6CFF, v28;
	v0 =	vsel vm12, $0x100, v0;
	v3 =	vsel vm12, $0xD7B, v3  }
0x22: {  	v4 =	vsel vm12, $0xD7C, v4;
	v5 =	vsel vm12, $0xD7D, v5;
	v6 =	vsel vm12, $0xD7E, v6  }
0x23: {  	v7 =	vsel vm12, $0xD7F, v7;
	v8 =	vsel vm12, $0x2100, v8;
	v9 =	vsel vm12, $0x2D7A, v9  }
0x24: {  	v10 =	vsel vm12, $0x2D7B, v10;
	v11 =	vsel vm12, $0x2D7C, v11;
	v12 =	vsel vm12, $0x2D7D, v12  }
0x25: {  	v13 =	vsel vm12, $0x2D7E, v13;
	v14 =	vsel vm12, $0x2D7F, v14;
	v15 =	vsel vm12, $0x4100, v15  }
0x26: {  	v16 =	vsel vm12, $0x4D7A, v16;
	v17 =	vsel vm12, $0x4D7B, v17;
	v18 =	vsel vm12, $0x4D7C, v18  }
0x27: {  	v19 =	vsel vm12, $0x4D7D, v19;
	v20 =	vsel vm12, $0x4D7E, v20;
	v21 =	vsel vm12, $0x4D7F, v21  }
0x28: {  	v22 =	vsel vm12, $0x6100, v22;
	v23 =	vsel vm12, $0x6D7A, v23;
	v24 =	vsel vm12, $0x6D7B, v24  }
0x29: {  	v25 =	vsel vm12, $0x6D7C, v25;
	v26 =	vsel vm12, $0x6D7D, v26;
	v27 =	vsel vm12, $0x6D7E, v27  }
0x2a: {  	v28 =	vsel vm12, $0x6D7F, v28;
	v0 =	vsel vm11, $0x180, v0;
	v3 =	vsel vm11, $0xDFB, v3  }
0x2b: {  	v4 =	vsel vm11, $0xDFC, v4;
	v5 =	vsel vm11, $0xDFD, v5;
	v6 =	vsel vm11, $0xDFE, v6  }
0x2c: {  	v7 =	vsel vm11, $0xDFF, v7;
	v8 =	vsel vm11, $0x2180, v8;
	v9 =	vsel vm11, $0x2DFA, v9  }
0x2d: {  	v10 =	vsel vm11, $0x2DFB, v10;
	v11 =	vsel vm11, $0x2DFC, v11;
	v12 =	vsel vm11, $0x2DFD, v12  }
0x2e: {  	v13 =	vsel vm11, $0x2DFE, v13;
	v14 =	vsel vm11, $0x2DFF, v14;
	v15 =	vsel vm11, $0x4180, v15  }
0x2f: {  	v16 =	vsel vm11, $0x4DFA, v16;
	v17 =	vsel vm11, $0x4DFB, v17;
	v18 =	vsel vm11, $0x4DFC, v18  }
0x30: {  	v19 =	vsel vm11, $0x4DFD, v19;
	v20 =	vsel vm11, $0x4DFE, v20;
	v21 =	vsel vm11, $0x4DFF, v21  }
0x31: {  	v22 =	vsel vm11, $0x6180, v22;
	v23 =	vsel vm11, $0x6DFA, v23;
	v24 =	vsel vm11, $0x6DFB, v24  }
0x32: {  	v25 =	vsel vm11, $0x6DFC, v25;
	v26 =	vsel vm11, $0x6DFD, v26;
	v27 =	vsel vm11, $0x6DFE, v27  }
0x33: {  	v28 =	vsel vm11, $0x6DFF, v28;
	v0 =	vsel vm10, $0x200, v0;
	v3 =	vsel vm10, $0xE7B, v3  }
0x34: {  	v4 =	vsel vm10, $0xE7C, v4;
	v5 =	vsel vm10, $0xE7D, v5;
	v6 =	vsel vm10, $0xE7E, v6  }
0x35: {  	v7 =	vsel vm10, $0xE7F, v7;
	v8 =	vsel vm10, $0x2200, v8;
	v9 =	vsel vm10, $0x2E7A, v9  }
0x36: {  	v10 =	vsel vm10, $0x2E7B, v10;
	v11 =	vsel vm10, $0x2E7C, v11;
	v12 =	vsel vm10, $0x2E7D, v12  }
0x37: {  	v13 =	vsel vm10, $0x2E7E, v13;
	v14 =	vsel vm10, $0x2E7F, v14;
	v15 =	vsel vm10, $0x4200, v15  }
0x38: {  	v16 =	vsel vm10, $0x4E7A, v16;
	v17 =	vsel vm10, $0x4E7B, v17;
	v18 =	vsel vm10, $0x4E7C, v18  }
0x39: {  	v19 =	vsel vm10, $0x4E7D, v19;
	v20 =	vsel vm10, $0x4E7E, v20;
	v21 =	vsel vm10, $0x4E7F, v21  }
0x3a: {  	v22 =	vsel vm10, $0x6200, v22;
	v23 =	vsel vm10, $0x6E7A, v23;
	v24 =	vsel vm10, $0x6E7B, v24  }
0x3b: {  	v25 =	vsel vm10, $0x6E7C, v25;
	v26 =	vsel vm10, $0x6E7D, v26;
	v27 =	vsel vm10, $0x6E7E, v27  }
0x3c: {  	v28 =	vsel vm10, $0x6E7F, v28;
	v0 =	vsel vm9, $0x280, v0;
	v3 =	vsel vm9, $0xEFB, v3  }
0x3d: {  	v4 =	vsel vm9, $0xEFC, v4;
	v5 =	vsel vm9, $0xEFD, v5;
	v6 =	vsel vm9, $0xEFE, v6  }
0x3e: {  	v7 =	vsel vm9, $0xEFF, v7;
	v8 =	vsel vm9, $0x2280, v8;
	v9 =	vsel vm9, $0x2EFA, v9  }
0x3f: {  	v10 =	vsel vm9, $0x2EFB, v10;
	v11 =	vsel vm9, $0x2EFC, v11;
	v12 =	vsel vm9, $0x2EFD, v12  }
0x40: {  	v13 =	vsel vm9, $0x2EFE, v13;
	v14 =	vsel vm9, $0x2EFF, v14;
	v15 =	vsel vm9, $0x4280, v15  }
0x41: {  	v16 =	vsel vm9, $0x4EFA, v16;
	v17 =	vsel vm9, $0x4EFB, v17;
	v18 =	vsel vm9, $0x4EFC, v18  }
0x42: {  	v19 =	vsel vm9, $0x4EFD, v19;
	v20 =	vsel vm9, $0x4EFE, v20;
	v21 =	vsel vm9, $0x4EFF, v21  }
0x43: {  	v22 =	vsel vm9, $0x6280, v22;
	v23 =	vsel vm9, $0x6EFA, v23;
	v24 =	vsel vm9, $0x6EFB, v24  }
0x44: {  	v25 =	vsel vm9, $0x6EFC, v25;
	v26 =	vsel vm9, $0x6EFD, v26;
	v27 =	vsel vm9, $0x6EFE, v27  }
0x45: {  	v28 =	vsel vm9, $0x6EFF, v28;
	v0 =	vsel vm8, $0x300, v0;
	v3 =	vsel vm8, $0xF7B, v3  }
0x46: {  	v4 =	vsel vm8, $0xF7C, v4;
	v5 =	vsel vm8, $0xF7D, v5;
	v6 =	vsel vm8, $0xF7E, v6  }
0x47: {  	v7 =	vsel vm8, $0xF7F, v7;
	v8 =	vsel vm8, $0x2300, v8;
	v9 =	vsel vm8, $0x2F7A, v9  }
0x48: {  	v10 =	vsel vm8, $0x2F7B, v10;
	v11 =	vsel vm8, $0x2F7C, v11;
	v12 =	vsel vm8, $0x2F7D, v12  }
0x49: {  	v13 =	vsel vm8, $0x2F7E, v13;
	v14 =	vsel vm8, $0x2F7F, v14;
	v15 =	vsel vm8, $0x4300, v15  }
0x4a: {  	v16 =	vsel vm8, $0x4F7A, v16;
	v17 =	vsel vm8, $0x4F7B, v17;
	v18 =	vsel vm8, $0x4F7C, v18  }
0x4b: {  	v19 =	vsel vm8, $0x4F7D, v19;
	v20 =	vsel vm8, $0x4F7E, v20;
	v21 =	vsel vm8, $0x4F7F, v21  }
0x4c: {  	v22 =	vsel vm8, $0x6300, v22;
	v23 =	vsel vm8, $0x6F7A, v23;
	v24 =	vsel vm8, $0x6F7B, v24  }
0x4d: {  	v25 =	vsel vm8, $0x6F7C, v25;
	v26 =	vsel vm8, $0x6F7D, v26;
	v27 =	vsel vm8, $0x6F7E, v27  }
0x4e: {  	v28 =	vsel vm8, $0x6F7F, v28;
	v0 =	vsel vm7, $0x380, v0;
	v3 =	vsel vm7, $0xFFB, v3  }
0x4f: {  	v4 =	vsel vm7, $0xFFC, v4;
	v5 =	vsel vm7, $0xFFD, v5;
	v6 =	vsel vm7, $0xFFE, v6  }
0x50: {  	v7 =	vsel vm7, $0xFFF, v7;
	v8 =	vsel vm7, $0x2380, v8;
	v9 =	vsel vm7, $0x2FFA, v9  }
0x51: {  	v10 =	vsel vm7, $0x2FFB, v10;
	v11 =	vsel vm7, $0x2FFC, v11;
	v12 =	vsel vm7, $0x2FFD, v12  }
0x52: {  	v13 =	vsel vm7, $0x2FFE, v13;
	v14 =	vsel vm7, $0x2FFF, v14;
	v15 =	vsel vm7, $0x4380, v15  }
0x53: {  	v16 =	vsel vm7, $0x4FFA, v16;
	v17 =	vsel vm7, $0x4FFB, v17;
	v18 =	vsel vm7, $0x4FFC, v18  }
0x54: {  	v19 =	vsel vm7, $0x4FFD, v19;
	v20 =	vsel vm7, $0x4FFE, v20;
	v21 =	vsel vm7, $0x4FFF, v21  }
0x55: {  	v22 =	vsel vm7, $0x6380, v22;
	v23 =	vsel vm7, $0x6FFA, v23;
	v24 =	vsel vm7, $0x6FFB, v24  }
0x56: {  	v25 =	vsel vm7, $0x6FFC, v25;
	v26 =	vsel vm7, $0x6FFD, v26;
	v27 =	vsel vm7, $0x6FFE, v27  }
0x57: {  	v28 =	vsel vm7, $0x6FFF, v28;
	v0 =	vsel vm6, $0x1000, v0;
	v3 =	vsel vm6, $0x1C7B, v3  }
0x58: {  	v4 =	vsel vm6, $0x1C7C, v4;
	v5 =	vsel vm6, $0x1C7D, v5;
	v6 =	vsel vm6, $0x1C7E, v6  }
0x59: {  	v7 =	vsel vm6, $0x1C7F, v7;
	v8 =	vsel vm6, $0x3000, v8;
	v9 =	vsel vm6, $0x3C7A, v9  }
0x5a: {  	v10 =	vsel vm6, $0x3C7B, v10;
	v11 =	vsel vm6, $0x3C7C, v11;
	v12 =	vsel vm6, $0x3C7D, v12  }
0x5b: {  	v13 =	vsel vm6, $0x3C7E, v13;
	v14 =	vsel vm6, $0x3C7F, v14;
	v15 =	vsel vm6, $0x5000, v15  }
0x5c: {  	v16 =	vsel vm6, $0x5C7A, v16;
	v17 =	vsel vm6, $0x5C7B, v17;
	v18 =	vsel vm6, $0x5C7C, v18  }
0x5d: {  	v19 =	vsel vm6, $0x5C7D, v19;
	v20 =	vsel vm6, $0x5C7E, v20;
	v21 =	vsel vm6, $0x5C7F, v21  }
0x5e: {  	v22 =	vsel vm6, $0x7000, v22;
	v23 =	vsel vm6, $0x7C7A, v23;
	v24 =	vsel vm6, $0x7C7B, v24  }
0x5f: {  	v25 =	vsel vm6, $0x7C7C, v25;
	v26 =	vsel vm6, $0x7C7D, v26;
	v27 =	vsel vm6, $0x7C7E, v27  }
0x60: {  	v28 =	vsel vm6, $0x7C7F, v28;
	v0 =	vsel vm5, $0x1080, v0;
	v3 =	vsel vm5, $0x1CFB, v3  }
0x61: {  	v4 =	vsel vm5, $0x1CFC, v4;
	v5 =	vsel vm5, $0x1CFD, v5;
	v6 =	vsel vm5, $0x1CFE, v6  }
0x62: {  	v7 =	vsel vm5, $0x1CFF, v7;
	v8 =	vsel vm5, $0x3080, v8;
	v9 =	vsel vm5, $0x3CFA, v9  }
0x63: {  	v10 =	vsel vm5, $0x3CFB, v10;
	v11 =	vsel vm5, $0x3CFC, v11;
	v12 =	vsel vm5, $0x3CFD, v12  }
0x64: {  	v13 =	vsel vm5, $0x3CFE, v13;
	v14 =	vsel vm5, $0x3CFF, v14;
	v15 =	vsel vm5, $0x5080, v15  }
0x65: {  	v16 =	vsel vm5, $0x5CFA, v16;
	v17 =	vsel vm5, $0x5CFB, v17;
	v18 =	vsel vm5, $0x5CFC, v18  }
0x66: {  	v19 =	vsel vm5, $0x5CFD, v19;
	v20 =	vsel vm5, $0x5CFE, v20;
	v21 =	vsel vm5, $0x5CFF, v21  }
0x67: {  	v22 =	vsel vm5, $0x7080, v22;
	v23 =	vsel vm5, $0x7CFA, v23;
	v24 =	vsel vm5, $0x7CFB, v24  }
0x68: {  	v25 =	vsel vm5, $0x7CFC, v25;
	v26 =	vsel vm5, $0x7CFD, v26;
	v27 =	vsel vm5, $0x7CFE, v27  }
0x69: {  	v28 =	vsel vm5, $0x7CFF, v28;
	v0 =	vsel vm4, $0x1100, v0;
	v3 =	vsel vm4, $0x1D7B, v3  }
0x6a: {  	v4 =	vsel vm4, $0x1D7C, v4;
	v5 =	vsel vm4, $0x1D7D, v5;
	v6 =	vsel vm4, $0x1D7E, v6  }
0x6b: {  	v7 =	vsel vm4, $0x1D7F, v7;
	v8 =	vsel vm4, $0x3100, v8;
	v9 =	vsel vm4, $0x3D7A, v9  }
0x6c: {  	v10 =	vsel vm4, $0x3D7B, v10;
	v11 =	vsel vm4, $0x3D7C, v11;
	v12 =	vsel vm4, $0x3D7D, v12  }
0x6d: {  	v13 =	vsel vm4, $0x3D7E, v13;
	v14 =	vsel vm4, $0x3D7F, v14;
	v15 =	vsel vm4, $0x5100, v15  }
0x6e: {  	v16 =	vsel vm4, $0x5D7A, v16;
	v17 =	vsel vm4, $0x5D7B, v17;
	v18 =	vsel vm4, $0x5D7C, v18  }
0x6f: {  	v19 =	vsel vm4, $0x5D7D, v19;
	v20 =	vsel vm4, $0x5D7E, v20;
	v21 =	vsel vm4, $0x5D7F, v21  }
0x70: {  	v22 =	vsel vm4, $0x7100, v22;
	v23 =	vsel vm4, $0x7D7A, v23;
	v24 =	vsel vm4, $0x7D7B, v24  }
0x71: {  	v25 =	vsel vm4, $0x7D7C, v25;
	v26 =	vsel vm4, $0x7D7D, v26;
	v27 =	vsel vm4, $0x7D7E, v27  }
0x72: {  	v28 =	vsel vm4, $0x7D7F, v28;
	v0 =	vsel vm3, $0x1180, v0;
	v3 =	vsel vm3, $0x1DFB, v3  }
0x73: {  	v4 =	vsel vm3, $0x1DFC, v4;
	v5 =	vsel vm3, $0x1DFD, v5;
	v6 =	vsel vm3, $0x1DFE, v6  }
0x74: {  	v7 =	vsel vm3, $0x1DFF, v7;
	v8 =	vsel vm3, $0x3180, v8;
	v9 =	vsel vm3, $0x3DFA, v9  }
0x75: {  	v10 =	vsel vm3, $0x3DFB, v10;
	v11 =	vsel vm3, $0x3DFC, v11;
	v12 =	vsel vm3, $0x3DFD, v12  }
0x76: {  	v13 =	vsel vm3, $0x3DFE, v13;
	v14 =	vsel vm3, $0x3DFF, v14;
	v15 =	vsel vm3, $0x5180, v15  }
0x77: {  	v16 =	vsel vm3, $0x5DFA, v16;
	v17 =	vsel vm3, $0x5DFB, v17;
	v18 =	vsel vm3, $0x5DFC, v18  }
0x78: {  	v19 =	vsel vm3, $0x5DFD, v19;
	v20 =	vsel vm3, $0x5DFE, v20;
	v21 =	vsel vm3, $0x5DFF, v21  }
0x79: {  	v22 =	vsel vm3, $0x7180, v22;
	v23 =	vsel vm3, $0x7DFA, v23;
	v24 =	vsel vm3, $0x7DFB, v24  }
0x7a: {  	v25 =	vsel vm3, $0x7DFC, v25;
	v26 =	vsel vm3, $0x7DFD, v26;
	v27 =	vsel vm3, $0x7DFE, v27  }
0x7b: {  	v28 =	vsel vm3, $0x7DFF, v28;
	v0 =	vsel vm2, $0x1200, v0;
	v3 =	vsel vm2, $0x1E7B, v3  }
0x7c: {  	v4 =	vsel vm2, $0x1E7C, v4;
	v5 =	vsel vm2, $0x1E7D, v5;
	v6 =	vsel vm2, $0x1E7E, v6  }
0x7d: {  	v7 =	vsel vm2, $0x1E7F, v7;
	v8 =	vsel vm2, $0x3200, v8;
	v9 =	vsel vm2, $0x3E7A, v9  }
0x7e: {  	v10 =	vsel vm2, $0x3E7B, v10;
	v11 =	vsel vm2, $0x3E7C, v11;
	v12 =	vsel vm2, $0x3E7D, v12  }
0x7f: {  	v13 =	vsel vm2, $0x3E7E, v13;
	v14 =	vsel vm2, $0x3E7F, v14;
	v15 =	vsel vm2, $0x5200, v15  }
0x80: {  	v16 =	vsel vm2, $0x5E7A, v16;
	v17 =	vsel vm2, $0x5E7B, v17;
	v18 =	vsel vm2, $0x5E7C, v18  }
0x81: {  	v19 =	vsel vm2, $0x5E7D, v19;
	v20 =	vsel vm2, $0x5E7E, v20;
	v21 =	vsel vm2, $0x5E7F, v21  }
0x82: {  	v22 =	vsel vm2, $0x7200, v22;
	v23 =	vsel vm2, $0x7E7A, v23;
	v24 =	vsel vm2, $0x7E7B, v24  }
0x83: {  	v25 =	vsel vm2, $0x7E7C, v25;
	v26 =	vsel vm2, $0x7E7D, v26;
	v27 =	vsel vm2, $0x7E7E, v27  }
0x84: {  	v28 =	vsel vm2, $0x7E7F, v28;
	v2 =	vsel vm1, $0x1280, v0;
	v0 =	vmul.u32 $0x80, v1  }
0x85: {  	v3 =	vsel vm1, $0x1EFB, v3;
	v4 =	vsel vm1, $0x1EFC, v4;
	v5 =	vsel vm1, $0x1EFD, v5  }
0x86: {  	v6 =	vsel vm1, $0x1EFE, v6;
	v7 =	vsel vm1, $0x1EFF, v7;
	v8 =	vsel vm1, $0x3280, v8  }
0x87: {  	v9 =	vsel vm1, $0x3EFA, v9;
	v10 =	vsel vm1, $0x3EFB, v10;
	v11 =	vsel vm1, $0x3EFC, v11  }
0x88: {  	v12 =	vsel vm1, $0x3EFD, v12;
	v13 =	vsel vm1, $0x3EFE, v13;
	v14 =	vsel vm1, $0x3EFF, v14  }
0x89: {  	s4 =	rddreg [dreg:$0x0];
	v15 =	vsel vm1, $0x5280, v15;
	v16 =	vsel vm1, $0x5EFA, v16;
	v17 =	vsel vm1, $0x5EFB, v17  }
0x8a: {  	s6 =	rddreg [dreg:$0x1];
	v18 =	vsel vm1, $0x5EFC, v18;
	v19 =	vsel vm1, $0x5EFD, v19;
	v20 =	vsel vm1, $0x5EFE, v20  }
0x8b: {  	s0 =	rddreg [dreg:$0x2];
	v21 =	vsel vm1, $0x5EFF, v21;
	v22 =	vsel vm1, $0x7280, v22;
	v23 =	vsel vm1, $0x7EFA, v23  }
0x8c: {  	s1 =	rddreg [dreg:$0x3];
	v24 =	vsel vm1, $0x7EFB, v24;
	v1 =	vsel vm0, $0x1300, v2;
	v2 =	vimm.s32 $0x1FFA  }
0x8d: {  	s2 =	rddreg [dreg:$0x4];
	v25 =	vsel vm1, $0x7EFC, v25;
	v26 =	vsel vm1, $0x7EFD, v26;
	v2 =	vsel vm14, $0xC7A, v2  }
0x8e: {  	s3 =	rddreg [dreg:$0x5];
	v27 =	vsel vm1, $0x7EFE, v27;
	v28 =	vsel vm1, $0x7EFF, v28;
	v2 =	vsel vm13, $0xCFA, v2  }
0x8f: {  	s7 =	rddreg [dreg:$0x6];
	v3 =	vsel vm0, $0x1F7B, v3;
	v4 =	vsel vm0, $0x1F7C, v4;
	v2 =	vsel vm12, $0xD7A, v2  }
0x90: {  	s5 =	simm.s32 $0x0;
	s8 =	srdreg.scid;
	s9 =	stileid.u32;
	v5 =	vsel vm0, $0x1F7D, v5;
	v6 =	vsel vm0, $0x1F7E, v6;
	v2 =	vsel vm11, $0xDFA, v2  }
0x91: {  	s12 =	simm.s32 $0x400;
	s13 =	simm.s32 $0x7;
	s14 =	simm.s32 $0x7A1400;
	v7 =	vsel vm0, $0x1F7F, v7;
	v8 =	vsel vm0, $0x3300, v8;
	v2 =	vsel vm10, $0xE7A, v2  }
0x92: {  	s15 =	simm.s32 $0x8500;
	s16 =	simm.s32 $0x8D00;
	s17 =	simm.s32 $0x9500;
	v9 =	vsel vm0, $0x3F7A, v9;
	v10 =	vsel vm0, $0x3F7B, v10;
	v2 =	vsel vm9, $0xEFA, v2  }
0x93: {  	s18 =	simm.s32 $0x9D00;
	s19 =	simm.s32 $0xA500;
	s20 =	simm.s32 $0xAD00;
	v11 =	vsel vm0, $0x3F7C, v11;
	v12 =	vsel vm0, $0x3F7D, v12;
	v2 =	vsel vm8, $0xF7A, v2  }
0x94: {  	s21 =	simm.s32 $0x1;
	s22 =	simm.s32 $0x500;
	s23 =	simm.s32 $0x2;
	v13 =	vsel vm0, $0x3F7E, v13;
	v14 =	vsel vm0, $0x3F7F, v14;
	v2 =	vsel vm7, $0xFFA, v2  }
0x95: {  	s24 =	simm.s32 $0x3;
	s25 =	simm.s32 $0x4;
	s28 =	simm.s32 $0x6;
	v15 =	vsel vm0, $0x5300, v15;
	v16 =	vsel vm0, $0x5F7A, v16;
	v2 =	vsel vm6, $0x1C7A, v2  }
0x96: {  	s30 =	simm.s32 $0x20000;
	s31 =	simm.s32 $0x0;
	s8 =	sand.u32 $0x1, s8;
	v17 =	vsel vm0, $0x5F7B, v17;
	v18 =	vsel vm0, $0x5F7C, v18;
	v2 =	vsel vm5, $0x1CFA, v2  }
0x97: {  	[smem:$0x7FF] =	sst s5;
	s9 =	sshll.u32 s9, $0xA;
	s10 =	sshll.u32 s8, $0x9;
	v19 =	vsel vm0, $0x5F7D, v19;
	v20 =	vsel vm0, $0x5F7E, v20;
	v2 =	vsel vm4, $0x1D7A, v2  }
0x98: {  	s8 =	ssub.s32 $0x2, s8;
	_ =	strace $0x80000047;
	s9 =	sor.u32 s10, s9;
	v21 =	vsel vm0, $0x5F7F, v21;
	v22 =	vsel vm0, $0x7300, v22;
	v2 =	vsel vm3, $0x1DFA, v2  }
0x99: {  	s26 =	sshrl.u32 s8, $0x1;
	s11 =	sadd.s32 s9, s7;
	s29 =	sshrl.u32 s9, $0x3;
	v23 =	vsel vm0, $0x7F7A, v23;
	v24 =	vsel vm0, $0x7F7B, v24;
	v2 =	vsel vm2, $0x1E7A, v2  }
0x9a: {  	s10 =	ssub.s32 s8, s26;
	s26 =	simm.s32 $0x5;
	s7 =	sadd.s32 s4, s29;
	v25 =	vsel vm0, $0x7F7C, v25;
	v26 =	vsel vm0, $0x7F7D, v26;
	v2 =	vsel vm1, $0x1EFA, v2  }
0x9b: {  	s8 =	sadd.s32 s6, s29;
	s9 =	sadd.s32 $0x1000, s11;
	s10 =	smax.u32 s10, $0x1;
	v27 =	vsel vm0, $0x7F7E, v27;
	v28 =	vsel vm0, $0x7F7F, v28;
	v2 =	vsel vm0, $0x1F7A, v2  }
.LBB2_1:
0x9c: {  	[tilespmem:s5], [sflag:$0x7] =	stream.linear.gather [hbm4b:s7+s5], $0x200, $0x38;
	[tilespmem:$0xB500] =	vst v63  }
0x9d: {  	_ =	swait.ge [sflag:s13], $0x200  }
0x9e: {  	[sflag:s13] =	ssyncset.done $0x0  }
0x9f: {  	s4 =	simm.s32 $0x280;
	[sflag:s13] =	ssyncadd.s32 $0xFFFFFE00  }
0xa0: {  	[tilespmem:s4], [sflag:$0x7] =	stream.linear.gather [hbm4b:s8+s5], $0x200, $0x38;
	[tilespmem:$0xB500] =	vst v63  }
0xa1: {  	_ =	swait.ge [sflag:s13], $0x200  }
0xa2: {  	[sflag:s13] =	ssyncset.done $0x0  }
0xa3: {  	[sflag:s13] =	ssyncadd.s32 $0xFFFFFE00  }
0xa4: {  	v29 =	vld [tilespmem:$0x0];
	_ =	sdelay $0x4  }
0xa5: {  	(v2sf) =	vpush v29, $0x0;
	_ =	sdelay $0xe  }
0xa6: {  	s6 =	spop (v2sf)  }
0xa7: {  	s4 =	sand.u32 $0xFFFFF80, s6  }
0xa8: {  	s4 =	sadd.s32 s0, s4  }
0xa9: {  	[tilespmem:s15], [sflag:$0x1] =	stream.strided.gather [hbm4b:s4+s12], $0x800, s14, s12, $0x38;
	[tilespmem:$0xB500] =	vst v63  }
0xaa: {  	v29 =	vld [tilespmem:$0x1];
	_ =	sdelay $0x4  }
0xab: {  	(v2sf) =	vpush v29, $0x0;
	_ =	sdelay $0xe  }
0xac: {  	s11 =	spop (v2sf)  }
0xad: {  	s4 =	sand.u32 $0xFFFFF80, s11  }
0xae: {  	s4 =	sadd.s32 s0, s4  }
0xaf: {  	[tilespmem:s16], [sflag:$0x2] =	stream.strided.gather [hbm4b:s4+s12], $0x800, s14, s12, $0x38;
	[tilespmem:$0xB500] =	vst v63  }
0xb0: {  	v29 =	vld [tilespmem:$0x2];
	_ =	sdelay $0x4  }
0xb1: {  	(v2sf) =	vpush v29, $0x0;
	_ =	sdelay $0xe  }
0xb2: {  	s29 =	spop (v2sf)  }
0xb3: {  	s4 =	sand.u32 $0xFFFFF80, s29  }
0xb4: {  	s4 =	sadd.s32 s0, s4  }
0xb5: {  	[tilespmem:s17], [sflag:$0x3] =	stream.strided.gather [hbm4b:s4+s12], $0x800, s14, s12, $0x38;
	[tilespmem:$0xB500] =	vst v63  }
0xb6: {  	v29 =	vld [tilespmem:$0x3];
	_ =	sdelay $0x4  }
0xb7: {  	(v2sf) =	vpush v29, $0x0;
	_ =	sdelay $0xe  }
0xb8: {  	s6 =	spop (v2sf)  }
0xb9: {  	s4 =	sand.u32 $0xFFFFF80, s6  }
0xba: {  	s4 =	sadd.s32 s0, s4  }
0xbb: {  	[tilespmem:s18], [sflag:$0x4] =	stream.strided.gather [hbm4b:s4+s12], $0x800, s14, s12, $0x38;
	[tilespmem:$0xB500] =	vst v63  }
0xbc: {  	v29 =	vld [tilespmem:$0x4];
	_ =	sdelay $0x4  }
0xbd: {  	(v2sf) =	vpush v29, $0x0;
	_ =	sdelay $0xe  }
0xbe: {  	s11 =	spop (v2sf)  }
0xbf: {  	s4 =	sand.u32 $0xFFFFF80, s11  }
0xc0: {  	s4 =	sadd.s32 s0, s4  }
0xc1: {  	[tilespmem:s19], [sflag:$0x5] =	stream.strided.gather [hbm4b:s4+s12], $0x800, s14, s12, $0x38;
	[tilespmem:$0xB500] =	vst v63  }
0xc2: {  	v29 =	vld [tilespmem:$0x5];
	_ =	sdelay $0x4  }
0xc3: {  	(v2sf) =	vpush v29, $0x0;
	_ =	sdelay $0xe  }
0xc4: {  	s29 =	spop (v2sf)  }
0xc5: {  	s4 =	sand.u32 $0xFFFFF80, s29  }
0xc6: {  	s4 =	sadd.s32 s0, s4  }
0xc7: {  	[tilespmem:s20], [sflag:$0x6] =	stream.strided.gather [hbm4b:s4+s12], $0x800, s14, s12, $0x38;
	[tilespmem:$0xB500] =	vst v63  }
0xc8: {  	s6 =	simm.s32 $0x5;
	s4 =	simm.s32 $0x6  }
.LBB2_2:
0xc9: {  	_ =	swait.ge [sflag:s21], $0x800  }
0xca: {  	[sflag:s21] =	ssyncset.done $0x0  }
0xcb: {  	[sflag:s21] =	ssyncadd.s32 $0xFFFFF800  }
0xcc: {  	v29 =	vld [tilespmem:s4+$0xFFFFFFFA];
	_ =	sdelay $0x4  }
0xcd: {  	(v2sf) =	vpush v29, $0x0;
	_ =	sdelay $0xe  }
0xce: {  	s11 =	spop (v2sf)  }
0xcf: {  	s11 =	sand.u32 $0x7F, s11  }
0xd0: {  	s29 =	sadd.s32 $0xFFFFFFFB, s6;
	v29 =	vor.u32 s11, v0  }
0xd1: {  	v30 =	vmov s29  }
0xd2: {  	v31 =	vshll.u32 v30, $0x3  }
0xd3: {  	v30 =	vand.u32 $0x7E, v30;
	v31 =	vand.u32 $0x1C00, v31  }
0xd4: {  	v30 =	vor.u32 v30, v31  }
0xd5: {  	v30 =	vadd.s32 v1, v30;
	v29 =	vld.idx.msk [tilespmem:v29+s15+$0x0], $0xffff;
	_ =	sdelay $0x4  }
0xd6: {  	[tilespmem:v30+s22+$0x0] =	vst.idx.msk $0xffff, v29  }
0xd7: {  	v29 =	vld [tilespmem:s4+$0x0];
	_ =	sdelay $0x4  }
0xd8: {  	(v2sf) =	vpush v29, $0x0;
	_ =	sdelay $0xe  }
0xd9: {  	s29 =	spop (v2sf)  }
0xda: {  	s11 =	sand.u32 $0xFFFFF80, s29  }
0xdb: {  	s11 =	sadd.s32 s0, s11  }
0xdc: {  	[tilespmem:s15], [sflag:$0x1] =	stream.strided.gather [hbm4b:s11+s12], $0x800, s14, s12, $0x38;
	[tilespmem:$0xB500] =	vst v63  }
0xdd: {  	_ =	swait.ge [sflag:s23], $0x800  }
0xde: {  	[sflag:s23] =	ssyncset.done $0x0  }
0xdf: {  	[sflag:s23] =	ssyncadd.s32 $0xFFFFF800  }
0xe0: {  	v29 =	vld [tilespmem:s4+$0xFFFFFFFB];
	_ =	sdelay $0x4  }
0xe1: {  	(v2sf) =	vpush v29, $0x0;
	_ =	sdelay $0xe  }
0xe2: {  	s29 =	spop (v2sf)  }
0xe3: {  	s11 =	sand.u32 $0x7F, s29  }
0xe4: {  	s29 =	sadd.s32 $0xFFFFFFFC, s6;
	v29 =	vor.u32 s11, v0  }
0xe5: {  	v30 =	vmov s29  }
0xe6: {  	v31 =	vshll.u32 v30, $0x3  }
0xe7: {  	v30 =	vand.u32 $0x7F, v30;
	v31 =	vand.u32 $0x1C00, v31  }
0xe8: {  	v30 =	vor.u32 v30, v31  }
0xe9: {  	v30 =	vadd.s32 v1, v30;
	v29 =	vld.idx.msk [tilespmem:v29+s16+$0x0], $0xffff;
	_ =	sdelay $0x4  }
0xea: {  	[tilespmem:v30+s22+$0x0] =	vst.idx.msk $0xffff, v29  }
0xeb: {  	v29 =	vld [tilespmem:s4+$0x1];
	_ =	sdelay $0x4  }
0xec: {  	(v2sf) =	vpush v29, $0x0;
	_ =	sdelay $0xe  }
0xed: {  	s29 =	spop (v2sf)  }
0xee: {  	s11 =	sand.u32 $0xFFFFF80, s29  }
0xef: {  	s11 =	sadd.s32 s0, s11  }
0xf0: {  	[tilespmem:s16], [sflag:$0x2] =	stream.strided.gather [hbm4b:s11+s12], $0x800, s14, s12, $0x38;
	[tilespmem:$0xB500] =	vst v63  }
0xf1: {  	_ =	swait.ge [sflag:s24], $0x800  }
0xf2: {  	[sflag:s24] =	ssyncset.done $0x0  }
0xf3: {  	[sflag:s24] =	ssyncadd.s32 $0xFFFFF800  }
0xf4: {  	v29 =	vld [tilespmem:s4+$0xFFFFFFFC];
	_ =	sdelay $0x4  }
0xf5: {  	(v2sf) =	vpush v29, $0x0;
	_ =	sdelay $0xe  }
0xf6: {  	s29 =	spop (v2sf)  }
0xf7: {  	s11 =	sand.u32 $0x7F, s29  }
0xf8: {  	s29 =	sadd.s32 $0xFFFFFFFD, s6;
	v29 =	vor.u32 s11, v0  }
0xf9: {  	v30 =	vmov s29  }
0xfa: {  	v31 =	vshll.u32 v30, $0x3  }
0xfb: {  	v30 =	vand.u32 $0x7E, v30;
	v31 =	vand.u32 $0x3C00, v31  }
0xfc: {  	v30 =	vor.u32 v30, v31  }
0xfd: {  	v30 =	vadd.s32 v1, v30;
	v29 =	vld.idx.msk [tilespmem:v29+s17+$0x0], $0xffff;
	_ =	sdelay $0x4  }
0xfe: {  	[tilespmem:v30+s22+$0x0] =	vst.idx.msk $0xffff, v29  }
0xff: {  	v29 =	vld [tilespmem:s4+$0x2];
	_ =	sdelay $0x4  }
0x100: {  	(v2sf) =	vpush v29, $0x0;
	_ =	sdelay $0xe  }
0x101: {  	s29 =	spop (v2sf)  }
0x102: {  	s11 =	sand.u32 $0xFFFFF80, s29  }
0x103: {  	s11 =	sadd.s32 s0, s11  }
0x104: {  	[tilespmem:s17], [sflag:$0x3] =	stream.strided.gather [hbm4b:s11+s12], $0x800, s14, s12, $0x38;
	[tilespmem:$0xB500] =	vst v63  }
0x105: {  	_ =	swait.ge [sflag:s25], $0x800  }
0x106: {  	[sflag:s25] =	ssyncset.done $0x0  }
0x107: {  	[sflag:s25] =	ssyncadd.s32 $0xFFFFF800  }
0x108: {  	v29 =	vld [tilespmem:s4+$0xFFFFFFFD];
	_ =	sdelay $0x4  }
0x109: {  	(v2sf) =	vpush v29, $0x0;
	_ =	sdelay $0xe  }
0x10a: {  	s29 =	spop (v2sf)  }
0x10b: {  	s11 =	sand.u32 $0x7F, s29  }
0x10c: {  	s29 =	sadd.s32 $0xFFFFFFFE, s6;
	v29 =	vor.u32 s11, v0  }
0x10d: {  	v30 =	vmov s29  }
0x10e: {  	v31 =	vshll.u32 v30, $0x3  }
0x10f: {  	v30 =	vand.u32 $0x7F, v30;
	v31 =	vand.u32 $0x3C00, v31  }
0x110: {  	v30 =	vor.u32 v30, v31  }
0x111: {  	v30 =	vadd.s32 v1, v30;
	v29 =	vld.idx.msk [tilespmem:v29+s18+$0x0], $0xffff;
	_ =	sdelay $0x4  }
0x112: {  	[tilespmem:v30+s22+$0x0] =	vst.idx.msk $0xffff, v29  }
0x113: {  	v29 =	vld [tilespmem:s4+$0x3];
	_ =	sdelay $0x4  }
0x114: {  	(v2sf) =	vpush v29, $0x0;
	_ =	sdelay $0xe  }
0x115: {  	s29 =	spop (v2sf)  }
0x116: {  	s11 =	sand.u32 $0xFFFFF80, s29  }
0x117: {  	s11 =	sadd.s32 s0, s11  }
0x118: {  	[tilespmem:s18], [sflag:$0x4] =	stream.strided.gather [hbm4b:s11+s12], $0x800, s14, s12, $0x38;
	[tilespmem:$0xB500] =	vst v63  }
0x119: {  	_ =	swait.ge [sflag:s26], $0x800  }
0x11a: {  	[sflag:s26] =	ssyncset.done $0x0  }
0x11b: {  	[sflag:s26] =	ssyncadd.s32 $0xFFFFF800  }
0x11c: {  	v29 =	vld [tilespmem:s4+$0xFFFFFFFE];
	_ =	sdelay $0x4  }
0x11d: {  	(v2sf) =	vpush v29, $0x0;
	_ =	sdelay $0xe  }
0x11e: {  	s29 =	spop (v2sf)  }
0x11f: {  	s11 =	sand.u32 $0x7F, s29  }
0x120: {  	s29 =	sadd.s32 $0xFFFFFFFF, s6;
	v29 =	vor.u32 s11, v0  }
0x121: {  	v30 =	vmov s29  }
0x122: {  	v31 =	vshll.u32 v30, $0x3  }
0x123: {  	v30 =	vand.u32 $0x7E, v30;
	v31 =	vand.u32 $0x3C00, v31  }
0x124: {  	v30 =	vor.u32 v30, v31  }
0x125: {  	v30 =	vadd.s32 v1, v30;
	v29 =	vld.idx.msk [tilespmem:v29+s19+$0x0], $0xffff;
	_ =	sdelay $0x4  }
0x126: {  	[tilespmem:v30+s22+$0x0] =	vst.idx.msk $0xffff, v29  }
0x127: {  	v29 =	vld [tilespmem:s4+$0x4];
	_ =	sdelay $0x4  }
0x128: {  	(v2sf) =	vpush v29, $0x0;
	_ =	sdelay $0xe  }
0x129: {  	s29 =	spop (v2sf)  }
0x12a: {  	s11 =	sand.u32 $0xFFFFF80, s29  }
0x12b: {  	s11 =	sadd.s32 s0, s11  }
0x12c: {  	[tilespmem:s19], [sflag:$0x5] =	stream.strided.gather [hbm4b:s11+s12], $0x800, s14, s12, $0x38;
	[tilespmem:$0xB500] =	vst v63  }
0x12d: {  	_ =	swait.ge [sflag:s28], $0x800  }
0x12e: {  	[sflag:s28] =	ssyncset.done $0x0  }
0x12f: {  	[sflag:s28] =	ssyncadd.s32 $0xFFFFF800  }
0x130: {  	v29 =	vld [tilespmem:s4+$0xFFFFFFFF];
	_ =	sdelay $0x4  }
0x131: {  	(v2sf) =	vpush v29, $0x0;
	_ =	sdelay $0xe  }
0x132: {  	s29 =	spop (v2sf)  }
0x133: {  	s11 =	sand.u32 $0x7F, s29  }
0x134: {  	v29 =	vor.u32 s11, v0  }
0x135: {  	v30 =	vmov s6  }
0x136: {  	v31 =	vshll.u32 v30, $0x3  }
0x137: {  	v30 =	vand.u32 $0x7F, v30;
	v31 =	vand.u32 $0x3C00, v31  }
0x138: {  	v30 =	vor.u32 v30, v31  }
0x139: {  	v30 =	vadd.s32 v1, v30;
	v29 =	vld.idx.msk [tilespmem:v29+s20+$0x0], $0xffff;
	_ =	sdelay $0x4  }
0x13a: {  	[tilespmem:v30+s22+$0x0] =	vst.idx.msk $0xffff, v29  }
0x13b: {  	v29 =	vld [tilespmem:s4+$0x5];
	_ =	sdelay $0x4  }
0x13c: {  	(v2sf) =	vpush v29, $0x0;
	_ =	sdelay $0xc  }
0x13d: {  	p0 =	sne.s32 s6, $0x1F7  }
.Ltmp0:
0x13e: {  	_ = 	snop;
	(pc) =	sbr.rel @p0 .LBB2_2-.Ltmp0, $4  }
0x13f: {  	s29 =	spop (v2sf)  }
0x140: {  	s11 =	sand.u32 $0xFFFFF80, s29  }
0x141: {  	s6 =	sadd.s32 $0x6, s6;
	s4 =	sadd.s32 $0x6, s4;
	s11 =	sadd.s32 s0, s11  }
0x142: {  	[tilespmem:s20], [sflag:$0x6] =	stream.strided.gather [hbm4b:s11+s12], $0x800, s14, s12, $0x38;
	[tilespmem:$0xB500] =	vst v63  }
0x143: {  	_ =	swait.ge [sflag:s21], $0x800  }
0x144: {  	[sflag:s21] =	ssyncset.done $0x0  }
0x145: {  	[sflag:s21] =	ssyncadd.s32 $0xFFFFF800  }
0x146: {  	v29 =	vld [tilespmem:$0x1FA];
	_ =	sdelay $0x4  }
0x147: {  	(v2sf) =	vpush v29, $0x0;
	_ =	sdelay $0xe  }
0x148: {  	s4 =	spop (v2sf)  }
0x149: {  	s4 =	sand.u32 $0x7F, s4  }
0x14a: {  	v29 =	vor.u32 s4, v0;
	_ =	sdelay $0x4  }
0x14b: {  	v29 =	vld.idx.msk [tilespmem:v29+s15+$0x0], $0xffff;
	_ =	sdelay $0x4  }
0x14c: {  	[tilespmem:v2+s22+$0x0] =	vst.idx.msk $0xffff, v29  }
0x14d: {  	v29 =	vld [tilespmem:$0x280];
	_ =	sdelay $0x4  }
0x14e: {  	(v2sf) =	vpush v29, $0x0;
	_ =	sdelay $0xe  }
0x14f: {  	s11 =	spop (v2sf)  }
0x150: {  	s4 =	sand.u32 $0xFFFFF80, s11  }
0x151: {  	s4 =	sadd.s32 s1, s4  }
0x152: {  	[tilespmem:s15], [sflag:$0x1] =	stream.strided.gather [hbm4b:s4+s12], $0x800, s14, s12, $0x38;
	[tilespmem:$0xB500] =	vst v63  }
0x153: {  	_ =	swait.ge [sflag:s23], $0x800  }
0x154: {  	[sflag:s23] =	ssyncset.done $0x0  }
0x155: {  	[sflag:s23] =	ssyncadd.s32 $0xFFFFF800  }
0x156: {  	v29 =	vld [tilespmem:$0x1FB];
	_ =	sdelay $0x4  }
0x157: {  	(v2sf) =	vpush v29, $0x0;
	_ =	sdelay $0xe  }
0x158: {  	s29 =	spop (v2sf)  }
0x159: {  	s4 =	sand.u32 $0x7F, s29  }
0x15a: {  	v29 =	vor.u32 s4, v0;
	_ =	sdelay $0x4  }
0x15b: {  	v29 =	vld.idx.msk [tilespmem:v29+s16+$0x0], $0xffff;
	_ =	sdelay $0x4  }
0x15c: {  	[tilespmem:v3+s22+$0x0] =	vst.idx.msk $0xffff, v29  }
0x15d: {  	v29 =	vld [tilespmem:$0x281];
	_ =	sdelay $0x4  }
0x15e: {  	(v2sf) =	vpush v29, $0x0;
	_ =	sdelay $0xe  }
0x15f: {  	s6 =	spop (v2sf)  }
0x160: {  	s4 =	sand.u32 $0xFFFFF80, s6  }
0x161: {  	s4 =	sadd.s32 s1, s4  }
0x162: {  	[tilespmem:s16], [sflag:$0x2] =	stream.strided.gather [hbm4b:s4+s12], $0x800, s14, s12, $0x38;
	[tilespmem:$0xB500] =	vst v63  }
0x163: {  	_ =	swait.ge [sflag:s24], $0x800  }
0x164: {  	[sflag:s24] =	ssyncset.done $0x0  }
0x165: {  	[sflag:s24] =	ssyncadd.s32 $0xFFFFF800  }
0x166: {  	v29 =	vld [tilespmem:$0x1FC];
	_ =	sdelay $0x4  }
0x167: {  	(v2sf) =	vpush v29, $0x0;
	_ =	sdelay $0xe  }
0x168: {  	s11 =	spop (v2sf)  }
0x169: {  	s4 =	sand.u32 $0x7F, s11  }
0x16a: {  	v29 =	vor.u32 s4, v0;
	_ =	sdelay $0x4  }
0x16b: {  	v29 =	vld.idx.msk [tilespmem:v29+s17+$0x0], $0xffff;
	_ =	sdelay $0x4  }
0x16c: {  	[tilespmem:v4+s22+$0x0] =	vst.idx.msk $0xffff, v29  }
0x16d: {  	v29 =	vld [tilespmem:$0x282];
	_ =	sdelay $0x4  }
0x16e: {  	(v2sf) =	vpush v29, $0x0;
	_ =	sdelay $0xe  }
0x16f: {  	s29 =	spop (v2sf)  }
0x170: {  	s4 =	sand.u32 $0xFFFFF80, s29  }
0x171: {  	s4 =	sadd.s32 s1, s4  }
0x172: {  	[tilespmem:s17], [sflag:$0x3] =	stream.strided.gather [hbm4b:s4+s12], $0x800, s14, s12, $0x38;
	[tilespmem:$0xB500] =	vst v63  }
0x173: {  	_ =	swait.ge [sflag:s25], $0x800  }
0x174: {  	[sflag:s25] =	ssyncset.done $0x0  }
0x175: {  	[sflag:s25] =	ssyncadd.s32 $0xFFFFF800  }
0x176: {  	v29 =	vld [tilespmem:$0x1FD];
	_ =	sdelay $0x4  }
0x177: {  	(v2sf) =	vpush v29, $0x0;
	_ =	sdelay $0xe  }
0x178: {  	s6 =	spop (v2sf)  }
0x179: {  	s4 =	sand.u32 $0x7F, s6  }
0x17a: {  	v29 =	vor.u32 s4, v0;
	_ =	sdelay $0x4  }
0x17b: {  	v29 =	vld.idx.msk [tilespmem:v29+s18+$0x0], $0xffff;
	_ =	sdelay $0x4  }
0x17c: {  	[tilespmem:v5+s22+$0x0] =	vst.idx.msk $0xffff, v29  }
0x17d: {  	v29 =	vld [tilespmem:$0x283];
	_ =	sdelay $0x4  }
0x17e: {  	(v2sf) =	vpush v29, $0x0;
	_ =	sdelay $0xe  }
0x17f: {  	s11 =	spop (v2sf)  }
0x180: {  	s4 =	sand.u32 $0xFFFFF80, s11  }
0x181: {  	s4 =	sadd.s32 s1, s4  }
0x182: {  	[tilespmem:s18], [sflag:$0x4] =	stream.strided.gather [hbm4b:s4+s12], $0x800, s14, s12, $0x38;
	[tilespmem:$0xB500] =	vst v63  }
0x183: {  	s4 =	simm.s32 $0x5  }
0x184: {  	_ =	swait.ge [sflag:s4], $0x800  }
0x185: {  	[sflag:s4] =	ssyncset.done $0x0  }
0x186: {  	[sflag:s4] =	ssyncadd.s32 $0xFFFFF800  }
0x187: {  	v29 =	vld [tilespmem:$0x1FE];
	_ =	sdelay $0x4  }
0x188: {  	(v2sf) =	vpush v29, $0x0;
	_ =	sdelay $0xe  }
0x189: {  	s6 =	spop (v2sf)  }
0x18a: {  	s6 =	sand.u32 $0x7F, s6  }
0x18b: {  	v29 =	vor.u32 s6, v0;
	_ =	sdelay $0x4  }
0x18c: {  	v29 =	vld.idx.msk [tilespmem:v29+s19+$0x0], $0xffff;
	_ =	sdelay $0x4  }
0x18d: {  	[tilespmem:v6+s22+$0x0] =	vst.idx.msk $0xffff, v29  }
0x18e: {  	v29 =	vld [tilespmem:$0x284];
	_ =	sdelay $0x4  }
0x18f: {  	(v2sf) =	vpush v29, $0x0;
	_ =	sdelay $0xe  }
0x190: {  	s29 =	spop (v2sf)  }
0x191: {  	s6 =	sand.u32 $0xFFFFF80, s29  }
0x192: {  	s6 =	sadd.s32 s1, s6  }
0x193: {  	[tilespmem:s19], [sflag:$0x5] =	stream.strided.gather [hbm4b:s6+s12], $0x800, s14, s12, $0x38;
	[tilespmem:$0xB500] =	vst v63  }
0x194: {  	_ =	swait.ge [sflag:s28], $0x800  }
0x195: {  	[sflag:s28] =	ssyncset.done $0x0  }
0x196: {  	[sflag:s28] =	ssyncadd.s32 $0xFFFFF800  }
0x197: {  	v29 =	vld [tilespmem:$0x1FF];
	_ =	sdelay $0x4  }
0x198: {  	(v2sf) =	vpush v29, $0x0;
	_ =	sdelay $0xe  }
0x199: {  	s11 =	spop (v2sf)  }
0x19a: {  	s6 =	sand.u32 $0x7F, s11  }
0x19b: {  	v29 =	vor.u32 s6, v0;
	_ =	sdelay $0x4  }
0x19c: {  	v29 =	vld.idx.msk [tilespmem:v29+s20+$0x0], $0xffff;
	_ =	sdelay $0x4  }
0x19d: {  	[tilespmem:v7+s22+$0x0] =	vst.idx.msk $0xffff, v29  }
0x19e: {  	v29 =	vld [tilespmem:$0x285];
	_ =	sdelay $0x4  }
0x19f: {  	(v2sf) =	vpush v29, $0x0;
	_ =	sdelay $0xe  }
0x1a0: {  	s29 =	spop (v2sf)  }
0x1a1: {  	s6 =	sand.u32 $0xFFFFF80, s29  }
0x1a2: {  	s6 =	sadd.s32 s1, s6  }
0x1a3: {  	[tilespmem:s20], [sflag:$0x6] =	stream.strided.gather [hbm4b:s6+s12], $0x800, s14, s12, $0x38;
	[tilespmem:$0xB500] =	vst v63  }
0x1a4: {  	s6 =	simm.s32 $0x286  }
.LBB2_4:
0x1a5: {  	_ =	swait.ge [sflag:s21], $0x800  }
0x1a6: {  	[sflag:s21] =	ssyncset.done $0x0  }
0x1a7: {  	[sflag:s21] =	ssyncadd.s32 $0xFFFFF800  }
0x1a8: {  	v29 =	vld [tilespmem:s6+$0xFFFFFFFA];
	_ =	sdelay $0x4  }
0x1a9: {  	(v2sf) =	vpush v29, $0x0;
	_ =	sdelay $0xe  }
0x1aa: {  	s11 =	spop (v2sf)  }
0x1ab: {  	s11 =	sand.u32 $0x7F, s11  }
0x1ac: {  	s29 =	sadd.s32 $0xFFFFFFFB, s4;
	v29 =	vor.u32 s11, v0  }
0x1ad: {  	v30 =	vmov s29  }
0x1ae: {  	v31 =	vshll.u32 v30, $0x3  }
0x1af: {  	v30 =	vand.u32 $0x7E, v30;
	v31 =	vand.u32 $0x1C00, v31  }
0x1b0: {  	v30 =	vor.u32 v30, v31  }
0x1b1: {  	v30 =	vadd.s32 v8, v30;
	v29 =	vld.idx.msk [tilespmem:v29+s15+$0x0], $0xffff;
	_ =	sdelay $0x4  }
0x1b2: {  	[tilespmem:v30+s22+$0x0] =	vst.idx.msk $0xffff, v29  }
0x1b3: {  	v29 =	vld [tilespmem:s6+$0x0];
	_ =	sdelay $0x4  }
0x1b4: {  	(v2sf) =	vpush v29, $0x0;
	_ =	sdelay $0xe  }
0x1b5: {  	s29 =	spop (v2sf)  }
0x1b6: {  	s11 =	sand.u32 $0xFFFFF80, s29  }
0x1b7: {  	s11 =	sadd.s32 s1, s11  }
0x1b8: {  	[tilespmem:s15], [sflag:$0x1] =	stream.strided.gather [hbm4b:s11+s12], $0x800, s14, s12, $0x38;
	[tilespmem:$0xB500] =	vst v63  }
0x1b9: {  	_ =	swait.ge [sflag:s23], $0x800  }
0x1ba: {  	[sflag:s23] =	ssyncset.done $0x0  }
0x1bb: {  	[sflag:s23] =	ssyncadd.s32 $0xFFFFF800  }
0x1bc: {  	v29 =	vld [tilespmem:s6+$0xFFFFFFFB];
	_ =	sdelay $0x4  }
0x1bd: {  	(v2sf) =	vpush v29, $0x0;
	_ =	sdelay $0xe  }
0x1be: {  	s29 =	spop (v2sf)  }
0x1bf: {  	s11 =	sand.u32 $0x7F, s29  }
0x1c0: {  	s29 =	sadd.s32 $0xFFFFFFFC, s4;
	v29 =	vor.u32 s11, v0  }
0x1c1: {  	v30 =	vmov s29  }
0x1c2: {  	v31 =	vshll.u32 v30, $0x3  }
0x1c3: {  	v30 =	vand.u32 $0x7F, v30;
	v31 =	vand.u32 $0x1C00, v31  }
0x1c4: {  	v30 =	vor.u32 v30, v31  }
0x1c5: {  	v30 =	vadd.s32 v8, v30;
	v29 =	vld.idx.msk [tilespmem:v29+s16+$0x0], $0xffff;
	_ =	sdelay $0x4  }
0x1c6: {  	[tilespmem:v30+s22+$0x0] =	vst.idx.msk $0xffff, v29  }
0x1c7: {  	v29 =	vld [tilespmem:s6+$0x1];
	_ =	sdelay $0x4  }
0x1c8: {  	(v2sf) =	vpush v29, $0x0;
	_ =	sdelay $0xe  }
0x1c9: {  	s29 =	spop (v2sf)  }
0x1ca: {  	s11 =	sand.u32 $0xFFFFF80, s29  }
0x1cb: {  	s11 =	sadd.s32 s1, s11  }
0x1cc: {  	[tilespmem:s16], [sflag:$0x2] =	stream.strided.gather [hbm4b:s11+s12], $0x800, s14, s12, $0x38;
	[tilespmem:$0xB500] =	vst v63  }
0x1cd: {  	_ =	swait.ge [sflag:s24], $0x800  }
0x1ce: {  	[sflag:s24] =	ssyncset.done $0x0  }
0x1cf: {  	[sflag:s24] =	ssyncadd.s32 $0xFFFFF800  }
0x1d0: {  	v29 =	vld [tilespmem:s6+$0xFFFFFFFC];
	_ =	sdelay $0x4  }
0x1d1: {  	(v2sf) =	vpush v29, $0x0;
	_ =	sdelay $0xe  }
0x1d2: {  	s29 =	spop (v2sf)  }
0x1d3: {  	s11 =	sand.u32 $0x7F, s29  }
0x1d4: {  	s29 =	sadd.s32 $0xFFFFFFFD, s4;
	v29 =	vor.u32 s11, v0  }
0x1d5: {  	v30 =	vmov s29  }
0x1d6: {  	v31 =	vshll.u32 v30, $0x3  }
0x1d7: {  	v30 =	vand.u32 $0x7E, v30;
	v31 =	vand.u32 $0x3C00, v31  }
0x1d8: {  	v30 =	vor.u32 v30, v31  }
0x1d9: {  	v30 =	vadd.s32 v8, v30;
	v29 =	vld.idx.msk [tilespmem:v29+s17+$0x0], $0xffff;
	_ =	sdelay $0x4  }
0x1da: {  	[tilespmem:v30+s22+$0x0] =	vst.idx.msk $0xffff, v29  }
0x1db: {  	v29 =	vld [tilespmem:s6+$0x2];
	_ =	sdelay $0x4  }
0x1dc: {  	(v2sf) =	vpush v29, $0x0;
	_ =	sdelay $0xe  }
0x1dd: {  	s29 =	spop (v2sf)  }
0x1de: {  	s11 =	sand.u32 $0xFFFFF80, s29  }
0x1df: {  	s11 =	sadd.s32 s1, s11  }
0x1e0: {  	[tilespmem:s17], [sflag:$0x3] =	stream.strided.gather [hbm4b:s11+s12], $0x800, s14, s12, $0x38;
	[tilespmem:$0xB500] =	vst v63  }
0x1e1: {  	_ =	swait.ge [sflag:s25], $0x800  }
0x1e2: {  	[sflag:s25] =	ssyncset.done $0x0  }
0x1e3: {  	[sflag:s25] =	ssyncadd.s32 $0xFFFFF800  }
0x1e4: {  	v29 =	vld [tilespmem:s6+$0xFFFFFFFD];
	_ =	sdelay $0x4  }
0x1e5: {  	(v2sf) =	vpush v29, $0x0;
	_ =	sdelay $0xe  }
0x1e6: {  	s29 =	spop (v2sf)  }
0x1e7: {  	s11 =	sand.u32 $0x7F, s29  }
0x1e8: {  	s29 =	sadd.s32 $0xFFFFFFFE, s4;
	v29 =	vor.u32 s11, v0  }
0x1e9: {  	v30 =	vmov s29  }
0x1ea: {  	v31 =	vshll.u32 v30, $0x3  }
0x1eb: {  	v30 =	vand.u32 $0x7F, v30;
	v31 =	vand.u32 $0x3C00, v31  }
0x1ec: {  	v30 =	vor.u32 v30, v31  }
0x1ed: {  	v30 =	vadd.s32 v8, v30;
	v29 =	vld.idx.msk [tilespmem:v29+s18+$0x0], $0xffff;
	_ =	sdelay $0x4  }
0x1ee: {  	[tilespmem:v30+s22+$0x0] =	vst.idx.msk $0xffff, v29  }
0x1ef: {  	v29 =	vld [tilespmem:s6+$0x3];
	_ =	sdelay $0x4  }
0x1f0: {  	(v2sf) =	vpush v29, $0x0;
	_ =	sdelay $0xe  }
0x1f1: {  	s29 =	spop (v2sf)  }
0x1f2: {  	s11 =	sand.u32 $0xFFFFF80, s29  }
0x1f3: {  	s11 =	sadd.s32 s1, s11  }
0x1f4: {  	[tilespmem:s18], [sflag:$0x4] =	stream.strided.gather [hbm4b:s11+s12], $0x800, s14, s12, $0x38;
	[tilespmem:$0xB500] =	vst v63  }
0x1f5: {  	_ =	swait.ge [sflag:s26], $0x800  }
0x1f6: {  	[sflag:s26] =	ssyncset.done $0x0  }
0x1f7: {  	[sflag:s26] =	ssyncadd.s32 $0xFFFFF800  }
0x1f8: {  	v29 =	vld [tilespmem:s6+$0xFFFFFFFE];
	_ =	sdelay $0x4  }
0x1f9: {  	(v2sf) =	vpush v29, $0x0;
	_ =	sdelay $0xe  }
0x1fa: {  	s29 =	spop (v2sf)  }
0x1fb: {  	s11 =	sand.u32 $0x7F, s29  }
0x1fc: {  	s29 =	sadd.s32 $0xFFFFFFFF, s4;
	v29 =	vor.u32 s11, v0  }
0x1fd: {  	v30 =	vmov s29  }
0x1fe: {  	v31 =	vshll.u32 v30, $0x3  }
0x1ff: {  	v30 =	vand.u32 $0x7E, v30;
	v31 =	vand.u32 $0x3C00, v31  }
0x200: {  	v30 =	vor.u32 v30, v31  }
0x201: {  	v30 =	vadd.s32 v8, v30;
	v29 =	vld.idx.msk [tilespmem:v29+s19+$0x0], $0xffff;
	_ =	sdelay $0x4  }
0x202: {  	[tilespmem:v30+s22+$0x0] =	vst.idx.msk $0xffff, v29  }
0x203: {  	v29 =	vld [tilespmem:s6+$0x4];
	_ =	sdelay $0x4  }
0x204: {  	(v2sf) =	vpush v29, $0x0;
	_ =	sdelay $0xe  }
0x205: {  	s29 =	spop (v2sf)  }
0x206: {  	s11 =	sand.u32 $0xFFFFF80, s29  }
0x207: {  	s11 =	sadd.s32 s1, s11  }
0x208: {  	[tilespmem:s19], [sflag:$0x5] =	stream.strided.gather [hbm4b:s11+s12], $0x800, s14, s12, $0x38;
	[tilespmem:$0xB500] =	vst v63  }
0x209: {  	_ =	swait.ge [sflag:s28], $0x800  }
0x20a: {  	[sflag:s28] =	ssyncset.done $0x0  }
0x20b: {  	[sflag:s28] =	ssyncadd.s32 $0xFFFFF800  }
0x20c: {  	v29 =	vld [tilespmem:s6+$0xFFFFFFFF];
	_ =	sdelay $0x4  }
0x20d: {  	(v2sf) =	vpush v29, $0x0;
	_ =	sdelay $0xe  }
0x20e: {  	s29 =	spop (v2sf)  }
0x20f: {  	s11 =	sand.u32 $0x7F, s29  }
0x210: {  	v29 =	vor.u32 s11, v0  }
0x211: {  	v30 =	vmov s4  }
0x212: {  	v31 =	vshll.u32 v30, $0x3  }
0x213: {  	v30 =	vand.u32 $0x7F, v30;
	v31 =	vand.u32 $0x3C00, v31  }
0x214: {  	v30 =	vor.u32 v30, v31  }
0x215: {  	v30 =	vadd.s32 v8, v30;
	v29 =	vld.idx.msk [tilespmem:v29+s20+$0x0], $0xffff;
	_ =	sdelay $0x4  }
0x216: {  	[tilespmem:v30+s22+$0x0] =	vst.idx.msk $0xffff, v29  }
0x217: {  	v29 =	vld [tilespmem:s6+$0x5];
	_ =	sdelay $0x4  }
0x218: {  	(v2sf) =	vpush v29, $0x0;
	_ =	sdelay $0xc  }
0x219: {  	p0 =	sne.s32 s4, $0x1F7  }
.Ltmp1:
0x21a: {  	_ = 	snop;
	(pc) =	sbr.rel @p0 .LBB2_4-.Ltmp1, $4  }
0x21b: {  	s29 =	spop (v2sf)  }
0x21c: {  	s11 =	sand.u32 $0xFFFFF80, s29  }
0x21d: {  	s4 =	sadd.s32 $0x6, s4;
	s6 =	sadd.s32 $0x6, s6;
	s11 =	sadd.s32 s1, s11  }
0x21e: {  	[tilespmem:s20], [sflag:$0x6] =	stream.strided.gather [hbm4b:s11+s12], $0x800, s14, s12, $0x38;
	[tilespmem:$0xB500] =	vst v63  }
0x21f: {  	_ =	swait.ge [sflag:s21], $0x800  }
0x220: {  	[sflag:s21] =	ssyncset.done $0x0  }
0x221: {  	[sflag:s21] =	ssyncadd.s32 $0xFFFFF800  }
0x222: {  	v29 =	vld [tilespmem:$0x47A];
	_ =	sdelay $0x4  }
0x223: {  	(v2sf) =	vpush v29, $0x0;
	_ =	sdelay $0xe  }
0x224: {  	s4 =	spop (v2sf)  }
0x225: {  	s4 =	sand.u32 $0x7F, s4  }
0x226: {  	v29 =	vor.u32 s4, v0;
	_ =	sdelay $0x4  }
0x227: {  	v29 =	vld.idx.msk [tilespmem:v29+s15+$0x0], $0xffff;
	_ =	sdelay $0x4  }
0x228: {  	[tilespmem:v9+s22+$0x0] =	vst.idx.msk $0xffff, v29  }
0x229: {  	v29 =	vld [tilespmem:$0x0];
	_ =	sdelay $0x4  }
0x22a: {  	(v2sf) =	vpush v29, $0x0;
	_ =	sdelay $0xe  }
0x22b: {  	s6 =	spop (v2sf)  }
0x22c: {  	s4 =	sand.u32 $0xFFFFF80, s6  }
0x22d: {  	s4 =	sadd.s32 s2, s4  }
0x22e: {  	[tilespmem:s15], [sflag:$0x1] =	stream.strided.gather [hbm4b:s4+s12], $0x800, s14, s12, $0x38;
	[tilespmem:$0xB500] =	vst v63  }
0x22f: {  	_ =	swait.ge [sflag:s23], $0x800  }
0x230: {  	[sflag:s23] =	ssyncset.done $0x0  }
0x231: {  	[sflag:s23] =	ssyncadd.s32 $0xFFFFF800  }
0x232: {  	v29 =	vld [tilespmem:$0x47B];
	_ =	sdelay $0x4  }
0x233: {  	(v2sf) =	vpush v29, $0x0;
	_ =	sdelay $0xe  }
0x234: {  	s11 =	spop (v2sf)  }
0x235: {  	s4 =	sand.u32 $0x7F, s11  }
0x236: {  	v29 =	vor.u32 s4, v0;
	_ =	sdelay $0x4  }
0x237: {  	v29 =	vld.idx.msk [tilespmem:v29+s16+$0x0], $0xffff;
	_ =	sdelay $0x4  }
0x238: {  	[tilespmem:v10+s22+$0x0] =	vst.idx.msk $0xffff, v29  }
0x239: {  	v29 =	vld [tilespmem:$0x1];
	_ =	sdelay $0x4  }
0x23a: {  	(v2sf) =	vpush v29, $0x0;
	_ =	sdelay $0xe  }
0x23b: {  	s29 =	spop (v2sf)  }
0x23c: {  	s4 =	sand.u32 $0xFFFFF80, s29  }
0x23d: {  	s4 =	sadd.s32 s2, s4  }
0x23e: {  	[tilespmem:s16], [sflag:$0x2] =	stream.strided.gather [hbm4b:s4+s12], $0x800, s14, s12, $0x38;
	[tilespmem:$0xB500] =	vst v63  }
0x23f: {  	_ =	swait.ge [sflag:s24], $0x800  }
0x240: {  	[sflag:s24] =	ssyncset.done $0x0  }
0x241: {  	[sflag:s24] =	ssyncadd.s32 $0xFFFFF800  }
0x242: {  	v29 =	vld [tilespmem:$0x47C];
	_ =	sdelay $0x4  }
0x243: {  	(v2sf) =	vpush v29, $0x0;
	_ =	sdelay $0xe  }
0x244: {  	s6 =	spop (v2sf)  }
0x245: {  	s4 =	sand.u32 $0x7F, s6  }
0x246: {  	v29 =	vor.u32 s4, v0;
	_ =	sdelay $0x4  }
0x247: {  	v29 =	vld.idx.msk [tilespmem:v29+s17+$0x0], $0xffff;
	_ =	sdelay $0x4  }
0x248: {  	[tilespmem:v11+s22+$0x0] =	vst.idx.msk $0xffff, v29  }
0x249: {  	v29 =	vld [tilespmem:$0x2];
	_ =	sdelay $0x4  }
0x24a: {  	(v2sf) =	vpush v29, $0x0;
	_ =	sdelay $0xe  }
0x24b: {  	s11 =	spop (v2sf)  }
0x24c: {  	s4 =	sand.u32 $0xFFFFF80, s11  }
0x24d: {  	s4 =	sadd.s32 s2, s4  }
0x24e: {  	[tilespmem:s17], [sflag:$0x3] =	stream.strided.gather [hbm4b:s4+s12], $0x800, s14, s12, $0x38;
	[tilespmem:$0xB500] =	vst v63  }
0x24f: {  	_ =	swait.ge [sflag:s25], $0x800  }
0x250: {  	[sflag:s25] =	ssyncset.done $0x0  }
0x251: {  	[sflag:s25] =	ssyncadd.s32 $0xFFFFF800  }
0x252: {  	v29 =	vld [tilespmem:$0x47D];
	_ =	sdelay $0x4  }
0x253: {  	(v2sf) =	vpush v29, $0x0;
	_ =	sdelay $0xe  }
0x254: {  	s29 =	spop (v2sf)  }
0x255: {  	s4 =	sand.u32 $0x7F, s29  }
0x256: {  	v29 =	vor.u32 s4, v0;
	_ =	sdelay $0x4  }
0x257: {  	v29 =	vld.idx.msk [tilespmem:v29+s18+$0x0], $0xffff;
	_ =	sdelay $0x4  }
0x258: {  	[tilespmem:v12+s22+$0x0] =	vst.idx.msk $0xffff, v29  }
0x259: {  	v29 =	vld [tilespmem:$0x3];
	_ =	sdelay $0x4  }
0x25a: {  	(v2sf) =	vpush v29, $0x0;
	_ =	sdelay $0xe  }
0x25b: {  	s6 =	spop (v2sf)  }
0x25c: {  	s4 =	sand.u32 $0xFFFFF80, s6  }
0x25d: {  	s4 =	sadd.s32 s2, s4  }
0x25e: {  	[tilespmem:s18], [sflag:$0x4] =	stream.strided.gather [hbm4b:s4+s12], $0x800, s14, s12, $0x38;
	[tilespmem:$0xB500] =	vst v63  }
0x25f: {  	s4 =	simm.s32 $0x5  }
0x260: {  	_ =	swait.ge [sflag:s4], $0x800  }
0x261: {  	[sflag:s4] =	ssyncset.done $0x0  }
0x262: {  	[sflag:s4] =	ssyncadd.s32 $0xFFFFF800  }
0x263: {  	v29 =	vld [tilespmem:$0x47E];
	_ =	sdelay $0x4  }
0x264: {  	(v2sf) =	vpush v29, $0x0;
	_ =	sdelay $0xe  }
0x265: {  	s6 =	spop (v2sf)  }
0x266: {  	s6 =	sand.u32 $0x7F, s6  }
0x267: {  	v29 =	vor.u32 s6, v0;
	_ =	sdelay $0x4  }
0x268: {  	v29 =	vld.idx.msk [tilespmem:v29+s19+$0x0], $0xffff;
	_ =	sdelay $0x4  }
0x269: {  	[tilespmem:v13+s22+$0x0] =	vst.idx.msk $0xffff, v29  }
0x26a: {  	v29 =	vld [tilespmem:$0x4];
	_ =	sdelay $0x4  }
0x26b: {  	(v2sf) =	vpush v29, $0x0;
	_ =	sdelay $0xe  }
0x26c: {  	s11 =	spop (v2sf)  }
0x26d: {  	s6 =	sand.u32 $0xFFFFF80, s11  }
0x26e: {  	s6 =	sadd.s32 s2, s6  }
0x26f: {  	[tilespmem:s19], [sflag:$0x5] =	stream.strided.gather [hbm4b:s6+s12], $0x800, s14, s12, $0x38;
	[tilespmem:$0xB500] =	vst v63  }
0x270: {  	s6 =	simm.s32 $0x6  }
0x271: {  	_ =	swait.ge [sflag:s6], $0x800  }
0x272: {  	[sflag:s6] =	ssyncset.done $0x0  }
0x273: {  	[sflag:s6] =	ssyncadd.s32 $0xFFFFF800  }
0x274: {  	v29 =	vld [tilespmem:$0x47F];
	_ =	sdelay $0x4  }
0x275: {  	(v2sf) =	vpush v29, $0x0;
	_ =	sdelay $0xe  }
0x276: {  	s11 =	spop (v2sf)  }
0x277: {  	s11 =	sand.u32 $0x7F, s11  }
0x278: {  	v29 =	vor.u32 s11, v0;
	_ =	sdelay $0x4  }
0x279: {  	v29 =	vld.idx.msk [tilespmem:v29+s20+$0x0], $0xffff;
	_ =	sdelay $0x4  }
0x27a: {  	[tilespmem:v14+s22+$0x0] =	vst.idx.msk $0xffff, v29  }
0x27b: {  	v29 =	vld [tilespmem:$0x5];
	_ =	sdelay $0x4  }
0x27c: {  	(v2sf) =	vpush v29, $0x0;
	_ =	sdelay $0xe  }
0x27d: {  	s29 =	spop (v2sf)  }
0x27e: {  	s11 =	sand.u32 $0xFFFFF80, s29  }
0x27f: {  	s11 =	sadd.s32 s2, s11  }
0x280: {  	[tilespmem:s20], [sflag:$0x6] =	stream.strided.gather [hbm4b:s11+s12], $0x800, s14, s12, $0x38;
	[tilespmem:$0xB500] =	vst v63  }
.LBB2_6:
0x281: {  	_ =	swait.ge [sflag:s21], $0x800  }
0x282: {  	[sflag:s21] =	ssyncset.done $0x0  }
0x283: {  	[sflag:s21] =	ssyncadd.s32 $0xFFFFF800  }
0x284: {  	v29 =	vld [tilespmem:s6+$0xFFFFFFFA];
	_ =	sdelay $0x4  }
0x285: {  	(v2sf) =	vpush v29, $0x0;
	_ =	sdelay $0xe  }
0x286: {  	s11 =	spop (v2sf)  }
0x287: {  	s11 =	sand.u32 $0x7F, s11  }
0x288: {  	s29 =	sadd.s32 $0xFFFFFFFB, s4;
	v29 =	vor.u32 s11, v0  }
0x289: {  	v30 =	vmov s29  }
0x28a: {  	v31 =	vshll.u32 v30, $0x3  }
0x28b: {  	v30 =	vand.u32 $0x7E, v30;
	v31 =	vand.u32 $0x1C00, v31  }
0x28c: {  	v30 =	vor.u32 v30, v31  }
0x28d: {  	v30 =	vadd.s32 v15, v30;
	v29 =	vld.idx.msk [tilespmem:v29+s15+$0x0], $0xffff;
	_ =	sdelay $0x4  }
0x28e: {  	[tilespmem:v30+s22+$0x0] =	vst.idx.msk $0xffff, v29  }
0x28f: {  	v29 =	vld [tilespmem:s6+$0x0];
	_ =	sdelay $0x4  }
0x290: {  	(v2sf) =	vpush v29, $0x0;
	_ =	sdelay $0xe  }
0x291: {  	s29 =	spop (v2sf)  }
0x292: {  	s11 =	sand.u32 $0xFFFFF80, s29  }
0x293: {  	s11 =	sadd.s32 s2, s11  }
0x294: {  	[tilespmem:s15], [sflag:$0x1] =	stream.strided.gather [hbm4b:s11+s12], $0x800, s14, s12, $0x38;
	[tilespmem:$0xB500] =	vst v63  }
0x295: {  	_ =	swait.ge [sflag:s23], $0x800  }
0x296: {  	[sflag:s23] =	ssyncset.done $0x0  }
0x297: {  	[sflag:s23] =	ssyncadd.s32 $0xFFFFF800  }
0x298: {  	v29 =	vld [tilespmem:s6+$0xFFFFFFFB];
	_ =	sdelay $0x4  }
0x299: {  	(v2sf) =	vpush v29, $0x0;
	_ =	sdelay $0xe  }
0x29a: {  	s29 =	spop (v2sf)  }
0x29b: {  	s11 =	sand.u32 $0x7F, s29  }
0x29c: {  	s29 =	sadd.s32 $0xFFFFFFFC, s4;
	v29 =	vor.u32 s11, v0  }
0x29d: {  	v30 =	vmov s29  }
0x29e: {  	v31 =	vshll.u32 v30, $0x3  }
0x29f: {  	v30 =	vand.u32 $0x7F, v30;
	v31 =	vand.u32 $0x1C00, v31  }
0x2a0: {  	v30 =	vor.u32 v30, v31  }
0x2a1: {  	v30 =	vadd.s32 v15, v30;
	v29 =	vld.idx.msk [tilespmem:v29+s16+$0x0], $0xffff;
	_ =	sdelay $0x4  }
0x2a2: {  	[tilespmem:v30+s22+$0x0] =	vst.idx.msk $0xffff, v29  }
0x2a3: {  	v29 =	vld [tilespmem:s6+$0x1];
	_ =	sdelay $0x4  }
0x2a4: {  	(v2sf) =	vpush v29, $0x0;
	_ =	sdelay $0xe  }
0x2a5: {  	s29 =	spop (v2sf)  }
0x2a6: {  	s11 =	sand.u32 $0xFFFFF80, s29  }
0x2a7: {  	s11 =	sadd.s32 s2, s11  }
0x2a8: {  	[tilespmem:s16], [sflag:$0x2] =	stream.strided.gather [hbm4b:s11+s12], $0x800, s14, s12, $0x38;
	[tilespmem:$0xB500] =	vst v63  }
0x2a9: {  	_ =	swait.ge [sflag:s24], $0x800  }
0x2aa: {  	[sflag:s24] =	ssyncset.done $0x0  }
0x2ab: {  	[sflag:s24] =	ssyncadd.s32 $0xFFFFF800  }
0x2ac: {  	v29 =	vld [tilespmem:s6+$0xFFFFFFFC];
	_ =	sdelay $0x4  }
0x2ad: {  	(v2sf) =	vpush v29, $0x0;
	_ =	sdelay $0xe  }
0x2ae: {  	s29 =	spop (v2sf)  }
0x2af: {  	s11 =	sand.u32 $0x7F, s29  }
0x2b0: {  	s29 =	sadd.s32 $0xFFFFFFFD, s4;
	v29 =	vor.u32 s11, v0  }
0x2b1: {  	v30 =	vmov s29  }
0x2b2: {  	v31 =	vshll.u32 v30, $0x3  }
0x2b3: {  	v30 =	vand.u32 $0x7E, v30;
	v31 =	vand.u32 $0x3C00, v31  }
0x2b4: {  	v30 =	vor.u32 v30, v31  }
0x2b5: {  	v30 =	vadd.s32 v15, v30;
	v29 =	vld.idx.msk [tilespmem:v29+s17+$0x0], $0xffff;
	_ =	sdelay $0x4  }
0x2b6: {  	[tilespmem:v30+s22+$0x0] =	vst.idx.msk $0xffff, v29  }
0x2b7: {  	v29 =	vld [tilespmem:s6+$0x2];
	_ =	sdelay $0x4  }
0x2b8: {  	(v2sf) =	vpush v29, $0x0;
	_ =	sdelay $0xe  }
0x2b9: {  	s29 =	spop (v2sf)  }
0x2ba: {  	s11 =	sand.u32 $0xFFFFF80, s29  }
0x2bb: {  	s11 =	sadd.s32 s2, s11  }
0x2bc: {  	[tilespmem:s17], [sflag:$0x3] =	stream.strided.gather [hbm4b:s11+s12], $0x800, s14, s12, $0x38;
	[tilespmem:$0xB500] =	vst v63  }
0x2bd: {  	_ =	swait.ge [sflag:s25], $0x800  }
0x2be: {  	[sflag:s25] =	ssyncset.done $0x0  }
0x2bf: {  	[sflag:s25] =	ssyncadd.s32 $0xFFFFF800  }
0x2c0: {  	v29 =	vld [tilespmem:s6+$0xFFFFFFFD];
	_ =	sdelay $0x4  }
0x2c1: {  	(v2sf) =	vpush v29, $0x0;
	_ =	sdelay $0xe  }
0x2c2: {  	s29 =	spop (v2sf)  }
0x2c3: {  	s11 =	sand.u32 $0x7F, s29  }
0x2c4: {  	s29 =	sadd.s32 $0xFFFFFFFE, s4;
	v29 =	vor.u32 s11, v0  }
0x2c5: {  	v30 =	vmov s29  }
0x2c6: {  	v31 =	vshll.u32 v30, $0x3  }
0x2c7: {  	v30 =	vand.u32 $0x7F, v30;
	v31 =	vand.u32 $0x3C00, v31  }
0x2c8: {  	v30 =	vor.u32 v30, v31  }
0x2c9: {  	v30 =	vadd.s32 v15, v30;
	v29 =	vld.idx.msk [tilespmem:v29+s18+$0x0], $0xffff;
	_ =	sdelay $0x4  }
0x2ca: {  	[tilespmem:v30+s22+$0x0] =	vst.idx.msk $0xffff, v29  }
0x2cb: {  	v29 =	vld [tilespmem:s6+$0x3];
	_ =	sdelay $0x4  }
0x2cc: {  	(v2sf) =	vpush v29, $0x0;
	_ =	sdelay $0xe  }
0x2cd: {  	s29 =	spop (v2sf)  }
0x2ce: {  	s11 =	sand.u32 $0xFFFFF80, s29  }
0x2cf: {  	s11 =	sadd.s32 s2, s11  }
0x2d0: {  	[tilespmem:s18], [sflag:$0x4] =	stream.strided.gather [hbm4b:s11+s12], $0x800, s14, s12, $0x38;
	[tilespmem:$0xB500] =	vst v63  }
0x2d1: {  	_ =	swait.ge [sflag:s26], $0x800  }
0x2d2: {  	[sflag:s26] =	ssyncset.done $0x0  }
0x2d3: {  	[sflag:s26] =	ssyncadd.s32 $0xFFFFF800  }
0x2d4: {  	v29 =	vld [tilespmem:s6+$0xFFFFFFFE];
	_ =	sdelay $0x4  }
0x2d5: {  	(v2sf) =	vpush v29, $0x0;
	_ =	sdelay $0xe  }
0x2d6: {  	s29 =	spop (v2sf)  }
0x2d7: {  	s11 =	sand.u32 $0x7F, s29  }
0x2d8: {  	s29 =	sadd.s32 $0xFFFFFFFF, s4;
	v29 =	vor.u32 s11, v0  }
0x2d9: {  	v30 =	vmov s29  }
0x2da: {  	v31 =	vshll.u32 v30, $0x3  }
0x2db: {  	v30 =	vand.u32 $0x7E, v30;
	v31 =	vand.u32 $0x3C00, v31  }
0x2dc: {  	v30 =	vor.u32 v30, v31  }
0x2dd: {  	v30 =	vadd.s32 v15, v30;
	v29 =	vld.idx.msk [tilespmem:v29+s19+$0x0], $0xffff;
	_ =	sdelay $0x4  }
0x2de: {  	[tilespmem:v30+s22+$0x0] =	vst.idx.msk $0xffff, v29  }
0x2df: {  	v29 =	vld [tilespmem:s6+$0x4];
	_ =	sdelay $0x4  }
0x2e0: {  	(v2sf) =	vpush v29, $0x0;
	_ =	sdelay $0xe  }
0x2e1: {  	s29 =	spop (v2sf)  }
0x2e2: {  	s11 =	sand.u32 $0xFFFFF80, s29  }
0x2e3: {  	s11 =	sadd.s32 s2, s11  }
0x2e4: {  	[tilespmem:s19], [sflag:$0x5] =	stream.strided.gather [hbm4b:s11+s12], $0x800, s14, s12, $0x38;
	[tilespmem:$0xB500] =	vst v63  }
0x2e5: {  	_ =	swait.ge [sflag:s28], $0x800  }
0x2e6: {  	[sflag:s28] =	ssyncset.done $0x0  }
0x2e7: {  	[sflag:s28] =	ssyncadd.s32 $0xFFFFF800  }
0x2e8: {  	v29 =	vld [tilespmem:s6+$0xFFFFFFFF];
	_ =	sdelay $0x4  }
0x2e9: {  	(v2sf) =	vpush v29, $0x0;
	_ =	sdelay $0xe  }
0x2ea: {  	s29 =	spop (v2sf)  }
0x2eb: {  	s11 =	sand.u32 $0x7F, s29  }
0x2ec: {  	v29 =	vor.u32 s11, v0  }
0x2ed: {  	v30 =	vmov s4  }
0x2ee: {  	v31 =	vshll.u32 v30, $0x3  }
0x2ef: {  	v30 =	vand.u32 $0x7F, v30;
	v31 =	vand.u32 $0x3C00, v31  }
0x2f0: {  	v30 =	vor.u32 v30, v31  }
0x2f1: {  	v30 =	vadd.s32 v15, v30;
	v29 =	vld.idx.msk [tilespmem:v29+s20+$0x0], $0xffff;
	_ =	sdelay $0x4  }
0x2f2: {  	[tilespmem:v30+s22+$0x0] =	vst.idx.msk $0xffff, v29  }
0x2f3: {  	v29 =	vld [tilespmem:s6+$0x5];
	_ =	sdelay $0x4  }
0x2f4: {  	(v2sf) =	vpush v29, $0x0;
	_ =	sdelay $0xc  }
0x2f5: {  	p0 =	sne.s32 s4, $0x1F7  }
.Ltmp2:
0x2f6: {  	_ = 	snop;
	(pc) =	sbr.rel @p0 .LBB2_6-.Ltmp2, $4  }
0x2f7: {  	s29 =	spop (v2sf)  }
0x2f8: {  	s11 =	sand.u32 $0xFFFFF80, s29  }
0x2f9: {  	s4 =	sadd.s32 $0x6, s4;
	s6 =	sadd.s32 $0x6, s6;
	s11 =	sadd.s32 s2, s11  }
0x2fa: {  	[tilespmem:s20], [sflag:$0x6] =	stream.strided.gather [hbm4b:s11+s12], $0x800, s14, s12, $0x38;
	[tilespmem:$0xB500] =	vst v63  }
0x2fb: {  	_ =	swait.ge [sflag:s21], $0x800  }
0x2fc: {  	[sflag:s21] =	ssyncset.done $0x0  }
0x2fd: {  	[sflag:s21] =	ssyncadd.s32 $0xFFFFF800  }
0x2fe: {  	v29 =	vld [tilespmem:$0x1FA];
	_ =	sdelay $0x4  }
0x2ff: {  	(v2sf) =	vpush v29, $0x0;
	_ =	sdelay $0xe  }
0x300: {  	s4 =	spop (v2sf)  }
0x301: {  	s4 =	sand.u32 $0x7F, s4  }
0x302: {  	v29 =	vor.u32 s4, v0;
	_ =	sdelay $0x4  }
0x303: {  	v29 =	vld.idx.msk [tilespmem:v29+s15+$0x0], $0xffff;
	_ =	sdelay $0x4  }
0x304: {  	[tilespmem:v16+s22+$0x0] =	vst.idx.msk $0xffff, v29  }
0x305: {  	v29 =	vld [tilespmem:$0x280];
	_ =	sdelay $0x4  }
0x306: {  	(v2sf) =	vpush v29, $0x0;
	_ =	sdelay $0xe  }
0x307: {  	s11 =	spop (v2sf)  }
0x308: {  	s4 =	sand.u32 $0xFFFFF80, s11  }
0x309: {  	s4 =	sadd.s32 s3, s4  }
0x30a: {  	[tilespmem:s15], [sflag:$0x1] =	stream.strided.gather [hbm4b:s4+s12], $0x800, s14, s12, $0x38;
	[tilespmem:$0xB500] =	vst v63  }
0x30b: {  	_ =	swait.ge [sflag:s23], $0x800  }
0x30c: {  	[sflag:s23] =	ssyncset.done $0x0  }
0x30d: {  	[sflag:s23] =	ssyncadd.s32 $0xFFFFF800  }
0x30e: {  	v29 =	vld [tilespmem:$0x1FB];
	_ =	sdelay $0x4  }
0x30f: {  	(v2sf) =	vpush v29, $0x0;
	_ =	sdelay $0xe  }
0x310: {  	s29 =	spop (v2sf)  }
0x311: {  	s4 =	sand.u32 $0x7F, s29  }
0x312: {  	v29 =	vor.u32 s4, v0;
	_ =	sdelay $0x4  }
0x313: {  	v29 =	vld.idx.msk [tilespmem:v29+s16+$0x0], $0xffff;
	_ =	sdelay $0x4  }
0x314: {  	[tilespmem:v17+s22+$0x0] =	vst.idx.msk $0xffff, v29  }
0x315: {  	v29 =	vld [tilespmem:$0x281];
	_ =	sdelay $0x4  }
0x316: {  	(v2sf) =	vpush v29, $0x0;
	_ =	sdelay $0xe  }
0x317: {  	s6 =	spop (v2sf)  }
0x318: {  	s4 =	sand.u32 $0xFFFFF80, s6  }
0x319: {  	s4 =	sadd.s32 s3, s4  }
0x31a: {  	[tilespmem:s16], [sflag:$0x2] =	stream.strided.gather [hbm4b:s4+s12], $0x800, s14, s12, $0x38;
	[tilespmem:$0xB500] =	vst v63  }
0x31b: {  	_ =	swait.ge [sflag:s24], $0x800  }
0x31c: {  	[sflag:s24] =	ssyncset.done $0x0  }
0x31d: {  	[sflag:s24] =	ssyncadd.s32 $0xFFFFF800  }
0x31e: {  	v29 =	vld [tilespmem:$0x1FC];
	_ =	sdelay $0x4  }
0x31f: {  	(v2sf) =	vpush v29, $0x0;
	_ =	sdelay $0xe  }
0x320: {  	s11 =	spop (v2sf)  }
0x321: {  	s4 =	sand.u32 $0x7F, s11  }
0x322: {  	v29 =	vor.u32 s4, v0;
	_ =	sdelay $0x4  }
0x323: {  	v29 =	vld.idx.msk [tilespmem:v29+s17+$0x0], $0xffff;
	_ =	sdelay $0x4  }
0x324: {  	[tilespmem:v18+s22+$0x0] =	vst.idx.msk $0xffff, v29  }
0x325: {  	v29 =	vld [tilespmem:$0x282];
	_ =	sdelay $0x4  }
0x326: {  	(v2sf) =	vpush v29, $0x0;
	_ =	sdelay $0xe  }
0x327: {  	s29 =	spop (v2sf)  }
0x328: {  	s4 =	sand.u32 $0xFFFFF80, s29  }
0x329: {  	s4 =	sadd.s32 s3, s4  }
0x32a: {  	[tilespmem:s17], [sflag:$0x3] =	stream.strided.gather [hbm4b:s4+s12], $0x800, s14, s12, $0x38;
	[tilespmem:$0xB500] =	vst v63  }
0x32b: {  	_ =	swait.ge [sflag:s25], $0x800  }
0x32c: {  	[sflag:s25] =	ssyncset.done $0x0  }
0x32d: {  	[sflag:s25] =	ssyncadd.s32 $0xFFFFF800  }
0x32e: {  	v29 =	vld [tilespmem:$0x1FD];
	_ =	sdelay $0x4  }
0x32f: {  	(v2sf) =	vpush v29, $0x0;
	_ =	sdelay $0xe  }
0x330: {  	s6 =	spop (v2sf)  }
0x331: {  	s4 =	sand.u32 $0x7F, s6  }
0x332: {  	v29 =	vor.u32 s4, v0;
	_ =	sdelay $0x4  }
0x333: {  	v29 =	vld.idx.msk [tilespmem:v29+s18+$0x0], $0xffff;
	_ =	sdelay $0x4  }
0x334: {  	[tilespmem:v19+s22+$0x0] =	vst.idx.msk $0xffff, v29  }
0x335: {  	v29 =	vld [tilespmem:$0x283];
	_ =	sdelay $0x4  }
0x336: {  	(v2sf) =	vpush v29, $0x0;
	_ =	sdelay $0xe  }
0x337: {  	s11 =	spop (v2sf)  }
0x338: {  	s4 =	sand.u32 $0xFFFFF80, s11  }
0x339: {  	s4 =	sadd.s32 s3, s4  }
0x33a: {  	[tilespmem:s18], [sflag:$0x4] =	stream.strided.gather [hbm4b:s4+s12], $0x800, s14, s12, $0x38;
	[tilespmem:$0xB500] =	vst v63  }
0x33b: {  	s4 =	simm.s32 $0x5  }
0x33c: {  	_ =	swait.ge [sflag:s4], $0x800  }
0x33d: {  	[sflag:s4] =	ssyncset.done $0x0  }
0x33e: {  	[sflag:s4] =	ssyncadd.s32 $0xFFFFF800  }
0x33f: {  	v29 =	vld [tilespmem:$0x1FE];
	_ =	sdelay $0x4  }
0x340: {  	(v2sf) =	vpush v29, $0x0;
	_ =	sdelay $0xe  }
0x341: {  	s6 =	spop (v2sf)  }
0x342: {  	s6 =	sand.u32 $0x7F, s6  }
0x343: {  	v29 =	vor.u32 s6, v0;
	_ =	sdelay $0x4  }
0x344: {  	v29 =	vld.idx.msk [tilespmem:v29+s19+$0x0], $0xffff;
	_ =	sdelay $0x4  }
0x345: {  	[tilespmem:v20+s22+$0x0] =	vst.idx.msk $0xffff, v29  }
0x346: {  	v29 =	vld [tilespmem:$0x284];
	_ =	sdelay $0x4  }
0x347: {  	(v2sf) =	vpush v29, $0x0;
	_ =	sdelay $0xe  }
0x348: {  	s29 =	spop (v2sf)  }
0x349: {  	s6 =	sand.u32 $0xFFFFF80, s29  }
0x34a: {  	s6 =	sadd.s32 s3, s6  }
0x34b: {  	[tilespmem:s19], [sflag:$0x5] =	stream.strided.gather [hbm4b:s6+s12], $0x800, s14, s12, $0x38;
	[tilespmem:$0xB500] =	vst v63  }
0x34c: {  	_ =	swait.ge [sflag:s28], $0x800  }
0x34d: {  	[sflag:s28] =	ssyncset.done $0x0  }
0x34e: {  	[sflag:s28] =	ssyncadd.s32 $0xFFFFF800  }
0x34f: {  	v29 =	vld [tilespmem:$0x1FF];
	_ =	sdelay $0x4  }
0x350: {  	(v2sf) =	vpush v29, $0x0;
	_ =	sdelay $0xe  }
0x351: {  	s11 =	spop (v2sf)  }
0x352: {  	s6 =	sand.u32 $0x7F, s11  }
0x353: {  	v29 =	vor.u32 s6, v0;
	_ =	sdelay $0x4  }
0x354: {  	v29 =	vld.idx.msk [tilespmem:v29+s20+$0x0], $0xffff;
	_ =	sdelay $0x4  }
0x355: {  	[tilespmem:v21+s22+$0x0] =	vst.idx.msk $0xffff, v29  }
0x356: {  	v29 =	vld [tilespmem:$0x285];
	_ =	sdelay $0x4  }
0x357: {  	(v2sf) =	vpush v29, $0x0;
	_ =	sdelay $0xe  }
0x358: {  	s29 =	spop (v2sf)  }
0x359: {  	s6 =	sand.u32 $0xFFFFF80, s29  }
0x35a: {  	s6 =	sadd.s32 s3, s6  }
0x35b: {  	[tilespmem:s20], [sflag:$0x6] =	stream.strided.gather [hbm4b:s6+s12], $0x800, s14, s12, $0x38;
	[tilespmem:$0xB500] =	vst v63  }
0x35c: {  	s6 =	simm.s32 $0x286  }
.LBB2_8:
0x35d: {  	_ =	swait.ge [sflag:s21], $0x800  }
0x35e: {  	[sflag:s21] =	ssyncset.done $0x0  }
0x35f: {  	[sflag:s21] =	ssyncadd.s32 $0xFFFFF800  }
0x360: {  	v29 =	vld [tilespmem:s6+$0xFFFFFFFA];
	_ =	sdelay $0x4  }
0x361: {  	(v2sf) =	vpush v29, $0x0;
	_ =	sdelay $0xe  }
0x362: {  	s11 =	spop (v2sf)  }
0x363: {  	s11 =	sand.u32 $0x7F, s11  }
0x364: {  	s29 =	sadd.s32 $0xFFFFFFFB, s4;
	v29 =	vor.u32 s11, v0  }
0x365: {  	v30 =	vmov s29  }
0x366: {  	v31 =	vshll.u32 v30, $0x3  }
0x367: {  	v30 =	vand.u32 $0x7E, v30;
	v31 =	vand.u32 $0x1C00, v31  }
0x368: {  	v30 =	vor.u32 v30, v31  }
0x369: {  	v30 =	vadd.s32 v22, v30;
	v29 =	vld.idx.msk [tilespmem:v29+s15+$0x0], $0xffff;
	_ =	sdelay $0x4  }
0x36a: {  	[tilespmem:v30+s22+$0x0] =	vst.idx.msk $0xffff, v29  }
0x36b: {  	v29 =	vld [tilespmem:s6+$0x0];
	_ =	sdelay $0x4  }
0x36c: {  	(v2sf) =	vpush v29, $0x0;
	_ =	sdelay $0xe  }
0x36d: {  	s29 =	spop (v2sf)  }
0x36e: {  	s11 =	sand.u32 $0xFFFFF80, s29  }
0x36f: {  	s11 =	sadd.s32 s3, s11  }
0x370: {  	[tilespmem:s15], [sflag:$0x1] =	stream.strided.gather [hbm4b:s11+s12], $0x800, s14, s12, $0x38;
	[tilespmem:$0xB500] =	vst v63  }
0x371: {  	_ =	swait.ge [sflag:s23], $0x800  }
0x372: {  	[sflag:s23] =	ssyncset.done $0x0  }
0x373: {  	[sflag:s23] =	ssyncadd.s32 $0xFFFFF800  }
0x374: {  	v29 =	vld [tilespmem:s6+$0xFFFFFFFB];
	_ =	sdelay $0x4  }
0x375: {  	(v2sf) =	vpush v29, $0x0;
	_ =	sdelay $0xe  }
0x376: {  	s29 =	spop (v2sf)  }
0x377: {  	s11 =	sand.u32 $0x7F, s29  }
0x378: {  	s29 =	sadd.s32 $0xFFFFFFFC, s4;
	v29 =	vor.u32 s11, v0  }
0x379: {  	v30 =	vmov s29  }
0x37a: {  	v31 =	vshll.u32 v30, $0x3  }
0x37b: {  	v30 =	vand.u32 $0x7F, v30;
	v31 =	vand.u32 $0x1C00, v31  }
0x37c: {  	v30 =	vor.u32 v30, v31  }
0x37d: {  	v30 =	vadd.s32 v22, v30;
	v29 =	vld.idx.msk [tilespmem:v29+s16+$0x0], $0xffff;
	_ =	sdelay $0x4  }
0x37e: {  	[tilespmem:v30+s22+$0x0] =	vst.idx.msk $0xffff, v29  }
0x37f: {  	v29 =	vld [tilespmem:s6+$0x1];
	_ =	sdelay $0x4  }
0x380: {  	(v2sf) =	vpush v29, $0x0;
	_ =	sdelay $0xe  }
0x381: {  	s29 =	spop (v2sf)  }
0x382: {  	s11 =	sand.u32 $0xFFFFF80, s29  }
0x383: {  	s11 =	sadd.s32 s3, s11  }
0x384: {  	[tilespmem:s16], [sflag:$0x2] =	stream.strided.gather [hbm4b:s11+s12], $0x800, s14, s12, $0x38;
	[tilespmem:$0xB500] =	vst v63  }
0x385: {  	_ =	swait.ge [sflag:s24], $0x800  }
0x386: {  	[sflag:s24] =	ssyncset.done $0x0  }
0x387: {  	[sflag:s24] =	ssyncadd.s32 $0xFFFFF800  }
0x388: {  	v29 =	vld [tilespmem:s6+$0xFFFFFFFC];
	_ =	sdelay $0x4  }
0x389: {  	(v2sf) =	vpush v29, $0x0;
	_ =	sdelay $0xe  }
0x38a: {  	s29 =	spop (v2sf)  }
0x38b: {  	s11 =	sand.u32 $0x7F, s29  }
0x38c: {  	s29 =	sadd.s32 $0xFFFFFFFD, s4;
	v29 =	vor.u32 s11, v0  }
0x38d: {  	v30 =	vmov s29  }
0x38e: {  	v31 =	vshll.u32 v30, $0x3  }
0x38f: {  	v30 =	vand.u32 $0x7E, v30;
	v31 =	vand.u32 $0x3C00, v31  }
0x390: {  	v30 =	vor.u32 v30, v31  }
0x391: {  	v30 =	vadd.s32 v22, v30;
	v29 =	vld.idx.msk [tilespmem:v29+s17+$0x0], $0xffff;
	_ =	sdelay $0x4  }
0x392: {  	[tilespmem:v30+s22+$0x0] =	vst.idx.msk $0xffff, v29  }
0x393: {  	v29 =	vld [tilespmem:s6+$0x2];
	_ =	sdelay $0x4  }
0x394: {  	(v2sf) =	vpush v29, $0x0;
	_ =	sdelay $0xe  }
0x395: {  	s29 =	spop (v2sf)  }
0x396: {  	s11 =	sand.u32 $0xFFFFF80, s29  }
0x397: {  	s11 =	sadd.s32 s3, s11  }
0x398: {  	[tilespmem:s17], [sflag:$0x3] =	stream.strided.gather [hbm4b:s11+s12], $0x800, s14, s12, $0x38;
	[tilespmem:$0xB500] =	vst v63  }
0x399: {  	_ =	swait.ge [sflag:s25], $0x800  }
0x39a: {  	[sflag:s25] =	ssyncset.done $0x0  }
0x39b: {  	[sflag:s25] =	ssyncadd.s32 $0xFFFFF800  }
0x39c: {  	v29 =	vld [tilespmem:s6+$0xFFFFFFFD];
	_ =	sdelay $0x4  }
0x39d: {  	(v2sf) =	vpush v29, $0x0;
	_ =	sdelay $0xe  }
0x39e: {  	s29 =	spop (v2sf)  }
0x39f: {  	s11 =	sand.u32 $0x7F, s29  }
0x3a0: {  	s29 =	sadd.s32 $0xFFFFFFFE, s4;
	v29 =	vor.u32 s11, v0  }
0x3a1: {  	v30 =	vmov s29  }
0x3a2: {  	v31 =	vshll.u32 v30, $0x3  }
0x3a3: {  	v30 =	vand.u32 $0x7F, v30;
	v31 =	vand.u32 $0x3C00, v31  }
0x3a4: {  	v30 =	vor.u32 v30, v31  }
0x3a5: {  	v30 =	vadd.s32 v22, v30;
	v29 =	vld.idx.msk [tilespmem:v29+s18+$0x0], $0xffff;
	_ =	sdelay $0x4  }
0x3a6: {  	[tilespmem:v30+s22+$0x0] =	vst.idx.msk $0xffff, v29  }
0x3a7: {  	v29 =	vld [tilespmem:s6+$0x3];
	_ =	sdelay $0x4  }
0x3a8: {  	(v2sf) =	vpush v29, $0x0;
	_ =	sdelay $0xe  }
0x3a9: {  	s29 =	spop (v2sf)  }
0x3aa: {  	s11 =	sand.u32 $0xFFFFF80, s29  }
0x3ab: {  	s11 =	sadd.s32 s3, s11  }
0x3ac: {  	[tilespmem:s18], [sflag:$0x4] =	stream.strided.gather [hbm4b:s11+s12], $0x800, s14, s12, $0x38;
	[tilespmem:$0xB500] =	vst v63  }
0x3ad: {  	_ =	swait.ge [sflag:s26], $0x800  }
0x3ae: {  	[sflag:s26] =	ssyncset.done $0x0  }
0x3af: {  	[sflag:s26] =	ssyncadd.s32 $0xFFFFF800  }
0x3b0: {  	v29 =	vld [tilespmem:s6+$0xFFFFFFFE];
	_ =	sdelay $0x4  }
0x3b1: {  	(v2sf) =	vpush v29, $0x0;
	_ =	sdelay $0xe  }
0x3b2: {  	s29 =	spop (v2sf)  }
0x3b3: {  	s11 =	sand.u32 $0x7F, s29  }
0x3b4: {  	s29 =	sadd.s32 $0xFFFFFFFF, s4;
	v29 =	vor.u32 s11, v0  }
0x3b5: {  	v30 =	vmov s29  }
0x3b6: {  	v31 =	vshll.u32 v30, $0x3  }
0x3b7: {  	v30 =	vand.u32 $0x7E, v30;
	v31 =	vand.u32 $0x3C00, v31  }
0x3b8: {  	v30 =	vor.u32 v30, v31  }
0x3b9: {  	v30 =	vadd.s32 v22, v30;
	v29 =	vld.idx.msk [tilespmem:v29+s19+$0x0], $0xffff;
	_ =	sdelay $0x4  }
0x3ba: {  	[tilespmem:v30+s22+$0x0] =	vst.idx.msk $0xffff, v29  }
0x3bb: {  	v29 =	vld [tilespmem:s6+$0x4];
	_ =	sdelay $0x4  }
0x3bc: {  	(v2sf) =	vpush v29, $0x0;
	_ =	sdelay $0xe  }
0x3bd: {  	s29 =	spop (v2sf)  }
0x3be: {  	s11 =	sand.u32 $0xFFFFF80, s29  }
0x3bf: {  	s11 =	sadd.s32 s3, s11  }
0x3c0: {  	[tilespmem:s19], [sflag:$0x5] =	stream.strided.gather [hbm4b:s11+s12], $0x800, s14, s12, $0x38;
	[tilespmem:$0xB500] =	vst v63  }
0x3c1: {  	_ =	swait.ge [sflag:s28], $0x800  }
0x3c2: {  	[sflag:s28] =	ssyncset.done $0x0  }
0x3c3: {  	[sflag:s28] =	ssyncadd.s32 $0xFFFFF800  }
0x3c4: {  	v29 =	vld [tilespmem:s6+$0xFFFFFFFF];
	_ =	sdelay $0x4  }
0x3c5: {  	(v2sf) =	vpush v29, $0x0;
	_ =	sdelay $0xe  }
0x3c6: {  	s29 =	spop (v2sf)  }
0x3c7: {  	s11 =	sand.u32 $0x7F, s29  }
0x3c8: {  	v29 =	vor.u32 s11, v0  }
0x3c9: {  	v30 =	vmov s4  }
0x3ca: {  	v31 =	vshll.u32 v30, $0x3  }
0x3cb: {  	v30 =	vand.u32 $0x7F, v30;
	v31 =	vand.u32 $0x3C00, v31  }
0x3cc: {  	v30 =	vor.u32 v30, v31  }
0x3cd: {  	v30 =	vadd.s32 v22, v30;
	v29 =	vld.idx.msk [tilespmem:v29+s20+$0x0], $0xffff;
	_ =	sdelay $0x4  }
0x3ce: {  	[tilespmem:v30+s22+$0x0] =	vst.idx.msk $0xffff, v29  }
0x3cf: {  	v29 =	vld [tilespmem:s6+$0x5];
	_ =	sdelay $0x4  }
0x3d0: {  	(v2sf) =	vpush v29, $0x0;
	_ =	sdelay $0xc  }
0x3d1: {  	p0 =	sne.s32 s4, $0x1F7  }
.Ltmp3:
0x3d2: {  	_ = 	snop;
	(pc) =	sbr.rel @p0 .LBB2_8-.Ltmp3, $4  }
0x3d3: {  	s29 =	spop (v2sf)  }
0x3d4: {  	s11 =	sand.u32 $0xFFFFF80, s29  }
0x3d5: {  	s4 =	sadd.s32 $0x6, s4;
	s6 =	sadd.s32 $0x6, s6;
	s11 =	sadd.s32 s3, s11  }
0x3d6: {  	[tilespmem:s20], [sflag:$0x6] =	stream.strided.gather [hbm4b:s11+s12], $0x800, s14, s12, $0x38;
	[tilespmem:$0xB500] =	vst v63  }
0x3d7: {  	_ =	swait.ge [sflag:s21], $0x800  }
0x3d8: {  	[sflag:s21] =	ssyncset.done $0x0  }
0x3d9: {  	[sflag:s21] =	ssyncadd.s32 $0xFFFFF800  }
0x3da: {  	v29 =	vld [tilespmem:$0x47A];
	_ =	sdelay $0x4  }
0x3db: {  	(v2sf) =	vpush v29, $0x0;
	_ =	sdelay $0xe  }
0x3dc: {  	s4 =	spop (v2sf)  }
0x3dd: {  	s4 =	sand.u32 $0x7F, s4  }
0x3de: {  	v29 =	vor.u32 s4, v0;
	_ =	sdelay $0x4  }
0x3df: {  	v29 =	vld.idx.msk [tilespmem:v29+s15+$0x0], $0xffff;
	_ =	sdelay $0x4  }
0x3e0: {  	[tilespmem:v23+s22+$0x0] =	vst.idx.msk $0xffff, v29  }
0x3e1: {  	_ =	swait.ge [sflag:s23], $0x800  }
0x3e2: {  	[sflag:s23] =	ssyncset.done $0x0  }
0x3e3: {  	[sflag:s23] =	ssyncadd.s32 $0xFFFFF800  }
0x3e4: {  	v29 =	vld [tilespmem:$0x47B];
	_ =	sdelay $0x4  }
0x3e5: {  	(v2sf) =	vpush v29, $0x0;
	_ =	sdelay $0xe  }
0x3e6: {  	s6 =	spop (v2sf)  }
0x3e7: {  	s4 =	sand.u32 $0x7F, s6  }
0x3e8: {  	v29 =	vor.u32 s4, v0;
	_ =	sdelay $0x4  }
0x3e9: {  	v29 =	vld.idx.msk [tilespmem:v29+s16+$0x0], $0xffff;
	_ =	sdelay $0x4  }
0x3ea: {  	[tilespmem:v24+s22+$0x0] =	vst.idx.msk $0xffff, v29  }
0x3eb: {  	_ =	swait.ge [sflag:s24], $0x800  }
0x3ec: {  	[sflag:s24] =	ssyncset.done $0x0  }
0x3ed: {  	[sflag:s24] =	ssyncadd.s32 $0xFFFFF800  }
0x3ee: {  	v29 =	vld [tilespmem:$0x47C];
	_ =	sdelay $0x4  }
0x3ef: {  	(v2sf) =	vpush v29, $0x0;
	_ =	sdelay $0xe  }
0x3f0: {  	s11 =	spop (v2sf)  }
0x3f1: {  	s4 =	sand.u32 $0x7F, s11  }
0x3f2: {  	v29 =	vor.u32 s4, v0;
	_ =	sdelay $0x4  }
0x3f3: {  	v29 =	vld.idx.msk [tilespmem:v29+s17+$0x0], $0xffff;
	_ =	sdelay $0x4  }
0x3f4: {  	[tilespmem:v25+s22+$0x0] =	vst.idx.msk $0xffff, v29  }
0x3f5: {  	_ =	swait.ge [sflag:s25], $0x800  }
0x3f6: {  	[sflag:s25] =	ssyncset.done $0x0  }
0x3f7: {  	[sflag:s25] =	ssyncadd.s32 $0xFFFFF800  }
0x3f8: {  	v29 =	vld [tilespmem:$0x47D];
	_ =	sdelay $0x4  }
0x3f9: {  	(v2sf) =	vpush v29, $0x0;
	_ =	sdelay $0xe  }
0x3fa: {  	s29 =	spop (v2sf)  }
0x3fb: {  	s4 =	sand.u32 $0x7F, s29  }
0x3fc: {  	v29 =	vor.u32 s4, v0;
	_ =	sdelay $0x4  }
0x3fd: {  	v29 =	vld.idx.msk [tilespmem:v29+s18+$0x0], $0xffff;
	_ =	sdelay $0x4  }
0x3fe: {  	[tilespmem:v26+s22+$0x0] =	vst.idx.msk $0xffff, v29  }
0x3ff: {  	_ =	swait.ge [sflag:s26], $0x800  }
0x400: {  	[sflag:s26] =	ssyncset.done $0x0  }
0x401: {  	[sflag:s26] =	ssyncadd.s32 $0xFFFFF800  }
0x402: {  	v29 =	vld [tilespmem:$0x47E];
	_ =	sdelay $0x4  }
0x403: {  	(v2sf) =	vpush v29, $0x0;
	_ =	sdelay $0xe  }
0x404: {  	s6 =	spop (v2sf)  }
0x405: {  	s4 =	sand.u32 $0x7F, s6  }
0x406: {  	v29 =	vor.u32 s4, v0;
	_ =	sdelay $0x4  }
0x407: {  	v29 =	vld.idx.msk [tilespmem:v29+s19+$0x0], $0xffff;
	_ =	sdelay $0x4  }
0x408: {  	[tilespmem:v27+s22+$0x0] =	vst.idx.msk $0xffff, v29  }
0x409: {  	_ =	swait.ge [sflag:s28], $0x800  }
0x40a: {  	[sflag:s28] =	ssyncset.done $0x0  }
0x40b: {  	[sflag:s28] =	ssyncadd.s32 $0xFFFFF800  }
0x40c: {  	v29 =	vld [tilespmem:$0x47F];
	_ =	sdelay $0x4  }
0x40d: {  	(v2sf) =	vpush v29, $0x0;
	_ =	sdelay $0xe  }
0x40e: {  	s11 =	spop (v2sf)  }
0x40f: {  	s4 =	sand.u32 $0x7F, s11  }
0x410: {  	v29 =	vor.u32 s4, v0;
	_ =	sdelay $0x4  }
0x411: {  	v29 =	vld.idx.msk [tilespmem:v29+s20+$0x0], $0xffff;
	_ =	sdelay $0x2  }
0x412: {  	s31 =	sadd.s32 $0x1, s31  }
0x413: {  	p0 =	sne.s32 s31, s10  }
.Ltmp4:
0x414: {  	s29 =	simm.s32 $0x1000;
	[tilespmem:v28+s22+$0x0] =	vst.idx.msk $0xffff, v29;
	(pc) =	sbr.rel @p0 .LBB2_1-.Ltmp4, $4  }
0x415: {  	[hbm4b:s9+s29] =	stream.strided.scatter [tilespmem:s22], [sflag:$0x7], $0x8000, s30, s29, $0x38;
	[tilespmem:$0xB500] =	vst v63  }
0x416: {  	_ =	swait.ge [sflag:s13], $0x8000  }
0x417: {  	[sflag:s13] =	ssyncset.done $0x0  }
0x418: {  	[sflag:s13] =	ssyncadd.s32 $0xFFFF8000  }
0x419: {  	_ =	sfence.sel $0x180000  }
0x41a: {  	[bflag:$0x0] =	sbarrier.arrive $0xFFFF  }
0x41b: {  	_ =	strace $0x90000047  }
0x41c: {  	s0 =	stileid.u32;
	[bflag:$0x2] =	sbarrier.arrive $0xFFFF  }
0x41d: {  	p0 =	sne.s32 s0, $0x0;
	s0 =	rddreg [dreg:$0x7]  }
0x41e: {  	s0 =	sadd.s32 @!p0 $0x100000, s0  }
0x41f: {  	[sflag:s0] =	ssyncadd.tile.s32 @!p0 $0x1;
	_ =	shalt  }
.Lfunc_end2:
_tile_overlayer_lowered:
.L_overlay_start_2:
0x420: {  	(tag) =	ssettag $0x2  }
0x421: {  	s0 =	rddreg [dreg:$0x0];
	s2 =	stileid.u32  }
0x422: {  	s1 =	rddreg [dreg:$0x1];
	p0 =	sne.s32 s2, $0x0  }
0x423: {  	s3 =	rddreg [dreg:$0x2];
	[bflag:$0x3] =	sbarrier.arrive $0xFFFF;
	s2 =	simm.s32 @!p0 $0x1C07  }
0x424: {  	[timem:s3], [sflag:s2] =	dma.local @!p0 [hbm:s0], s1  }
0x425: {  	s0 =	simm.s32 @!p0 $0x7  }
0x426: {  	_ =	swait.ge @!p0 [sflag:s0], s1  }
0x427: {  	s1 =	ssub.s32 @!p0 $0x0, s1;
	[sflag:s0] =	ssyncset.done @!p0 $0x0  }
0x428: {  	[sflag:s0] =	ssyncadd.s32 @!p0 s1  }
0x429: {  	[bflag:$0x3] =	sbarrier.arrive $0xFFFF  }
0x42a: {  	_ =	shalt  }

</sc_bundles>
